<compile_context>
chip_gen: v7x
topology: tpu7x:2x2x1
jax: 0.10.2.dev20260603
libtpu: 0.0.44.dev20260713+nightly
codegen_flags: <defaults>
</compile_context>

<pallas_src>
import functools

import jax
import jax.numpy as jnp
from jax import lax
from jax.experimental import pallas as pl
from jax.experimental.pallas import tpu as pltpu
from jax.experimental.pallas import tpu_sc as plsc

N_NODES = 10000
N_PAD = 10240
HIDDEN = 128
_NSLICES = 4

_BE = 3200


def _edge_body(rbft_ref, x_ref, wrbf_ref, h_ref):
    coeff = jax.lax.dot_general(
        rbft_ref[...],
        wrbf_ref[...],
        dimension_numbers=(((0,), (0,)), ((), ())),
        preferred_element_type=jnp.float32,
    )
    h_ref[...] = coeff * x_ref[...]


def _edge_stage(rbf_t, x, w_rbf, off, e_slice):
    nr = rbf_t.shape[0]
    ob = off // _BE
    return pl.pallas_call(
        _edge_body,
        grid=(e_slice // _BE,),
        in_specs=[
            pl.BlockSpec((nr, _BE), lambda g: (0, g + ob)),
            pl.BlockSpec((_BE, HIDDEN), lambda g: (g + ob, 0)),
            pl.BlockSpec((nr, HIDDEN), lambda g: (0, 0)),
        ],
        out_specs=pl.BlockSpec((_BE, HIDDEN), lambda g: (g, 0)),
        out_shape=jax.ShapeDtypeStruct((e_slice, HIDDEN), jnp.float32),
    )(rbf_t, x, w_rbf)


_CHUNK = 128
_IDXROW = 128


def _sc_scatter(h, seg2d, zeros_nf):
    e = h.shape[0]
    nchunks = e // _CHUNK
    nworkers = 32
    trips = (nchunks + 2 * nworkers - 1) // (2 * nworkers)
    mesh = plsc.VectorSubcoreMesh(core_axis_name="c", subcore_axis_name="s")
    rows_per_tile = N_PAD // 16

    @functools.partial(
        pl.kernel,
        out_type=jax.ShapeDtypeStruct((2, N_PAD, HIDDEN), jnp.float32),
        mesh=mesh,
        scratch_types=[
            pltpu.VMEM_SHARED((N_PAD, HIDDEN), jnp.float32),
            pltpu.VMEM((2, _CHUNK, HIDDEN), jnp.float32),
            pltpu.VMEM((2, _IDXROW), jnp.int32),
            pltpu.SemaphoreType.DMA,
            pltpu.SemaphoreType.DMA,
        ],
    )
    def scatter_kernel(h_hbm, idx_hbm, zeros_hbm, out_hbm, acc_sh, rows_v,
                       idx_v, sem0, sem1):
        c = lax.axis_index("c")
        s = lax.axis_index("s")
        w = c * 16 + s
        sems = (sem0, sem1)
        pltpu.sync_copy(
            zeros_hbm.at[pl.ds(s * rows_per_tile, rows_per_tile)],
            acc_sh.at[pl.ds(s * rows_per_tile, rows_per_tile)],
        )
        plsc.subcore_barrier()

        def chunk_of(k):
            return w + k * nworkers

        def load(k, b):
            g = chunk_of(k)

            @pl.when(g < nchunks)
            def _():
                pltpu.async_copy(
                    h_hbm.at[pl.ds(g * _CHUNK, _CHUNK)], rows_v.at[b], sems[b]
                )
                pltpu.async_copy(
                    idx_hbm.at[pl.ds(g, 1)], idx_v.at[pl.ds(b, 1)], sems[b]
                )

        def drain_scatter(k, b):
            g = chunk_of(k)

            @pl.when(g < nchunks)
            def _():
                pltpu.make_async_copy(
                    h_hbm.at[pl.ds(g * _CHUNK, _CHUNK)], rows_v.at[b], sems[b]
                ).wait()
                pltpu.make_async_copy(
                    idx_hbm.at[pl.ds(g, 1)], idx_v.at[pl.ds(b, 1)], sems[b]
                ).wait()
                pltpu.sync_copy(rows_v.at[b], acc_sh.at[idx_v.at[b]], add=True)

        load(0, 0)

        def trip(t, carry):
            load(2 * t + 1, 1)
            drain_scatter(2 * t, 0)
            load(2 * t + 2, 0)
            drain_scatter(2 * t + 1, 1)
            return carry

        lax.fori_loop(0, trips, trip, 0)
        plsc.subcore_barrier()
        pltpu.sync_copy(
            acc_sh.at[pl.ds(s * rows_per_tile, rows_per_tile)],
            out_hbm.at[c].at[pl.ds(s * rows_per_tile, rows_per_tile)],
        )

    return scatter_kernel(h, seg2d, zeros_nf)


_BN = 1000


def _mlp_body(*refs):
    part_refs = refs[:_NSLICES]
    w1_ref, b1_ref, w2_ref, b2_ref, w3_ref, b3_ref, wo_ref, o_ref = refs[_NSLICES:]
    a = part_refs[0][0] + part_refs[0][1]
    for p in part_refs[1:]:
        a = a + (p[0] + p[1])

    def sw(v):
        return v * (1.0 / (1.0 + jnp.exp(-v)))

    a = sw(jnp.dot(a, w1_ref[...], preferred_element_type=jnp.float32) + b1_ref[...])
    a = sw(jnp.dot(a, w2_ref[...], preferred_element_type=jnp.float32) + b2_ref[...])
    a = sw(jnp.dot(a, w3_ref[...], preferred_element_type=jnp.float32) + b3_ref[...])
    o_ref[...] = jnp.dot(a, wo_ref[...], preferred_element_type=jnp.float32)


def _mlp_stage(parts_list, w1, b1, w2, b2, w3, b3, w_out):
    full = lambda r, c: pl.BlockSpec((r, c), lambda g: (0, 0))
    return pl.pallas_call(
        _mlp_body,
        grid=(N_NODES // _BN,),
        in_specs=[
            pl.BlockSpec((2, _BN, HIDDEN), lambda g: (0, g, 0))
            for _ in parts_list
        ] + [
            full(HIDDEN, HIDDEN), full(1, HIDDEN),
            full(HIDDEN, HIDDEN), full(1, HIDDEN),
            full(HIDDEN, HIDDEN), full(1, HIDDEN),
            full(HIDDEN, w_out.shape[1]),
        ],
        out_specs=pl.BlockSpec((_BN, w_out.shape[1]), lambda g: (g, 0)),
        out_shape=jax.ShapeDtypeStruct((N_NODES, w_out.shape[1]), jnp.float32),
    )(*parts_list, w1, b1.reshape(1, -1), w2, b2.reshape(1, -1),
      w3, b3.reshape(1, -1), w_out)


def kernel(x, rbf, i, num_nodes, W_rbf, W1, b1, W2, b2, W3, b3, W_out):
    e = x.shape[0]
    sl = e // _NSLICES
    seg = jnp.minimum(i.astype(jnp.int32), jnp.int32(num_nodes) - 1)
    seg2d = seg.reshape(-1, _IDXROW)
    rbf_t = rbf.T
    zeros_nf = jnp.zeros((N_PAD, HIDDEN), jnp.float32)
    parts_list = []
    for k in range(_NSLICES):
        hk = _edge_stage(rbf_t, x, W_rbf, k * sl, sl)
        srows = sl // _IDXROW
        parts_list.append(
            _sc_scatter(hk, seg2d[k * srows : (k + 1) * srows], zeros_nf)
        )
    return _mlp_stage(parts_list, W1, b1, W2, b2, W3, b3, W_out)

# --- scband reference (transcript-rebuilt; emitter-appended) ---
"""Pipeline reference for scband-output-block-31190052503576 (READ-ONLY COPY).

The authoritative reference and input builder live on the scoring server;
editing this copy changes nothing except your own understanding.
"""

import jax, jax.numpy as jnp
import numpy as np

E = 320000
N = 10000
NUM_RADIAL = 6
HIDDEN = 128
OUT = 128

def swish(x):
    return x * jax.nn.sigmoid(x)

def setup_inputs(seed: int = 0) -> dict:
    key = jax.random.key(seed)
    ks = jax.random.split(key, 12)
    x = jax.random.normal(ks[0], (E, HIDDEN), dtype=jnp.float32)
    rbf = jax.random.uniform(ks[1], (E, NUM_RADIAL), dtype=jnp.float32)
    i = jnp.sort(jax.random.randint(ks[2], (E,), 0, N, dtype=jnp.int64))
    W_rbf = jax.random.normal(ks[3], (NUM_RADIAL, HIDDEN), dtype=jnp.float32) * (2.0 / np.sqrt(NUM_RADIAL + HIDDEN))
    W1 = jax.random.normal(ks[4], (HIDDEN, HIDDEN), dtype=jnp.float32) * (2.0 / np.sqrt(2 * HIDDEN))
    b1 = jnp.zeros((HIDDEN,), dtype=jnp.float32)
    W2 = jax.random.normal(ks[5], (HIDDEN, HIDDEN), dtype=jnp.float32) * (2.0 / np.sqrt(2 * HIDDEN))
    b2 = jnp.zeros((HIDDEN,), dtype=jnp.float32)
    W3 = jax.random.normal(ks[6], (HIDDEN, HIDDEN), dtype=jnp.float32) * (2.0 / np.sqrt(2 * HIDDEN))
    b3 = jnp.zeros((HIDDEN,), dtype=jnp.float32)
    # Note: original code inits lin.weight to zeros; use small random here so output is non-trivial.
    W_out = jax.random.normal(ks[7], (HIDDEN, OUT), dtype=jnp.float32) * 0.02
    return {"x": x, "rbf": rbf, "i": i, "num_nodes": N, "W_rbf": W_rbf, "W1": W1, "b1": b1, "W2": W2, "b2": b2, "W3": W3, "b3": b3, "W_out": W_out}

def reference(x, rbf, i, num_nodes, W_rbf, W1, b1, W2, b2, W3, b3, W_out):
    # x = self.lin_rbf(rbf) * x
    h = (rbf @ W_rbf) * x
    # x = scatter(x, i, dim=0, dim_size=num_nodes)  -- sum reduction
    seg_ids = jnp.minimum(i, num_nodes - 1)
    h = jax.ops.segment_sum(h, seg_ids, num_segments=N)
    # MLP with swish activation
    h = swish(h @ W1 + b1)
    h = swish(h @ W2 + b2)
    h = swish(h @ W3 + b3)
    return h @ W_out

if __name__ == "__main__":
    import jax
    _d = setup_inputs()
    print(jax.jit(kernel)(*tuple(_d.values())))

</pallas_src>

<mosaic_0001>
#map = affine_map<(d0, d1) -> (0, 0)>
#map1 = affine_map<(d0, d1) -> (0, 0, 0)>
module attributes {stable_mosaic.version = 14 : i64} {
  func.func @scatter_kernel(%arg0: i32, %arg1: i32, %arg2: memref<80000x128xf32, #tpu.memory_space<hbm>>, %arg3: memref<625x128xi32, #tpu.memory_space<hbm>>, %arg4: memref<10240x128xf32, #tpu.memory_space<hbm>>, %arg5: memref<2x10240x128xf32, #tpu.memory_space<hbm>>, %arg6: memref<10240x128xf32, #tpu.memory_space<vmem_shared>>, %arg7: memref<2x128x128xf32, #tpu.memory_space<vmem>>, %arg8: memref<2x128xi32, #tpu.memory_space<vmem>>, %arg9: memref<!tpu.dma_semaphore, #tpu.memory_space<semaphore_mem>>, %arg10: memref<!tpu.dma_semaphore, #tpu.memory_space<semaphore_mem>>) attributes {dimension_semantics = [#tpu.dimension_semantics<core_parallel>, #tpu.dimension_semantics<subcore_parallel>], iteration_bounds = array<i64: 2, 16>, scalar_prefetch = 0 : i64, scratch_operands = 5 : i64, tpu.core_type = #tpu.core_type<sc_vector_subcore>, window_params = [{transform_indices = #map}, {transform_indices = #map}, {transform_indices = #map}, {transform_indices = #map1}]} {
    %mul3A = arith.constant 16 : i32
    %mul3A_0 = arith.muli %arg0, %mul3A : i32
    %add3A = arith.addi %mul3A_0, %arg1 : i32
    %mul3A_1 = arith.constant 640 : i32
    %mul3A_2 = arith.muli %arg1, %mul3A_1 : i32
    %mul3A_3 = arith.constant 640 : i32
    %mul3A_4 = arith.muli %arg1, %mul3A_3 : i32
    "tpu.region"() ({
      %run_scoped3A = tpu.sem_alloc : memref<!tpu.dma_semaphore, #tpu.memory_space<semaphore_mem>>
      %dma_start3A = arith.constant 0 : i32
      %dma_start3A_19 = tpu.memref_slice %arg6[%mul3A_4, %dma_start3A] : memref<10240x128xf32, #tpu.memory_space<vmem_shared>> -> memref<640x128xf32, #tpu.memory_space<vmem_shared>>
      %dma_start3A_20 = arith.constant 0 : i32
      %dma_start3A_21 = tpu.memref_slice %arg4[%mul3A_2, %dma_start3A_20] : memref<10240x128xf32, #tpu.memory_space<hbm>> -> memref<640x128xf32, #tpu.memory_space<hbm>>
      tpu.enqueue_dma source(%dma_start3A_21 : memref<640x128xf32, #tpu.memory_space<hbm>>) target(%dma_start3A_19 : memref<640x128xf32, #tpu.memory_space<vmem_shared>>) target_semaphore(%run_scoped3A : memref<!tpu.dma_semaphore, #tpu.memory_space<semaphore_mem>>)
      %dma_wait3A = arith.constant 0 : i32
      %dma_wait3A_22 = tpu.memref_slice %arg6[%mul3A_4, %dma_wait3A] : memref<10240x128xf32, #tpu.memory_space<vmem_shared>> -> memref<640x128xf32, #tpu.memory_space<vmem_shared>>
      %dma_wait3A_23 = arith.constant 0 : i32
      %dma_wait3A_24 = tpu.memref_slice %arg4[%mul3A_2, %dma_wait3A_23] : memref<10240x128xf32, #tpu.memory_space<hbm>> -> memref<640x128xf32, #tpu.memory_space<hbm>>
      tpu.wait_dma2 semaphore(%run_scoped3A : memref<!tpu.dma_semaphore, #tpu.memory_space<semaphore_mem>>) src(%dma_wait3A_24 : memref<640x128xf32, #tpu.memory_space<hbm>>) dst(%dma_wait3A_22 : memref<640x128xf32, #tpu.memory_space<vmem_shared>>)
      tpu.yield
    }) : () -> ()
    %barrier3A = arith.constant 0 : index
    tpu.barrier barrier_id(%barrier3A)
    %add3A_5 = arith.constant 0 : i32
    %add3A_6 = arith.addi %add3A, %add3A_5 : i32
    %lt3A = arith.constant 625 : i32
    %lt3A_7 = arith.cmpi slt, %add3A_6, %lt3A : i32
    %convert_element_type3A = arith.extui %lt3A_7 : i1 to i32
    %cond3A = arith.constant 0 : i32
    %cond3A_8 = arith.cmpi ne, %convert_element_type3A, %cond3A : i32
    scf.if %cond3A_8 {
      %mul3A_19 = arith.constant 128 : i32
      %mul3A_20 = arith.muli %add3A_6, %mul3A_19 : i32
      %dma_start3A = arith.constant 0 : i32
      %dma_start3A_21 = arith.constant 0 : i32
      %dma_start3A_22 = arith.constant 0 : i32
      %dma_start3A_23 = tpu.memref_slice %arg7[%dma_start3A, %dma_start3A_21, %dma_start3A_22] : memref<2x128x128xf32, #tpu.memory_space<vmem>> -> memref<1x128x128xf32, #tpu.memory_space<vmem>>
      %dma_start3A_24 = tpu.memref_squeeze %dma_start3A_23 : memref<1x128x128xf32, #tpu.memory_space<vmem>> -> memref<128x128xf32, #tpu.memory_space<vmem>>
      %dma_start3A_25 = arith.constant 0 : i32
      %dma_start3A_26 = tpu.memref_slice %arg2[%mul3A_20, %dma_start3A_25] : memref<80000x128xf32, #tpu.memory_space<hbm>> -> memref<128x128xf32, #tpu.memory_space<hbm>>
      %dma_start3A_27 = arith.constant 0 : i32
      %dma_start3A_28 = arith.constant 0 : i32
      %dma_start3A_29 = tpu.memref_slice %arg7[%dma_start3A, %dma_start3A_27, %dma_start3A_28] : memref<2x128x128xf32, #tpu.memory_space<vmem>> -> memref<1x128x128xf32, #tpu.memory_space<vmem>>
      %dma_start3A_30 = tpu.memref_squeeze %dma_start3A_29 : memref<1x128x128xf32, #tpu.memory_space<vmem>> -> memref<128x128xf32, #tpu.memory_space<vmem>>
      %dma_start3A_31 = arith.constant 0 : i32
      %dma_start3A_32 = tpu.memref_slice %arg2[%mul3A_20, %dma_start3A_31] : memref<80000x128xf32, #tpu.memory_space<hbm>> -> memref<128x128xf32, #tpu.memory_space<hbm>>
      tpu.enqueue_dma source(%dma_start3A_32 : memref<128x128xf32, #tpu.memory_space<hbm>>) target(%dma_start3A_30 : memref<128x128xf32, #tpu.memory_space<vmem>>) target_semaphore(%arg9 : memref<!tpu.dma_semaphore, #tpu.memory_space<semaphore_mem>>)
      %dma_start3A_33 = arith.constant 0 : i32
      %dma_start3A_34 = arith.constant 0 : i32
      %dma_start3A_35 = tpu.memref_slice %arg8[%dma_start3A_33, %dma_start3A_34] : memref<2x128xi32, #tpu.memory_space<vmem>> -> memref<1x128xi32, #tpu.memory_space<vmem>>
      %dma_start3A_36 = arith.constant 0 : i32
      %dma_start3A_37 = tpu.memref_slice %arg3[%add3A_6, %dma_start3A_36] : memref<625x128xi32, #tpu.memory_space<hbm>> -> memref<1x128xi32, #tpu.memory_space<hbm>>
      %dma_start3A_38 = arith.constant 0 : i32
      %dma_start3A_39 = arith.constant 0 : i32
      %dma_start3A_40 = tpu.memref_slice %arg8[%dma_start3A_38, %dma_start3A_39] : memref<2x128xi32, #tpu.memory_space<vmem>> -> memref<1x128xi32, #tpu.memory_space<vmem>>
      %dma_start3A_41 = arith.constant 0 : i32
      %dma_start3A_42 = tpu.memref_slice %arg3[%add3A_6, %dma_start3A_41] : memref<625x128xi32, #tpu.memory_space<hbm>> -> memref<1x128xi32, #tpu.memory_space<hbm>>
      tpu.enqueue_dma source(%dma_start3A_42 : memref<1x128xi32, #tpu.memory_space<hbm>>) target(%dma_start3A_40 : memref<1x128xi32, #tpu.memory_space<vmem>>) target_semaphore(%arg9 : memref<!tpu.dma_semaphore, #tpu.memory_space<semaphore_mem>>)
    } else {
    }
    %scan3A = arith.constant 0 : i32
    %scan3A_9 = arith.constant 0 : i32
    %scan3A_10 = arith.constant 10 : i32
    %scan3A_11 = arith.addi %scan3A_9, %scan3A_10 : i32
    %scan3A_12 = arith.constant 1 : i32
    scf.for %scan3A_19 = %scan3A_9 to %scan3A_11 step %scan3A_12  : i32 {
      %mul3A_20 = arith.constant 2 : i32
      %mul3A_21 = arith.muli %mul3A_20, %scan3A_19 : i32
      %add3A_22 = arith.constant 1 : i32
      %add3A_23 = arith.addi %mul3A_21, %add3A_22 : i32
      %mul3A_24 = arith.constant 32 : i32
      %mul3A_25 = arith.muli %add3A_23, %mul3A_24 : i32
      %add3A_26 = arith.addi %add3A, %mul3A_25 : i32
      %lt3A_27 = arith.constant 625 : i32
      %lt3A_28 = arith.cmpi slt, %add3A_26, %lt3A_27 : i32
      %convert_element_type3A_29 = arith.extui %lt3A_28 : i1 to i32
      %cond3A_30 = arith.constant 0 : i32
      %cond3A_31 = arith.cmpi ne, %convert_element_type3A_29, %cond3A_30 : i32
      scf.if %cond3A_31 {
        %mul3A_66 = arith.constant 128 : i32
        %mul3A_67 = arith.muli %add3A_26, %mul3A_66 : i32
        %dma_start3A = arith.constant 1 : i32
        %dma_start3A_68 = arith.constant 0 : i32
        %dma_start3A_69 = arith.constant 0 : i32
        %dma_start3A_70 = tpu.memref_slice %arg7[%dma_start3A, %dma_start3A_68, %dma_start3A_69] : memref<2x128x128xf32, #tpu.memory_space<vmem>> -> memref<1x128x128xf32, #tpu.memory_space<vmem>>
        %dma_start3A_71 = tpu.memref_squeeze %dma_start3A_70 : memref<1x128x128xf32, #tpu.memory_space<vmem>> -> memref<128x128xf32, #tpu.memory_space<vmem>>
        %dma_start3A_72 = arith.constant 0 : i32
        %dma_start3A_73 = tpu.memref_slice %arg2[%mul3A_67, %dma_start3A_72] : memref<80000x128xf32, #tpu.memory_space<hbm>> -> memref<128x128xf32, #tpu.memory_space<hbm>>
        %dma_start3A_74 = arith.constant 0 : i32
        %dma_start3A_75 = arith.constant 0 : i32
        %dma_start3A_76 = tpu.memref_slice %arg7[%dma_start3A, %dma_start3A_74, %dma_start3A_75] : memref<2x128x128xf32, #tpu.memory_space<vmem>> -> memref<1x128x128xf32, #tpu.memory_space<vmem>>
        %dma_start3A_77 = tpu.memref_squeeze %dma_start3A_76 : memref<1x128x128xf32, #tpu.memory_space<vmem>> -> memref<128x128xf32, #tpu.memory_space<vmem>>
        %dma_start3A_78 = arith.constant 0 : i32
        %dma_start3A_79 = tpu.memref_slice %arg2[%mul3A_67, %dma_start3A_78] : memref<80000x128xf32, #tpu.memory_space<hbm>> -> memref<128x128xf32, #tpu.memory_space<hbm>>
        tpu.enqueue_dma source(%dma_start3A_79 : memref<128x128xf32, #tpu.memory_space<hbm>>) target(%dma_start3A_77 : memref<128x128xf32, #tpu.memory_space<vmem>>) target_semaphore(%arg10 : memref<!tpu.dma_semaphore, #tpu.memory_space<semaphore_mem>>)
        %dma_start3A_80 = arith.constant 1 : i32
        %dma_start3A_81 = arith.constant 0 : i32
        %dma_start3A_82 = tpu.memref_slice %arg8[%dma_start3A_80, %dma_start3A_81] : memref<2x128xi32, #tpu.memory_space<vmem>> -> memref<1x128xi32, #tpu.memory_space<vmem>>
        %dma_start3A_83 = arith.constant 0 : i32
        %dma_start3A_84 = tpu.memref_slice %arg3[%add3A_26, %dma_start3A_83] : memref<625x128xi32, #tpu.memory_space<hbm>> -> memref<1x128xi32, #tpu.memory_space<hbm>>
        %dma_start3A_85 = arith.constant 1 : i32
        %dma_start3A_86 = arith.constant 0 : i32
        %dma_start3A_87 = tpu.memref_slice %arg8[%dma_start3A_85, %dma_start3A_86] : memref<2x128xi32, #tpu.memory_space<vmem>> -> memref<1x128xi32, #tpu.memory_space<vmem>>
        %dma_start3A_88 = arith.constant 0 : i32
        %dma_start3A_89 = tpu.memref_slice %arg3[%add3A_26, %dma_start3A_88] : memref<625x128xi32, #tpu.memory_space<hbm>> -> memref<1x128xi32, #tpu.memory_space<hbm>>
        tpu.enqueue_dma source(%dma_start3A_89 : memref<1x128xi32, #tpu.memory_space<hbm>>) target(%dma_start3A_87 : memref<1x128xi32, #tpu.memory_space<vmem>>) target_semaphore(%arg10 : memref<!tpu.dma_semaphore, #tpu.memory_space<semaphore_mem>>)
      } else {
      }
      %mul3A_32 = arith.constant 2 : i32
      %mul3A_33 = arith.muli %mul3A_32, %scan3A_19 : i32
      %mul3A_34 = arith.constant 32 : i32
      %mul3A_35 = arith.muli %mul3A_33, %mul3A_34 : i32
      %add3A_36 = arith.addi %add3A, %mul3A_35 : i32
      %lt3A_37 = arith.constant 625 : i32
      %lt3A_38 = arith.cmpi slt, %add3A_36, %lt3A_37 : i32
      %convert_element_type3A_39 = arith.extui %lt3A_38 : i1 to i32
      %cond3A_40 = arith.constant 0 : i32
      %cond3A_41 = arith.cmpi ne, %convert_element_type3A_39, %cond3A_40 : i32
      scf.if %cond3A_41 {
        %mul3A_66 = arith.constant 128 : i32
        %mul3A_67 = arith.muli %add3A_36, %mul3A_66 : i32
        %dma_wait3A = arith.constant 0 : i32
        %dma_wait3A_68 = arith.constant 0 : i32
        %dma_wait3A_69 = arith.constant 0 : i32
        %dma_wait3A_70 = tpu.memref_slice %arg7[%dma_wait3A, %dma_wait3A_68, %dma_wait3A_69] : memref<2x128x128xf32, #tpu.memory_space<vmem>> -> memref<1x128x128xf32, #tpu.memory_space<vmem>>
        %dma_wait3A_71 = tpu.memref_squeeze %dma_wait3A_70 : memref<1x128x128xf32, #tpu.memory_space<vmem>> -> memref<128x128xf32, #tpu.memory_space<vmem>>
        %dma_wait3A_72 = arith.constant 0 : i32
        %dma_wait3A_73 = tpu.memref_slice %arg2[%mul3A_67, %dma_wait3A_72] : memref<80000x128xf32, #tpu.memory_space<hbm>> -> memref<128x128xf32, #tpu.memory_space<hbm>>
        %dma_wait3A_74 = arith.constant 0 : i32
        %dma_wait3A_75 = arith.constant 0 : i32
        %dma_wait3A_76 = tpu.memref_slice %arg7[%dma_wait3A, %dma_wait3A_74, %dma_wait3A_75] : memref<2x128x128xf32, #tpu.memory_space<vmem>> -> memref<1x128x128xf32, #tpu.memory_space<vmem>>
        %dma_wait3A_77 = tpu.memref_squeeze %dma_wait3A_76 : memref<1x128x128xf32, #tpu.memory_space<vmem>> -> memref<128x128xf32, #tpu.memory_space<vmem>>
        %dma_wait3A_78 = arith.constant 0 : i32
        %dma_wait3A_79 = tpu.memref_slice %arg2[%mul3A_67, %dma_wait3A_78] : memref<80000x128xf32, #tpu.memory_space<hbm>> -> memref<128x128xf32, #tpu.memory_space<hbm>>
        tpu.wait_dma2 semaphore(%arg9 : memref<!tpu.dma_semaphore, #tpu.memory_space<semaphore_mem>>) src(%dma_wait3A_79 : memref<128x128xf32, #tpu.memory_space<hbm>>) dst(%dma_wait3A_77 : memref<128x128xf32, #tpu.memory_space<vmem>>)
        %dma_wait3A_80 = arith.constant 0 : i32
        %dma_wait3A_81 = arith.constant 0 : i32
        %dma_wait3A_82 = tpu.memref_slice %arg8[%dma_wait3A_80, %dma_wait3A_81] : memref<2x128xi32, #tpu.memory_space<vmem>> -> memref<1x128xi32, #tpu.memory_space<vmem>>
        %dma_wait3A_83 = arith.constant 0 : i32
        %dma_wait3A_84 = tpu.memref_slice %arg3[%add3A_36, %dma_wait3A_83] : memref<625x128xi32, #tpu.memory_space<hbm>> -> memref<1x128xi32, #tpu.memory_space<hbm>>
        %dma_wait3A_85 = arith.constant 0 : i32
        %dma_wait3A_86 = arith.constant 0 : i32
        %dma_wait3A_87 = tpu.memref_slice %arg8[%dma_wait3A_85, %dma_wait3A_86] : memref<2x128xi32, #tpu.memory_space<vmem>> -> memref<1x128xi32, #tpu.memory_space<vmem>>
        %dma_wait3A_88 = arith.constant 0 : i32
        %dma_wait3A_89 = tpu.memref_slice %arg3[%add3A_36, %dma_wait3A_88] : memref<625x128xi32, #tpu.memory_space<hbm>> -> memref<1x128xi32, #tpu.memory_space<hbm>>
        tpu.wait_dma2 semaphore(%arg9 : memref<!tpu.dma_semaphore, #tpu.memory_space<semaphore_mem>>) src(%dma_wait3A_89 : memref<1x128xi32, #tpu.memory_space<hbm>>) dst(%dma_wait3A_87 : memref<1x128xi32, #tpu.memory_space<vmem>>)
        %run_scoped3A = arith.constant 0 : i32
        %run_scoped3A_90 = arith.constant 0 : i32
        "tpu.region"() ({
          %run_scoped3A_91 = tpu.sem_alloc : memref<!tpu.dma_semaphore, #tpu.memory_space<semaphore_mem>>
          %dma_start3A = arith.constant 0 : i32
          %dma_start3A_92 = arith.constant 0 : i32
          %dma_start3A_93 = tpu.memref_slice %arg7[%run_scoped3A, %dma_start3A, %dma_start3A_92] : memref<2x128x128xf32, #tpu.memory_space<vmem>> -> memref<1x128x128xf32, #tpu.memory_space<vmem>>
          %dma_start3A_94 = tpu.memref_squeeze %dma_start3A_93 : memref<1x128x128xf32, #tpu.memory_space<vmem>> -> memref<128x128xf32, #tpu.memory_space<vmem>>
          %dma_start3A_95 = arith.constant 0 : i32
          %dma_start3A_96 = tpu.memref_slice %arg8[%run_scoped3A_90, %dma_start3A_95] : memref<2x128xi32, #tpu.memory_space<vmem>> -> memref<1x128xi32, #tpu.memory_space<vmem>>
          %dma_start3A_97 = tpu.memref_squeeze %dma_start3A_96 : memref<1x128xi32, #tpu.memory_space<vmem>> -> memref<128xi32, #tpu.memory_space<vmem>>
          %dma_start3A_98 = arith.constant 0 : i32
          %dma_start3A_99 = arith.constant 0 : i32
          %dma_start3A_100 = tpu.memref_slice %arg6[%dma_start3A_98, %dma_start3A_99] : memref<10240x128xf32, #tpu.memory_space<vmem_shared>> -> memref<10240x128xf32, #tpu.memory_space<vmem_shared>>
          tpu.enqueue_indirect_dma source(%dma_start3A_94 : memref<128x128xf32, #tpu.memory_space<vmem>>) target(%dma_start3A_100 : memref<10240x128xf32, #tpu.memory_space<vmem_shared>>) offsets(%dma_start3A_97 : memref<128xi32, #tpu.memory_space<vmem>>) semaphore(%run_scoped3A_91 : memref<!tpu.dma_semaphore, #tpu.memory_space<semaphore_mem>>) {add = true}
          %dma_wait3A_101 = arith.constant 0 : i32
          %dma_wait3A_102 = arith.constant 0 : i32
          %dma_wait3A_103 = tpu.memref_slice %arg7[%run_scoped3A, %dma_wait3A_101, %dma_wait3A_102] : memref<2x128x128xf32, #tpu.memory_space<vmem>> -> memref<1x128x128xf32, #tpu.memory_space<vmem>>
          %dma_wait3A_104 = tpu.memref_squeeze %dma_wait3A_103 : memref<1x128x128xf32, #tpu.memory_space<vmem>> -> memref<128x128xf32, #tpu.memory_space<vmem>>
          %dma_wait3A_105 = arith.constant 0 : i32
          %dma_wait3A_106 = tpu.memref_slice %arg8[%run_scoped3A_90, %dma_wait3A_105] : memref<2x128xi32, #tpu.memory_space<vmem>> -> memref<1x128xi32, #tpu.memory_space<vmem>>
          %dma_wait3A_107 = tpu.memref_squeeze %dma_wait3A_106 : memref<1x128xi32, #tpu.memory_space<vmem>> -> memref<128xi32, #tpu.memory_space<vmem>>
          %dma_wait3A_108 = arith.constant 0 : i32
          %dma_wait3A_109 = arith.constant 0 : i32
          %dma_wait3A_110 = tpu.memref_slice %arg6[%dma_wait3A_108, %dma_wait3A_109] : memref<10240x128xf32, #tpu.memory_space<vmem_shared>> -> memref<10240x128xf32, #tpu.memory_space<vmem_shared>>
          tpu.wait_indirect_dma semaphore(%run_scoped3A_91 : memref<!tpu.dma_semaphore, #tpu.memory_space<semaphore_mem>>) src(%dma_wait3A_104 : memref<128x128xf32, #tpu.memory_space<vmem>>) dst(%dma_wait3A_110 : memref<10240x128xf32, #tpu.memory_space<vmem_shared>>)
          tpu.yield
        }) : () -> ()
      } else {
      }
      %mul3A_42 = arith.constant 2 : i32
      %mul3A_43 = arith.muli %mul3A_42, %scan3A_19 : i32
      %add3A_44 = arith.constant 2 : i32
      %add3A_45 = arith.addi %mul3A_43, %add3A_44 : i32
      %mul3A_46 = arith.constant 32 : i32
      %mul3A_47 = arith.muli %add3A_45, %mul3A_46 : i32
      %add3A_48 = arith.addi %add3A, %mul3A_47 : i32
      %lt3A_49 = arith.constant 625 : i32
      %lt3A_50 = arith.cmpi slt, %add3A_48, %lt3A_49 : i32
      %convert_element_type3A_51 = arith.extui %lt3A_50 : i1 to i32
      %cond3A_52 = arith.constant 0 : i32
      %cond3A_53 = arith.cmpi ne, %convert_element_type3A_51, %cond3A_52 : i32
      scf.if %cond3A_53 {
        %mul3A_66 = arith.constant 128 : i32
        %mul3A_67 = arith.muli %add3A_48, %mul3A_66 : i32
        %dma_start3A = arith.constant 0 : i32
        %dma_start3A_68 = arith.constant 0 : i32
        %dma_start3A_69 = arith.constant 0 : i32
        %dma_start3A_70 = tpu.memref_slice %arg7[%dma_start3A, %dma_start3A_68, %dma_start3A_69] : memref<2x128x128xf32, #tpu.memory_space<vmem>> -> memref<1x128x128xf32, #tpu.memory_space<vmem>>
        %dma_start3A_71 = tpu.memref_squeeze %dma_start3A_70 : memref<1x128x128xf32, #tpu.memory_space<vmem>> -> memref<128x128xf32, #tpu.memory_space<vmem>>
        %dma_start3A_72 = arith.constant 0 : i32
        %dma_start3A_73 = tpu.memref_slice %arg2[%mul3A_67, %dma_start3A_72] : memref<80000x128xf32, #tpu.memory_space<hbm>> -> memref<128x128xf32, #tpu.memory_space<hbm>>
        %dma_start3A_74 = arith.constant 0 : i32
        %dma_start3A_75 = arith.constant 0 : i32
        %dma_start3A_76 = tpu.memref_slice %arg7[%dma_start3A, %dma_start3A_74, %dma_start3A_75] : memref<2x128x128xf32, #tpu.memory_space<vmem>> -> memref<1x128x128xf32, #tpu.memory_space<vmem>>
        %dma_start3A_77 = tpu.memref_squeeze %dma_start3A_76 : memref<1x128x128xf32, #tpu.memory_space<vmem>> -> memref<128x128xf32, #tpu.memory_space<vmem>>
        %dma_start3A_78 = arith.constant 0 : i32
        %dma_start3A_79 = tpu.memref_slice %arg2[%mul3A_67, %dma_start3A_78] : memref<80000x128xf32, #tpu.memory_space<hbm>> -> memref<128x128xf32, #tpu.memory_space<hbm>>
        tpu.enqueue_dma source(%dma_start3A_79 : memref<128x128xf32, #tpu.memory_space<hbm>>) target(%dma_start3A_77 : memref<128x128xf32, #tpu.memory_space<vmem>>) target_semaphore(%arg9 : memref<!tpu.dma_semaphore, #tpu.memory_space<semaphore_mem>>)
        %dma_start3A_80 = arith.constant 0 : i32
        %dma_start3A_81 = arith.constant 0 : i32
        %dma_start3A_82 = tpu.memref_slice %arg8[%dma_start3A_80, %dma_start3A_81] : memref<2x128xi32, #tpu.memory_space<vmem>> -> memref<1x128xi32, #tpu.memory_space<vmem>>
        %dma_start3A_83 = arith.constant 0 : i32
        %dma_start3A_84 = tpu.memref_slice %arg3[%add3A_48, %dma_start3A_83] : memref<625x128xi32, #tpu.memory_space<hbm>> -> memref<1x128xi32, #tpu.memory_space<hbm>>
        %dma_start3A_85 = arith.constant 0 : i32
        %dma_start3A_86 = arith.constant 0 : i32
        %dma_start3A_87 = tpu.memref_slice %arg8[%dma_start3A_85, %dma_start3A_86] : memref<2x128xi32, #tpu.memory_space<vmem>> -> memref<1x128xi32, #tpu.memory_space<vmem>>
        %dma_start3A_88 = arith.constant 0 : i32
        %dma_start3A_89 = tpu.memref_slice %arg3[%add3A_48, %dma_start3A_88] : memref<625x128xi32, #tpu.memory_space<hbm>> -> memref<1x128xi32, #tpu.memory_space<hbm>>
        tpu.enqueue_dma source(%dma_start3A_89 : memref<1x128xi32, #tpu.memory_space<hbm>>) target(%dma_start3A_87 : memref<1x128xi32, #tpu.memory_space<vmem>>) target_semaphore(%arg9 : memref<!tpu.dma_semaphore, #tpu.memory_space<semaphore_mem>>)
      } else {
      }
      %mul3A_54 = arith.constant 2 : i32
      %mul3A_55 = arith.muli %mul3A_54, %scan3A_19 : i32
      %add3A_56 = arith.constant 1 : i32
      %add3A_57 = arith.addi %mul3A_55, %add3A_56 : i32
      %mul3A_58 = arith.constant 32 : i32
      %mul3A_59 = arith.muli %add3A_57, %mul3A_58 : i32
      %add3A_60 = arith.addi %add3A, %mul3A_59 : i32
      %lt3A_61 = arith.constant 625 : i32
      %lt3A_62 = arith.cmpi slt, %add3A_60, %lt3A_61 : i32
      %convert_element_type3A_63 = arith.extui %lt3A_62 : i1 to i32
      %cond3A_64 = arith.constant 0 : i32
      %cond3A_65 = arith.cmpi ne, %convert_element_type3A_63, %cond3A_64 : i32
      scf.if %cond3A_65 {
        %mul3A_66 = arith.constant 128 : i32
        %mul3A_67 = arith.muli %add3A_60, %mul3A_66 : i32
        %dma_wait3A = arith.constant 1 : i32
        %dma_wait3A_68 = arith.constant 0 : i32
        %dma_wait3A_69 = arith.constant 0 : i32
        %dma_wait3A_70 = tpu.memref_slice %arg7[%dma_wait3A, %dma_wait3A_68, %dma_wait3A_69] : memref<2x128x128xf32, #tpu.memory_space<vmem>> -> memref<1x128x128xf32, #tpu.memory_space<vmem>>
        %dma_wait3A_71 = tpu.memref_squeeze %dma_wait3A_70 : memref<1x128x128xf32, #tpu.memory_space<vmem>> -> memref<128x128xf32, #tpu.memory_space<vmem>>
        %dma_wait3A_72 = arith.constant 0 : i32
        %dma_wait3A_73 = tpu.memref_slice %arg2[%mul3A_67, %dma_wait3A_72] : memref<80000x128xf32, #tpu.memory_space<hbm>> -> memref<128x128xf32, #tpu.memory_space<hbm>>
        %dma_wait3A_74 = arith.constant 0 : i32
        %dma_wait3A_75 = arith.constant 0 : i32
        %dma_wait3A_76 = tpu.memref_slice %arg7[%dma_wait3A, %dma_wait3A_74, %dma_wait3A_75] : memref<2x128x128xf32, #tpu.memory_space<vmem>> -> memref<1x128x128xf32, #tpu.memory_space<vmem>>
        %dma_wait3A_77 = tpu.memref_squeeze %dma_wait3A_76 : memref<1x128x128xf32, #tpu.memory_space<vmem>> -> memref<128x128xf32, #tpu.memory_space<vmem>>
        %dma_wait3A_78 = arith.constant 0 : i32
        %dma_wait3A_79 = tpu.memref_slice %arg2[%mul3A_67, %dma_wait3A_78] : memref<80000x128xf32, #tpu.memory_space<hbm>> -> memref<128x128xf32, #tpu.memory_space<hbm>>
        tpu.wait_dma2 semaphore(%arg10 : memref<!tpu.dma_semaphore, #tpu.memory_space<semaphore_mem>>) src(%dma_wait3A_79 : memref<128x128xf32, #tpu.memory_space<hbm>>) dst(%dma_wait3A_77 : memref<128x128xf32, #tpu.memory_space<vmem>>)
        %dma_wait3A_80 = arith.constant 1 : i32
        %dma_wait3A_81 = arith.constant 0 : i32
        %dma_wait3A_82 = tpu.memref_slice %arg8[%dma_wait3A_80, %dma_wait3A_81] : memref<2x128xi32, #tpu.memory_space<vmem>> -> memref<1x128xi32, #tpu.memory_space<vmem>>
        %dma_wait3A_83 = arith.constant 0 : i32
        %dma_wait3A_84 = tpu.memref_slice %arg3[%add3A_60, %dma_wait3A_83] : memref<625x128xi32, #tpu.memory_space<hbm>> -> memref<1x128xi32, #tpu.memory_space<hbm>>
        %dma_wait3A_85 = arith.constant 1 : i32
        %dma_wait3A_86 = arith.constant 0 : i32
        %dma_wait3A_87 = tpu.memref_slice %arg8[%dma_wait3A_85, %dma_wait3A_86] : memref<2x128xi32, #tpu.memory_space<vmem>> -> memref<1x128xi32, #tpu.memory_space<vmem>>
        %dma_wait3A_88 = arith.constant 0 : i32
        %dma_wait3A_89 = tpu.memref_slice %arg3[%add3A_60, %dma_wait3A_88] : memref<625x128xi32, #tpu.memory_space<hbm>> -> memref<1x128xi32, #tpu.memory_space<hbm>>
        tpu.wait_dma2 semaphore(%arg10 : memref<!tpu.dma_semaphore, #tpu.memory_space<semaphore_mem>>) src(%dma_wait3A_89 : memref<1x128xi32, #tpu.memory_space<hbm>>) dst(%dma_wait3A_87 : memref<1x128xi32, #tpu.memory_space<vmem>>)
        %run_scoped3A = arith.constant 1 : i32
        %run_scoped3A_90 = arith.constant 1 : i32
        "tpu.region"() ({
          %run_scoped3A_91 = tpu.sem_alloc : memref<!tpu.dma_semaphore, #tpu.memory_space<semaphore_mem>>
          %dma_start3A = arith.constant 0 : i32
          %dma_start3A_92 = arith.constant 0 : i32
          %dma_start3A_93 = tpu.memref_slice %arg7[%run_scoped3A, %dma_start3A, %dma_start3A_92] : memref<2x128x128xf32, #tpu.memory_space<vmem>> -> memref<1x128x128xf32, #tpu.memory_space<vmem>>
          %dma_start3A_94 = tpu.memref_squeeze %dma_start3A_93 : memref<1x128x128xf32, #tpu.memory_space<vmem>> -> memref<128x128xf32, #tpu.memory_space<vmem>>
          %dma_start3A_95 = arith.constant 0 : i32
          %dma_start3A_96 = tpu.memref_slice %arg8[%run_scoped3A_90, %dma_start3A_95] : memref<2x128xi32, #tpu.memory_space<vmem>> -> memref<1x128xi32, #tpu.memory_space<vmem>>
          %dma_start3A_97 = tpu.memref_squeeze %dma_start3A_96 : memref<1x128xi32, #tpu.memory_space<vmem>> -> memref<128xi32, #tpu.memory_space<vmem>>
          %dma_start3A_98 = arith.constant 0 : i32
          %dma_start3A_99 = arith.constant 0 : i32
          %dma_start3A_100 = tpu.memref_slice %arg6[%dma_start3A_98, %dma_start3A_99] : memref<10240x128xf32, #tpu.memory_space<vmem_shared>> -> memref<10240x128xf32, #tpu.memory_space<vmem_shared>>
          tpu.enqueue_indirect_dma source(%dma_start3A_94 : memref<128x128xf32, #tpu.memory_space<vmem>>) target(%dma_start3A_100 : memref<10240x128xf32, #tpu.memory_space<vmem_shared>>) offsets(%dma_start3A_97 : memref<128xi32, #tpu.memory_space<vmem>>) semaphore(%run_scoped3A_91 : memref<!tpu.dma_semaphore, #tpu.memory_space<semaphore_mem>>) {add = true}
          %dma_wait3A_101 = arith.constant 0 : i32
          %dma_wait3A_102 = arith.constant 0 : i32
          %dma_wait3A_103 = tpu.memref_slice %arg7[%run_scoped3A, %dma_wait3A_101, %dma_wait3A_102] : memref<2x128x128xf32, #tpu.memory_space<vmem>> -> memref<1x128x128xf32, #tpu.memory_space<vmem>>
          %dma_wait3A_104 = tpu.memref_squeeze %dma_wait3A_103 : memref<1x128x128xf32, #tpu.memory_space<vmem>> -> memref<128x128xf32, #tpu.memory_space<vmem>>
          %dma_wait3A_105 = arith.constant 0 : i32
          %dma_wait3A_106 = tpu.memref_slice %arg8[%run_scoped3A_90, %dma_wait3A_105] : memref<2x128xi32, #tpu.memory_space<vmem>> -> memref<1x128xi32, #tpu.memory_space<vmem>>
          %dma_wait3A_107 = tpu.memref_squeeze %dma_wait3A_106 : memref<1x128xi32, #tpu.memory_space<vmem>> -> memref<128xi32, #tpu.memory_space<vmem>>
          %dma_wait3A_108 = arith.constant 0 : i32
          %dma_wait3A_109 = arith.constant 0 : i32
          %dma_wait3A_110 = tpu.memref_slice %arg6[%dma_wait3A_108, %dma_wait3A_109] : memref<10240x128xf32, #tpu.memory_space<vmem_shared>> -> memref<10240x128xf32, #tpu.memory_space<vmem_shared>>
          tpu.wait_indirect_dma semaphore(%run_scoped3A_91 : memref<!tpu.dma_semaphore, #tpu.memory_space<semaphore_mem>>) src(%dma_wait3A_104 : memref<128x128xf32, #tpu.memory_space<vmem>>) dst(%dma_wait3A_110 : memref<10240x128xf32, #tpu.memory_space<vmem_shared>>)
          tpu.yield
        }) : () -> ()
      } else {
      }
    }
    %scan3A_13 = arith.constant 10 : i32
    %barrier3A_14 = arith.constant 0 : index
    tpu.barrier barrier_id(%barrier3A_14)
    %mul3A_15 = arith.constant 640 : i32
    %mul3A_16 = arith.muli %arg1, %mul3A_15 : i32
    %mul3A_17 = arith.constant 640 : i32
    %mul3A_18 = arith.muli %arg1, %mul3A_17 : i32
    "tpu.region"() ({
      %run_scoped3A = tpu.sem_alloc : memref<!tpu.dma_semaphore, #tpu.memory_space<semaphore_mem>>
      %dma_start3A = arith.constant 0 : i32
      %dma_start3A_19 = arith.constant 0 : i32
      %dma_start3A_20 = tpu.memref_slice %arg5[%arg0, %dma_start3A, %dma_start3A_19] : memref<2x10240x128xf32, #tpu.memory_space<hbm>> -> memref<1x10240x128xf32, #tpu.memory_space<hbm>>
      %dma_start3A_21 = tpu.memref_squeeze %dma_start3A_20 : memref<1x10240x128xf32, #tpu.memory_space<hbm>> -> memref<10240x128xf32, #tpu.memory_space<hbm>>
      %dma_start3A_22 = arith.constant 0 : i32
      %dma_start3A_23 = tpu.memref_slice %dma_start3A_21[%mul3A_18, %dma_start3A_22] : memref<10240x128xf32, #tpu.memory_space<hbm>> -> memref<640x128xf32, #tpu.memory_space<hbm>>
      %dma_start3A_24 = arith.constant 0 : i32
      %dma_start3A_25 = tpu.memref_slice %arg6[%mul3A_16, %dma_start3A_24] : memref<10240x128xf32, #tpu.memory_space<vmem_shared>> -> memref<640x128xf32, #tpu.memory_space<vmem_shared>>
      tpu.enqueue_dma source(%dma_start3A_25 : memref<640x128xf32, #tpu.memory_space<vmem_shared>>) target(%dma_start3A_23 : memref<640x128xf32, #tpu.memory_space<hbm>>) target_semaphore(%run_scoped3A : memref<!tpu.dma_semaphore, #tpu.memory_space<semaphore_mem>>)
      %dma_wait3A = arith.constant 0 : i32
      %dma_wait3A_26 = arith.constant 0 : i32
      %dma_wait3A_27 = tpu.memref_slice %arg5[%arg0, %dma_wait3A, %dma_wait3A_26] : memref<2x10240x128xf32, #tpu.memory_space<hbm>> -> memref<1x10240x128xf32, #tpu.memory_space<hbm>>
      %dma_wait3A_28 = tpu.memref_squeeze %dma_wait3A_27 : memref<1x10240x128xf32, #tpu.memory_space<hbm>> -> memref<10240x128xf32, #tpu.memory_space<hbm>>
      %dma_wait3A_29 = arith.constant 0 : i32
      %dma_wait3A_30 = tpu.memref_slice %dma_wait3A_28[%mul3A_18, %dma_wait3A_29] : memref<10240x128xf32, #tpu.memory_space<hbm>> -> memref<640x128xf32, #tpu.memory_space<hbm>>
      %dma_wait3A_31 = arith.constant 0 : i32
      %dma_wait3A_32 = tpu.memref_slice %arg6[%mul3A_16, %dma_wait3A_31] : memref<10240x128xf32, #tpu.memory_space<vmem_shared>> -> memref<640x128xf32, #tpu.memory_space<vmem_shared>>
      tpu.wait_dma2 semaphore(%run_scoped3A : memref<!tpu.dma_semaphore, #tpu.memory_space<semaphore_mem>>) src(%dma_wait3A_32 : memref<640x128xf32, #tpu.memory_space<vmem_shared>>) dst(%dma_wait3A_30 : memref<640x128xf32, #tpu.memory_space<hbm>>)
      tpu.yield
    }) : () -> ()
    return
  }
}

#map = affine_map<(d0, d1) -> (0, 0)>
#map1 = affine_map<(d0, d1) -> (0, 0, 0)>
module attributes {stable_mosaic.version = 14 : i64} {
  func.func @scatter_kernel(%arg0: i32, %arg1: i32, %arg2: memref<80000x128xf32, #tpu.memory_space<hbm>>, %arg3: memref<625x128xi32, #tpu.memory_space<hbm>>, %arg4: memref<10240x128xf32, #tpu.memory_space<hbm>>, %arg5: memref<2x10240x128xf32, #tpu.memory_space<hbm>>, %arg6: memref<10240x128xf32, #tpu.memory_space<vmem_shared>>, %arg7: memref<2x128x128xf32, #tpu.memory_space<vmem>>, %arg8: memref<2x128xi32, #tpu.memory_space<vmem>>, %arg9: memref<!tpu.dma_semaphore, #tpu.memory_space<semaphore_mem>>, %arg10: memref<!tpu.dma_semaphore, #tpu.memory_space<semaphore_mem>>) attributes {dimension_semantics = [#tpu.dimension_semantics<core_parallel>, #tpu.dimension_semantics<subcore_parallel>], iteration_bounds = array<i64: 2, 16>, scalar_prefetch = 0 : i64, scratch_operands = 5 : i64, tpu.core_type = #tpu.core_type<sc_vector_subcore>, window_params = [{transform_indices = #map}, {transform_indices = #map}, {transform_indices = #map}, {transform_indices = #map1}]} {
    %mul3A = arith.constant 16 : i32
    %mul3A_0 = arith.muli %arg0, %mul3A : i32
    %add3A = arith.addi %mul3A_0, %arg1 : i32
    %mul3A_1 = arith.constant 640 : i32
    %mul3A_2 = arith.muli %arg1, %mul3A_1 : i32
    %mul3A_3 = arith.constant 640 : i32
    %mul3A_4 = arith.muli %arg1, %mul3A_3 : i32
    "tpu.region"() ({
      %run_scoped3A = tpu.sem_alloc : memref<!tpu.dma_semaphore, #tpu.memory_space<semaphore_mem>>
      %dma_start3A = arith.constant 0 : i32
      %dma_start3A_19 = tpu.memref_slice %arg6[%mul3A_4, %dma_start3A] : memref<10240x128xf32, #tpu.memory_space<vmem_shared>> -> memref<640x128xf32, #tpu.memory_space<vmem_shared>>
      %dma_start3A_20 = arith.constant 0 : i32
      %dma_start3A_21 = tpu.memref_slice %arg4[%mul3A_2, %dma_start3A_20] : memref<10240x128xf32, #tpu.memory_space<hbm>> -> memref<640x128xf32, #tpu.memory_space<hbm>>
      tpu.enqueue_dma source(%dma_start3A_21 : memref<640x128xf32, #tpu.memory_space<hbm>>) target(%dma_start3A_19 : memref<640x128xf32, #tpu.memory_space<vmem_shared>>) target_semaphore(%run_scoped3A : memref<!tpu.dma_semaphore, #tpu.memory_space<semaphore_mem>>)
      %dma_wait3A = arith.constant 0 : i32
      %dma_wait3A_22 = tpu.memref_slice %arg6[%mul3A_4, %dma_wait3A] : memref<10240x128xf32, #tpu.memory_space<vmem_shared>> -> memref<640x128xf32, #tpu.memory_space<vmem_shared>>
      %dma_wait3A_23 = arith.constant 0 : i32
      %dma_wait3A_24 = tpu.memref_slice %arg4[%mul3A_2, %dma_wait3A_23] : memref<10240x128xf32, #tpu.memory_space<hbm>> -> memref<640x128xf32, #tpu.memory_space<hbm>>
      tpu.wait_dma2 semaphore(%run_scoped3A : memref<!tpu.dma_semaphore, #tpu.memory_space<semaphore_mem>>) src(%dma_wait3A_24 : memref<640x128xf32, #tpu.memory_space<hbm>>) dst(%dma_wait3A_22 : memref<640x128xf32, #tpu.memory_space<vmem_shared>>)
      tpu.yield
    }) : () -> ()
    %barrier3A = arith.constant 0 : index
    tpu.barrier barrier_id(%barrier3A)
    %add3A_5 = arith.constant 0 : i32
    %add3A_6 = arith.addi %add3A, %add3A_5 : i32
    %lt3A = arith.constant 625 : i32
    %lt3A_7 = arith.cmpi slt, %add3A_6, %lt3A : i32
    %convert_element_type3A = arith.extui %lt3A_7 : i1 to i32
    %cond3A = arith.constant 0 : i32
    %cond3A_8 = arith.cmpi ne, %convert_element_type3A, %cond3A : i32
    scf.if %cond3A_8 {
      %mul3A_19 = arith.constant 128 : i32
      %mul3A_20 = arith.muli %add3A_6, %mul3A_19 : i32
      %dma_start3A = arith.constant 0 : i32
      %dma_start3A_21 = arith.constant 0 : i32
      %dma_start3A_22 = arith.constant 0 : i32
      %dma_start3A_23 = tpu.memref_slice %arg7[%dma_start3A, %dma_start3A_21, %dma_start3A_22] : memref<2x128x128xf32, #tpu.memory_space<vmem>> -> memref<1x128x128xf32, #tpu.memory_space<vmem>>
      %dma_start3A_24 = tpu.memref_squeeze %dma_start3A_23 : memref<1x128x128xf32, #tpu.memory_space<vmem>> -> memref<128x128xf32, #tpu.memory_space<vmem>>
      %dma_start3A_25 = arith.constant 0 : i32
      %dma_start3A_26 = tpu.memref_slice %arg2[%mul3A_20, %dma_start3A_25] : memref<80000x128xf32, #tpu.memory_space<hbm>> -> memref<128x128xf32, #tpu.memory_space<hbm>>
      %dma_start3A_27 = arith.constant 0 : i32
      %dma_start3A_28 = arith.constant 0 : i32
      %dma_start3A_29 = tpu.memref_slice %arg7[%dma_start3A, %dma_start3A_27, %dma_start3A_28] : memref<2x128x128xf32, #tpu.memory_space<vmem>> -> memref<1x128x128xf32, #tpu.memory_space<vmem>>
      %dma_start3A_30 = tpu.memref_squeeze %dma_start3A_29 : memref<1x128x128xf32, #tpu.memory_space<vmem>> -> memref<128x128xf32, #tpu.memory_space<vmem>>
      %dma_start3A_31 = arith.constant 0 : i32
      %dma_start3A_32 = tpu.memref_slice %arg2[%mul3A_20, %dma_start3A_31] : memref<80000x128xf32, #tpu.memory_space<hbm>> -> memref<128x128xf32, #tpu.memory_space<hbm>>
      tpu.enqueue_dma source(%dma_start3A_32 : memref<128x128xf32, #tpu.memory_space<hbm>>) target(%dma_start3A_30 : memref<128x128xf32, #tpu.memory_space<vmem>>) target_semaphore(%arg9 : memref<!tpu.dma_semaphore, #tpu.memory_space<semaphore_mem>>)
      %dma_start3A_33 = arith.constant 0 : i32
      %dma_start3A_34 = arith.constant 0 : i32
      %dma_start3A_35 = tpu.memref_slice %arg8[%dma_start3A_33, %dma_start3A_34] : memref<2x128xi32, #tpu.memory_space<vmem>> -> memref<1x128xi32, #tpu.memory_space<vmem>>
      %dma_start3A_36 = arith.constant 0 : i32
      %dma_start3A_37 = tpu.memref_slice %arg3[%add3A_6, %dma_start3A_36] : memref<625x128xi32, #tpu.memory_space<hbm>> -> memref<1x128xi32, #tpu.memory_space<hbm>>
      %dma_start3A_38 = arith.constant 0 : i32
      %dma_start3A_39 = arith.constant 0 : i32
      %dma_start3A_40 = tpu.memref_slice %arg8[%dma_start3A_38, %dma_start3A_39] : memref<2x128xi32, #tpu.memory_space<vmem>> -> memref<1x128xi32, #tpu.memory_space<vmem>>
      %dma_start3A_41 = arith.constant 0 : i32
      %dma_start3A_42 = tpu.memref_slice %arg3[%add3A_6, %dma_start3A_41] : memref<625x128xi32, #tpu.memory_space<hbm>> -> memref<1x128xi32, #tpu.memory_space<hbm>>
      tpu.enqueue_dma source(%dma_start3A_42 : memref<1x128xi32, #tpu.memory_space<hbm>>) target(%dma_start3A_40 : memref<1x128xi32, #tpu.memory_space<vmem>>) target_semaphore(%arg9 : memref<!tpu.dma_semaphore, #tpu.memory_space<semaphore_mem>>)
    } else {
    }
    %scan3A = arith.constant 0 : i32
    %scan3A_9 = arith.constant 0 : i32
    %scan3A_10 = arith.constant 10 : i32
    %scan3A_11 = arith.addi %scan3A_9, %scan3A_10 : i32
    %scan3A_12 = arith.constant 1 : i32
    scf.for %scan3A_19 = %scan3A_9 to %scan3A_11 step %scan3A_12  : i32 {
      %mul3A_20 = arith.constant 2 : i32
      %mul3A_21 = arith.muli %mul3A_20, %scan3A_19 : i32
      %add3A_22 = arith.constant 1 : i32
      %add3A_23 = arith.addi %mul3A_21, %add3A_22 : i32
      %mul3A_24 = arith.constant 32 : i32
      %mul3A_25 = arith.muli %add3A_23, %mul3A_24 : i32
      %add3A_26 = arith.addi %add3A, %mul3A_25 : i32
      %lt3A_27 = arith.constant 625 : i32
      %lt3A_28 = arith.cmpi slt, %add3A_26, %lt3A_27 : i32
      %convert_element_type3A_29 = arith.extui %lt3A_28 : i1 to i32
      %cond3A_30 = arith.constant 0 : i32
      %cond3A_31 = arith.cmpi ne, %convert_element_type3A_29, %cond3A_30 : i32
      scf.if %cond3A_31 {
        %mul3A_66 = arith.constant 128 : i32
        %mul3A_67 = arith.muli %add3A_26, %mul3A_66 : i32
        %dma_start3A = arith.constant 1 : i32
        %dma_start3A_68 = arith.constant 0 : i32
        %dma_start3A_69 = arith.constant 0 : i32
        %dma_start3A_70 = tpu.memref_slice %arg7[%dma_start3A, %dma_start3A_68, %dma_start3A_69] : memref<2x128x128xf32, #tpu.memory_space<vmem>> -> memref<1x128x128xf32, #tpu.memory_space<vmem>>
        %dma_start3A_71 = tpu.memref_squeeze %dma_start3A_70 : memref<1x128x128xf32, #tpu.memory_space<vmem>> -> memref<128x128xf32, #tpu.memory_space<vmem>>
        %dma_start3A_72 = arith.constant 0 : i32
        %dma_start3A_73 = tpu.memref_slice %arg2[%mul3A_67, %dma_start3A_72] : memref<80000x128xf32, #tpu.memory_space<hbm>> -> memref<128x128xf32, #tpu.memory_space<hbm>>
        %dma_start3A_74 = arith.constant 0 : i32
        %dma_start3A_75 = arith.constant 0 : i32
        %dma_start3A_76 = tpu.memref_slice %arg7[%dma_start3A, %dma_start3A_74, %dma_start3A_75] : memref<2x128x128xf32, #tpu.memory_space<vmem>> -> memref<1x128x128xf32, #tpu.memory_space<vmem>>
        %dma_start3A_77 = tpu.memref_squeeze %dma_start3A_76 : memref<1x128x128xf32, #tpu.memory_space<vmem>> -> memref<128x128xf32, #tpu.memory_space<vmem>>
        %dma_start3A_78 = arith.constant 0 : i32
        %dma_start3A_79 = tpu.memref_slice %arg2[%mul3A_67, %dma_start3A_78] : memref<80000x128xf32, #tpu.memory_space<hbm>> -> memref<128x128xf32, #tpu.memory_space<hbm>>
        tpu.enqueue_dma source(%dma_start3A_79 : memref<128x128xf32, #tpu.memory_space<hbm>>) target(%dma_start3A_77 : memref<128x128xf32, #tpu.memory_space<vmem>>) target_semaphore(%arg10 : memref<!tpu.dma_semaphore, #tpu.memory_space<semaphore_mem>>)
        %dma_start3A_80 = arith.constant 1 : i32
        %dma_start3A_81 = arith.constant 0 : i32
        %dma_start3A_82 = tpu.memref_slice %arg8[%dma_start3A_80, %dma_start3A_81] : memref<2x128xi32, #tpu.memory_space<vmem>> -> memref<1x128xi32, #tpu.memory_space<vmem>>
        %dma_start3A_83 = arith.constant 0 : i32
        %dma_start3A_84 = tpu.memref_slice %arg3[%add3A_26, %dma_start3A_83] : memref<625x128xi32, #tpu.memory_space<hbm>> -> memref<1x128xi32, #tpu.memory_space<hbm>>
        %dma_start3A_85 = arith.constant 1 : i32
        %dma_start3A_86 = arith.constant 0 : i32
        %dma_start3A_87 = tpu.memref_slice %arg8[%dma_start3A_85, %dma_start3A_86] : memref<2x128xi32, #tpu.memory_space<vmem>> -> memref<1x128xi32, #tpu.memory_space<vmem>>
        %dma_start3A_88 = arith.constant 0 : i32
        %dma_start3A_89 = tpu.memref_slice %arg3[%add3A_26, %dma_start3A_88] : memref<625x128xi32, #tpu.memory_space<hbm>> -> memref<1x128xi32, #tpu.memory_space<hbm>>
        tpu.enqueue_dma source(%dma_start3A_89 : memref<1x128xi32, #tpu.memory_space<hbm>>) target(%dma_start3A_87 : memref<1x128xi32, #tpu.memory_space<vmem>>) target_semaphore(%arg10 : memref<!tpu.dma_semaphore, #tpu.memory_space<semaphore_mem>>)
      } else {
      }
      %mul3A_32 = arith.constant 2 : i32
      %mul3A_33 = arith.muli %mul3A_32, %scan3A_19 : i32
      %mul3A_34 = arith.constant 32 : i32
      %mul3A_35 = arith.muli %mul3A_33, %mul3A_34 : i32
      %add3A_36 = arith.addi %add3A, %mul3A_35 : i32
      %lt3A_37 = arith.constant 625 : i32
      %lt3A_38 = arith.cmpi slt, %add3A_36, %lt3A_37 : i32
      %convert_element_type3A_39 = arith.extui %lt3A_38 : i1 to i32
      %cond3A_40 = arith.constant 0 : i32
      %cond3A_41 = arith.cmpi ne, %convert_element_type3A_39, %cond3A_40 : i32
      scf.if %cond3A_41 {
        %mul3A_66 = arith.constant 128 : i32
        %mul3A_67 = arith.muli %add3A_36, %mul3A_66 : i32
        %dma_wait3A = arith.constant 0 : i32
        %dma_wait3A_68 = arith.constant 0 : i32
        %dma_wait3A_69 = arith.constant 0 : i32
        %dma_wait3A_70 = tpu.memref_slice %arg7[%dma_wait3A, %dma_wait3A_68, %dma_wait3A_69] : memref<2x128x128xf32, #tpu.memory_space<vmem>> -> memref<1x128x128xf32, #tpu.memory_space<vmem>>
        %dma_wait3A_71 = tpu.memref_squeeze %dma_wait3A_70 : memref<1x128x128xf32, #tpu.memory_space<vmem>> -> memref<128x128xf32, #tpu.memory_space<vmem>>
        %dma_wait3A_72 = arith.constant 0 : i32
        %dma_wait3A_73 = tpu.memref_slice %arg2[%mul3A_67, %dma_wait3A_72] : memref<80000x128xf32, #tpu.memory_space<hbm>> -> memref<128x128xf32, #tpu.memory_space<hbm>>
        %dma_wait3A_74 = arith.constant 0 : i32
        %dma_wait3A_75 = arith.constant 0 : i32
        %dma_wait3A_76 = tpu.memref_slice %arg7[%dma_wait3A, %dma_wait3A_74, %dma_wait3A_75] : memref<2x128x128xf32, #tpu.memory_space<vmem>> -> memref<1x128x128xf32, #tpu.memory_space<vmem>>
        %dma_wait3A_77 = tpu.memref_squeeze %dma_wait3A_76 : memref<1x128x128xf32, #tpu.memory_space<vmem>> -> memref<128x128xf32, #tpu.memory_space<vmem>>
        %dma_wait3A_78 = arith.constant 0 : i32
        %dma_wait3A_79 = tpu.memref_slice %arg2[%mul3A_67, %dma_wait3A_78] : memref<80000x128xf32, #tpu.memory_space<hbm>> -> memref<128x128xf32, #tpu.memory_space<hbm>>
        tpu.wait_dma2 semaphore(%arg9 : memref<!tpu.dma_semaphore, #tpu.memory_space<semaphore_mem>>) src(%dma_wait3A_79 : memref<128x128xf32, #tpu.memory_space<hbm>>) dst(%dma_wait3A_77 : memref<128x128xf32, #tpu.memory_space<vmem>>)
        %dma_wait3A_80 = arith.constant 0 : i32
        %dma_wait3A_81 = arith.constant 0 : i32
        %dma_wait3A_82 = tpu.memref_slice %arg8[%dma_wait3A_80, %dma_wait3A_81] : memref<2x128xi32, #tpu.memory_space<vmem>> -> memref<1x128xi32, #tpu.memory_space<vmem>>
        %dma_wait3A_83 = arith.constant 0 : i32
        %dma_wait3A_84 = tpu.memref_slice %arg3[%add3A_36, %dma_wait3A_83] : memref<625x128xi32, #tpu.memory_space<hbm>> -> memref<1x128xi32, #tpu.memory_space<hbm>>
        %dma_wait3A_85 = arith.constant 0 : i32
        %dma_wait3A_86 = arith.constant 0 : i32
        %dma_wait3A_87 = tpu.memref_slice %arg8[%dma_wait3A_85, %dma_wait3A_86] : memref<2x128xi32, #tpu.memory_space<vmem>> -> memref<1x128xi32, #tpu.memory_space<vmem>>
        %dma_wait3A_88 = arith.constant 0 : i32
        %dma_wait3A_89 = tpu.memref_slice %arg3[%add3A_36, %dma_wait3A_88] : memref<625x128xi32, #tpu.memory_space<hbm>> -> memref<1x128xi32, #tpu.memory_space<hbm>>
        tpu.wait_dma2 semaphore(%arg9 : memref<!tpu.dma_semaphore, #tpu.memory_space<semaphore_mem>>) src(%dma_wait3A_89 : memref<1x128xi32, #tpu.memory_space<hbm>>) dst(%dma_wait3A_87 : memref<1x128xi32, #tpu.memory_space<vmem>>)
        %run_scoped3A = arith.constant 0 : i32
        %run_scoped3A_90 = arith.constant 0 : i32
        "tpu.region"() ({
          %run_scoped3A_91 = tpu.sem_alloc : memref<!tpu.dma_semaphore, #tpu.memory_space<semaphore_mem>>
          %dma_start3A = arith.constant 0 : i32
          %dma_start3A_92 = arith.constant 0 : i32
          %dma_start3A_93 = tpu.memref_slice %arg7[%run_scoped3A, %dma_start3A, %dma_start3A_92] : memref<2x128x128xf32, #tpu.memory_space<vmem>> -> memref<1x128x128xf32, #tpu.memory_space<vmem>>
          %dma_start3A_94 = tpu.memref_squeeze %dma_start3A_93 : memref<1x128x128xf32, #tpu.memory_space<vmem>> -> memref<128x128xf32, #tpu.memory_space<vmem>>
          %dma_start3A_95 = arith.constant 0 : i32
          %dma_start3A_96 = tpu.memref_slice %arg8[%run_scoped3A_90, %dma_start3A_95] : memref<2x128xi32, #tpu.memory_space<vmem>> -> memref<1x128xi32, #tpu.memory_space<vmem>>
          %dma_start3A_97 = tpu.memref_squeeze %dma_start3A_96 : memref<1x128xi32, #tpu.memory_space<vmem>> -> memref<128xi32, #tpu.memory_space<vmem>>
          %dma_start3A_98 = arith.constant 0 : i32
          %dma_start3A_99 = arith.constant 0 : i32
          %dma_start3A_100 = tpu.memref_slice %arg6[%dma_start3A_98, %dma_start3A_99] : memref<10240x128xf32, #tpu.memory_space<vmem_shared>> -> memref<10240x128xf32, #tpu.memory_space<vmem_shared>>
          tpu.enqueue_indirect_dma source(%dma_start3A_94 : memref<128x128xf32, #tpu.memory_space<vmem>>) target(%dma_start3A_100 : memref<10240x128xf32, #tpu.memory_space<vmem_shared>>) offsets(%dma_start3A_97 : memref<128xi32, #tpu.memory_space<vmem>>) semaphore(%run_scoped3A_91 : memref<!tpu.dma_semaphore, #tpu.memory_space<semaphore_mem>>) {add = true}
          %dma_wait3A_101 = arith.constant 0 : i32
          %dma_wait3A_102 = arith.constant 0 : i32
          %dma_wait3A_103 = tpu.memref_slice %arg7[%run_scoped3A, %dma_wait3A_101, %dma_wait3A_102] : memref<2x128x128xf32, #tpu.memory_space<vmem>> -> memref<1x128x128xf32, #tpu.memory_space<vmem>>
          %dma_wait3A_104 = tpu.memref_squeeze %dma_wait3A_103 : memref<1x128x128xf32, #tpu.memory_space<vmem>> -> memref<128x128xf32, #tpu.memory_space<vmem>>
          %dma_wait3A_105 = arith.constant 0 : i32
          %dma_wait3A_106 = tpu.memref_slice %arg8[%run_scoped3A_90, %dma_wait3A_105] : memref<2x128xi32, #tpu.memory_space<vmem>> -> memref<1x128xi32, #tpu.memory_space<vmem>>
          %dma_wait3A_107 = tpu.memref_squeeze %dma_wait3A_106 : memref<1x128xi32, #tpu.memory_space<vmem>> -> memref<128xi32, #tpu.memory_space<vmem>>
          %dma_wait3A_108 = arith.constant 0 : i32
          %dma_wait3A_109 = arith.constant 0 : i32
          %dma_wait3A_110 = tpu.memref_slice %arg6[%dma_wait3A_108, %dma_wait3A_109] : memref<10240x128xf32, #tpu.memory_space<vmem_shared>> -> memref<10240x128xf32, #tpu.memory_space<vmem_shared>>
          tpu.wait_indirect_dma semaphore(%run_scoped3A_91 : memref<!tpu.dma_semaphore, #tpu.memory_space<semaphore_mem>>) src(%dma_wait3A_104 : memref<128x128xf32, #tpu.memory_space<vmem>>) dst(%dma_wait3A_110 : memref<10240x128xf32, #tpu.memory_space<vmem_shared>>)
          tpu.yield
        }) : () -> ()
      } else {
      }
      %mul3A_42 = arith.constant 2 : i32
      %mul3A_43 = arith.muli %mul3A_42, %scan3A_19 : i32
      %add3A_44 = arith.constant 2 : i32
      %add3A_45 = arith.addi %mul3A_43, %add3A_44 : i32
      %mul3A_46 = arith.constant 32 : i32
      %mul3A_47 = arith.muli %add3A_45, %mul3A_46 : i32
      %add3A_48 = arith.addi %add3A, %mul3A_47 : i32
      %lt3A_49 = arith.constant 625 : i32
      %lt3A_50 = arith.cmpi slt, %add3A_48, %lt3A_49 : i32
      %convert_element_type3A_51 = arith.extui %lt3A_50 : i1 to i32
      %cond3A_52 = arith.constant 0 : i32
      %cond3A_53 = arith.cmpi ne, %convert_element_type3A_51, %cond3A_52 : i32
      scf.if %cond3A_53 {
        %mul3A_66 = arith.constant 128 : i32
        %mul3A_67 = arith.muli %add3A_48, %mul3A_66 : i32
        %dma_start3A = arith.constant 0 : i32
        %dma_start3A_68 = arith.constant 0 : i32
        %dma_start3A_69 = arith.constant 0 : i32
        %dma_start3A_70 = tpu.memref_slice %arg7[%dma_start3A, %dma_start3A_68, %dma_start3A_69] : memref<2x128x128xf32, #tpu.memory_space<vmem>> -> memref<1x128x128xf32, #tpu.memory_space<vmem>>
        %dma_start3A_71 = tpu.memref_squeeze %dma_start3A_70 : memref<1x128x128xf32, #tpu.memory_space<vmem>> -> memref<128x128xf32, #tpu.memory_space<vmem>>
        %dma_start3A_72 = arith.constant 0 : i32
        %dma_start3A_73 = tpu.memref_slice %arg2[%mul3A_67, %dma_start3A_72] : memref<80000x128xf32, #tpu.memory_space<hbm>> -> memref<128x128xf32, #tpu.memory_space<hbm>>
        %dma_start3A_74 = arith.constant 0 : i32
        %dma_start3A_75 = arith.constant 0 : i32
        %dma_start3A_76 = tpu.memref_slice %arg7[%dma_start3A, %dma_start3A_74, %dma_start3A_75] : memref<2x128x128xf32, #tpu.memory_space<vmem>> -> memref<1x128x128xf32, #tpu.memory_space<vmem>>
        %dma_start3A_77 = tpu.memref_squeeze %dma_start3A_76 : memref<1x128x128xf32, #tpu.memory_space<vmem>> -> memref<128x128xf32, #tpu.memory_space<vmem>>
        %dma_start3A_78 = arith.constant 0 : i32
        %dma_start3A_79 = tpu.memref_slice %arg2[%mul3A_67, %dma_start3A_78] : memref<80000x128xf32, #tpu.memory_space<hbm>> -> memref<128x128xf32, #tpu.memory_space<hbm>>
        tpu.enqueue_dma source(%dma_start3A_79 : memref<128x128xf32, #tpu.memory_space<hbm>>) target(%dma_start3A_77 : memref<128x128xf32, #tpu.memory_space<vmem>>) target_semaphore(%arg9 : memref<!tpu.dma_semaphore, #tpu.memory_space<semaphore_mem>>)
        %dma_start3A_80 = arith.constant 0 : i32
        %dma_start3A_81 = arith.constant 0 : i32
        %dma_start3A_82 = tpu.memref_slice %arg8[%dma_start3A_80, %dma_start3A_81] : memref<2x128xi32, #tpu.memory_space<vmem>> -> memref<1x128xi32, #tpu.memory_space<vmem>>
        %dma_start3A_83 = arith.constant 0 : i32
        %dma_start3A_84 = tpu.memref_slice %arg3[%add3A_48, %dma_start3A_83] : memref<625x128xi32, #tpu.memory_space<hbm>> -> memref<1x128xi32, #tpu.memory_space<hbm>>
        %dma_start3A_85 = arith.constant 0 : i32
        %dma_start3A_86 = arith.constant 0 : i32
        %dma_start3A_87 = tpu.memref_slice %arg8[%dma_start3A_85, %dma_start3A_86] : memref<2x128xi32, #tpu.memory_space<vmem>> -> memref<1x128xi32, #tpu.memory_space<vmem>>
        %dma_start3A_88 = arith.constant 0 : i32
        %dma_start3A_89 = tpu.memref_slice %arg3[%add3A_48, %dma_start3A_88] : memref<625x128xi32, #tpu.memory_space<hbm>> -> memref<1x128xi32, #tpu.memory_space<hbm>>
        tpu.enqueue_dma source(%dma_start3A_89 : memref<1x128xi32, #tpu.memory_space<hbm>>) target(%dma_start3A_87 : memref<1x128xi32, #tpu.memory_space<vmem>>) target_semaphore(%arg9 : memref<!tpu.dma_semaphore, #tpu.memory_space<semaphore_mem>>)
      } else {
      }
      %mul3A_54 = arith.constant 2 : i32
      %mul3A_55 = arith.muli %mul3A_54, %scan3A_19 : i32
      %add3A_56 = arith.constant 1 : i32
      %add3A_57 = arith.addi %mul3A_55, %add3A_56 : i32
      %mul3A_58 = arith.constant 32 : i32
      %mul3A_59 = arith.muli %add3A_57, %mul3A_58 : i32
      %add3A_60 = arith.addi %add3A, %mul3A_59 : i32
      %lt3A_61 = arith.constant 625 : i32
      %lt3A_62 = arith.cmpi slt, %add3A_60, %lt3A_61 : i32
      %convert_element_type3A_63 = arith.extui %lt3A_62 : i1 to i32
      %cond3A_64 = arith.constant 0 : i32
      %cond3A_65 = arith.cmpi ne, %convert_element_type3A_63, %cond3A_64 : i32
      scf.if %cond3A_65 {
        %mul3A_66 = arith.constant 128 : i32
        %mul3A_67 = arith.muli %add3A_60, %mul3A_66 : i32
        %dma_wait3A = arith.constant 1 : i32
        %dma_wait3A_68 = arith.constant 0 : i32
        %dma_wait3A_69 = arith.constant 0 : i32
        %dma_wait3A_70 = tpu.memref_slice %arg7[%dma_wait3A, %dma_wait3A_68, %dma_wait3A_69] : memref<2x128x128xf32, #tpu.memory_space<vmem>> -> memref<1x128x128xf32, #tpu.memory_space<vmem>>
        %dma_wait3A_71 = tpu.memref_squeeze %dma_wait3A_70 : memref<1x128x128xf32, #tpu.memory_space<vmem>> -> memref<128x128xf32, #tpu.memory_space<vmem>>
        %dma_wait3A_72 = arith.constant 0 : i32
        %dma_wait3A_73 = tpu.memref_slice %arg2[%mul3A_67, %dma_wait3A_72] : memref<80000x128xf32, #tpu.memory_space<hbm>> -> memref<128x128xf32, #tpu.memory_space<hbm>>
        %dma_wait3A_74 = arith.constant 0 : i32
        %dma_wait3A_75 = arith.constant 0 : i32
        %dma_wait3A_76 = tpu.memref_slice %arg7[%dma_wait3A, %dma_wait3A_74, %dma_wait3A_75] : memref<2x128x128xf32, #tpu.memory_space<vmem>> -> memref<1x128x128xf32, #tpu.memory_space<vmem>>
        %dma_wait3A_77 = tpu.memref_squeeze %dma_wait3A_76 : memref<1x128x128xf32, #tpu.memory_space<vmem>> -> memref<128x128xf32, #tpu.memory_space<vmem>>
        %dma_wait3A_78 = arith.constant 0 : i32
        %dma_wait3A_79 = tpu.memref_slice %arg2[%mul3A_67, %dma_wait3A_78] : memref<80000x128xf32, #tpu.memory_space<hbm>> -> memref<128x128xf32, #tpu.memory_space<hbm>>
        tpu.wait_dma2 semaphore(%arg10 : memref<!tpu.dma_semaphore, #tpu.memory_space<semaphore_mem>>) src(%dma_wait3A_79 : memref<128x128xf32, #tpu.memory_space<hbm>>) dst(%dma_wait3A_77 : memref<128x128xf32, #tpu.memory_space<vmem>>)
        %dma_wait3A_80 = arith.constant 1 : i32
        %dma_wait3A_81 = arith.constant 0 : i32
        %dma_wait3A_82 = tpu.memref_slice %arg8[%dma_wait3A_80, %dma_wait3A_81] : memref<2x128xi32, #tpu.memory_space<vmem>> -> memref<1x128xi32, #tpu.memory_space<vmem>>
        %dma_wait3A_83 = arith.constant 0 : i32
        %dma_wait3A_84 = tpu.memref_slice %arg3[%add3A_60, %dma_wait3A_83] : memref<625x128xi32, #tpu.memory_space<hbm>> -> memref<1x128xi32, #tpu.memory_space<hbm>>
        %dma_wait3A_85 = arith.constant 1 : i32
        %dma_wait3A_86 = arith.constant 0 : i32
        %dma_wait3A_87 = tpu.memref_slice %arg8[%dma_wait3A_85, %dma_wait3A_86] : memref<2x128xi32, #tpu.memory_space<vmem>> -> memref<1x128xi32, #tpu.memory_space<vmem>>
        %dma_wait3A_88 = arith.constant 0 : i32
        %dma_wait3A_89 = tpu.memref_slice %arg3[%add3A_60, %dma_wait3A_88] : memref<625x128xi32, #tpu.memory_space<hbm>> -> memref<1x128xi32, #tpu.memory_space<hbm>>
        tpu.wait_dma2 semaphore(%arg10 : memref<!tpu.dma_semaphore, #tpu.memory_space<semaphore_mem>>) src(%dma_wait3A_89 : memref<1x128xi32, #tpu.memory_space<hbm>>) dst(%dma_wait3A_87 : memref<1x128xi32, #tpu.memory_space<vmem>>)
        %run_scoped3A = arith.constant 1 : i32
        %run_scoped3A_90 = arith.constant 1 : i32
        "tpu.region"() ({
          %run_scoped3A_91 = tpu.sem_alloc : memref<!tpu.dma_semaphore, #tpu.memory_space<semaphore_mem>>
          %dma_start3A = arith.constant 0 : i32
          %dma_start3A_92 = arith.constant 0 : i32
          %dma_start3A_93 = tpu.memref_slice %arg7[%run_scoped3A, %dma_start3A, %dma_start3A_92] : memref<2x128x128xf32, #tpu.memory_space<vmem>> -> memref<1x128x128xf32, #tpu.memory_space<vmem>>
          %dma_start3A_94 = tpu.memref_squeeze %dma_start3A_93 : memref<1x128x128xf32, #tpu.memory_space<vmem>> -> memref<128x128xf32, #tpu.memory_space<vmem>>
          %dma_start3A_95 = arith.constant 0 : i32
          %dma_start3A_96 = tpu.memref_slice %arg8[%run_scoped3A_90, %dma_start3A_95] : memref<2x128xi32, #tpu.memory_space<vmem>> -> memref<1x128xi32, #tpu.memory_space<vmem>>
          %dma_start3A_97 = tpu.memref_squeeze %dma_start3A_96 : memref<1x128xi32, #tpu.memory_space<vmem>> -> memref<128xi32, #tpu.memory_space<vmem>>
          %dma_start3A_98 = arith.constant 0 : i32
          %dma_start3A_99 = arith.constant 0 : i32
          %dma_start3A_100 = tpu.memref_slice %arg6[%dma_start3A_98, %dma_start3A_99] : memref<10240x128xf32, #tpu.memory_space<vmem_shared>> -> memref<10240x128xf32, #tpu.memory_space<vmem_shared>>
          tpu.enqueue_indirect_dma source(%dma_start3A_94 : memref<128x128xf32, #tpu.memory_space<vmem>>) target(%dma_start3A_100 : memref<10240x128xf32, #tpu.memory_space<vmem_shared>>) offsets(%dma_start3A_97 : memref<128xi32, #tpu.memory_space<vmem>>) semaphore(%run_scoped3A_91 : memref<!tpu.dma_semaphore, #tpu.memory_space<semaphore_mem>>) {add = true}
          %dma_wait3A_101 = arith.constant 0 : i32
          %dma_wait3A_102 = arith.constant 0 : i32
          %dma_wait3A_103 = tpu.memref_slice %arg7[%run_scoped3A, %dma_wait3A_101, %dma_wait3A_102] : memref<2x128x128xf32, #tpu.memory_space<vmem>> -> memref<1x128x128xf32, #tpu.memory_space<vmem>>
          %dma_wait3A_104 = tpu.memref_squeeze %dma_wait3A_103 : memref<1x128x128xf32, #tpu.memory_space<vmem>> -> memref<128x128xf32, #tpu.memory_space<vmem>>
          %dma_wait3A_105 = arith.constant 0 : i32
          %dma_wait3A_106 = tpu.memref_slice %arg8[%run_scoped3A_90, %dma_wait3A_105] : memref<2x128xi32, #tpu.memory_space<vmem>> -> memref<1x128xi32, #tpu.memory_space<vmem>>
          %dma_wait3A_107 = tpu.memref_squeeze %dma_wait3A_106 : memref<1x128xi32, #tpu.memory_space<vmem>> -> memref<128xi32, #tpu.memory_space<vmem>>
          %dma_wait3A_108 = arith.constant 0 : i32
          %dma_wait3A_109 = arith.constant 0 : i32
          %dma_wait3A_110 = tpu.memref_slice %arg6[%dma_wait3A_108, %dma_wait3A_109] : memref<10240x128xf32, #tpu.memory_space<vmem_shared>> -> memref<10240x128xf32, #tpu.memory_space<vmem_shared>>
          tpu.wait_indirect_dma semaphore(%run_scoped3A_91 : memref<!tpu.dma_semaphore, #tpu.memory_space<semaphore_mem>>) src(%dma_wait3A_104 : memref<128x128xf32, #tpu.memory_space<vmem>>) dst(%dma_wait3A_110 : memref<10240x128xf32, #tpu.memory_space<vmem_shared>>)
          tpu.yield
        }) : () -> ()
      } else {
      }
    }
    %scan3A_13 = arith.constant 10 : i32
    %barrier3A_14 = arith.constant 0 : index
    tpu.barrier barrier_id(%barrier3A_14)
    %mul3A_15 = arith.constant 640 : i32
    %mul3A_16 = arith.muli %arg1, %mul3A_15 : i32
    %mul3A_17 = arith.constant 640 : i32
    %mul3A_18 = arith.muli %arg1, %mul3A_17 : i32
    "tpu.region"() ({
      %run_scoped3A = tpu.sem_alloc : memref<!tpu.dma_semaphore, #tpu.memory_space<semaphore_mem>>
      %dma_start3A = arith.constant 0 : i32
      %dma_start3A_19 = arith.constant 0 : i32
      %dma_start3A_20 = tpu.memref_slice %arg5[%arg0, %dma_start3A, %dma_start3A_19] : memref<2x10240x128xf32, #tpu.memory_space<hbm>> -> memref<1x10240x128xf32, #tpu.memory_space<hbm>>
      %dma_start3A_21 = tpu.memref_squeeze %dma_start3A_20 : memref<1x10240x128xf32, #tpu.memory_space<hbm>> -> memref<10240x128xf32, #tpu.memory_space<hbm>>
      %dma_start3A_22 = arith.constant 0 : i32
      %dma_start3A_23 = tpu.memref_slice %dma_start3A_21[%mul3A_18, %dma_start3A_22] : memref<10240x128xf32, #tpu.memory_space<hbm>> -> memref<640x128xf32, #tpu.memory_space<hbm>>
      %dma_start3A_24 = arith.constant 0 : i32
      %dma_start3A_25 = tpu.memref_slice %arg6[%mul3A_16, %dma_start3A_24] : memref<10240x128xf32, #tpu.memory_space<vmem_shared>> -> memref<640x128xf32, #tpu.memory_space<vmem_shared>>
      tpu.enqueue_dma source(%dma_start3A_25 : memref<640x128xf32, #tpu.memory_space<vmem_shared>>) target(%dma_start3A_23 : memref<640x128xf32, #tpu.memory_space<hbm>>) target_semaphore(%run_scoped3A : memref<!tpu.dma_semaphore, #tpu.memory_space<semaphore_mem>>)
      %dma_wait3A = arith.constant 0 : i32
      %dma_wait3A_26 = arith.constant 0 : i32
      %dma_wait3A_27 = tpu.memref_slice %arg5[%arg0, %dma_wait3A, %dma_wait3A_26] : memref<2x10240x128xf32, #tpu.memory_space<hbm>> -> memref<1x10240x128xf32, #tpu.memory_space<hbm>>
      %dma_wait3A_28 = tpu.memref_squeeze %dma_wait3A_27 : memref<1x10240x128xf32, #tpu.memory_space<hbm>> -> memref<10240x128xf32, #tpu.memory_space<hbm>>
      %dma_wait3A_29 = arith.constant 0 : i32
      %dma_wait3A_30 = tpu.memref_slice %dma_wait3A_28[%mul3A_18, %dma_wait3A_29] : memref<10240x128xf32, #tpu.memory_space<hbm>> -> memref<640x128xf32, #tpu.memory_space<hbm>>
      %dma_wait3A_31 = arith.constant 0 : i32
      %dma_wait3A_32 = tpu.memref_slice %arg6[%mul3A_16, %dma_wait3A_31] : memref<10240x128xf32, #tpu.memory_space<vmem_shared>> -> memref<640x128xf32, #tpu.memory_space<vmem_shared>>
      tpu.wait_dma2 semaphore(%run_scoped3A : memref<!tpu.dma_semaphore, #tpu.memory_space<semaphore_mem>>) src(%dma_wait3A_32 : memref<640x128xf32, #tpu.memory_space<vmem_shared>>) dst(%dma_wait3A_30 : memref<640x128xf32, #tpu.memory_space<hbm>>)
      tpu.yield
    }) : () -> ()
    return
  }
}

#map = affine_map<(d0, d1) -> (0, 0)>
#map1 = affine_map<(d0, d1) -> (0, 0, 0)>
module attributes {stable_mosaic.version = 14 : i64} {
  func.func @scatter_kernel(%arg0: i32, %arg1: i32, %arg2: memref<80000x128xf32, #tpu.memory_space<hbm>>, %arg3: memref<625x128xi32, #tpu.memory_space<hbm>>, %arg4: memref<10240x128xf32, #tpu.memory_space<hbm>>, %arg5: memref<2x10240x128xf32, #tpu.memory_space<hbm>>, %arg6: memref<10240x128xf32, #tpu.memory_space<vmem_shared>>, %arg7: memref<2x128x128xf32, #tpu.memory_space<vmem>>, %arg8: memref<2x128xi32, #tpu.memory_space<vmem>>, %arg9: memref<!tpu.dma_semaphore, #tpu.memory_space<semaphore_mem>>, %arg10: memref<!tpu.dma_semaphore, #tpu.memory_space<semaphore_mem>>) attributes {dimension_semantics = [#tpu.dimension_semantics<core_parallel>, #tpu.dimension_semantics<subcore_parallel>], iteration_bounds = array<i64: 2, 16>, scalar_prefetch = 0 : i64, scratch_operands = 5 : i64, tpu.core_type = #tpu.core_type<sc_vector_subcore>, window_params = [{transform_indices = #map}, {transform_indices = #map}, {transform_indices = #map}, {transform_indices = #map1}]} {
    %mul3A = arith.constant 16 : i32
    %mul3A_0 = arith.muli %arg0, %mul3A : i32
    %add3A = arith.addi %mul3A_0, %arg1 : i32
    %mul3A_1 = arith.constant 640 : i32
    %mul3A_2 = arith.muli %arg1, %mul3A_1 : i32
    %mul3A_3 = arith.constant 640 : i32
    %mul3A_4 = arith.muli %arg1, %mul3A_3 : i32
    "tpu.region"() ({
      %run_scoped3A = tpu.sem_alloc : memref<!tpu.dma_semaphore, #tpu.memory_space<semaphore_mem>>
      %dma_start3A = arith.constant 0 : i32
      %dma_start3A_19 = tpu.memref_slice %arg6[%mul3A_4, %dma_start3A] : memref<10240x128xf32, #tpu.memory_space<vmem_shared>> -> memref<640x128xf32, #tpu.memory_space<vmem_shared>>
      %dma_start3A_20 = arith.constant 0 : i32
      %dma_start3A_21 = tpu.memref_slice %arg4[%mul3A_2, %dma_start3A_20] : memref<10240x128xf32, #tpu.memory_space<hbm>> -> memref<640x128xf32, #tpu.memory_space<hbm>>
      tpu.enqueue_dma source(%dma_start3A_21 : memref<640x128xf32, #tpu.memory_space<hbm>>) target(%dma_start3A_19 : memref<640x128xf32, #tpu.memory_space<vmem_shared>>) target_semaphore(%run_scoped3A : memref<!tpu.dma_semaphore, #tpu.memory_space<semaphore_mem>>)
      %dma_wait3A = arith.constant 0 : i32
      %dma_wait3A_22 = tpu.memref_slice %arg6[%mul3A_4, %dma_wait3A] : memref<10240x128xf32, #tpu.memory_space<vmem_shared>> -> memref<640x128xf32, #tpu.memory_space<vmem_shared>>
      %dma_wait3A_23 = arith.constant 0 : i32
      %dma_wait3A_24 = tpu.memref_slice %arg4[%mul3A_2, %dma_wait3A_23] : memref<10240x128xf32, #tpu.memory_space<hbm>> -> memref<640x128xf32, #tpu.memory_space<hbm>>
      tpu.wait_dma2 semaphore(%run_scoped3A : memref<!tpu.dma_semaphore, #tpu.memory_space<semaphore_mem>>) src(%dma_wait3A_24 : memref<640x128xf32, #tpu.memory_space<hbm>>) dst(%dma_wait3A_22 : memref<640x128xf32, #tpu.memory_space<vmem_shared>>)
      tpu.yield
    }) : () -> ()
    %barrier3A = arith.constant 0 : index
    tpu.barrier barrier_id(%barrier3A)
    %add3A_5 = arith.constant 0 : i32
    %add3A_6 = arith.addi %add3A, %add3A_5 : i32
    %lt3A = arith.constant 625 : i32
    %lt3A_7 = arith.cmpi slt, %add3A_6, %lt3A : i32
    %convert_element_type3A = arith.extui %lt3A_7 : i1 to i32
    %cond3A = arith.constant 0 : i32
    %cond3A_8 = arith.cmpi ne, %convert_element_type3A, %cond3A : i32
    scf.if %cond3A_8 {
      %mul3A_19 = arith.constant 128 : i32
      %mul3A_20 = arith.muli %add3A_6, %mul3A_19 : i32
      %dma_start3A = arith.constant 0 : i32
      %dma_start3A_21 = arith.constant 0 : i32
      %dma_start3A_22 = arith.constant 0 : i32
      %dma_start3A_23 = tpu.memref_slice %arg7[%dma_start3A, %dma_start3A_21, %dma_start3A_22] : memref<2x128x128xf32, #tpu.memory_space<vmem>> -> memref<1x128x128xf32, #tpu.memory_space<vmem>>
      %dma_start3A_24 = tpu.memref_squeeze %dma_start3A_23 : memref<1x128x128xf32, #tpu.memory_space<vmem>> -> memref<128x128xf32, #tpu.memory_space<vmem>>
      %dma_start3A_25 = arith.constant 0 : i32
      %dma_start3A_26 = tpu.memref_slice %arg2[%mul3A_20, %dma_start3A_25] : memref<80000x128xf32, #tpu.memory_space<hbm>> -> memref<128x128xf32, #tpu.memory_space<hbm>>
      %dma_start3A_27 = arith.constant 0 : i32
      %dma_start3A_28 = arith.constant 0 : i32
      %dma_start3A_29 = tpu.memref_slice %arg7[%dma_start3A, %dma_start3A_27, %dma_start3A_28] : memref<2x128x128xf32, #tpu.memory_space<vmem>> -> memref<1x128x128xf32, #tpu.memory_space<vmem>>
      %dma_start3A_30 = tpu.memref_squeeze %dma_start3A_29 : memref<1x128x128xf32, #tpu.memory_space<vmem>> -> memref<128x128xf32, #tpu.memory_space<vmem>>
      %dma_start3A_31 = arith.constant 0 : i32
      %dma_start3A_32 = tpu.memref_slice %arg2[%mul3A_20, %dma_start3A_31] : memref<80000x128xf32, #tpu.memory_space<hbm>> -> memref<128x128xf32, #tpu.memory_space<hbm>>
      tpu.enqueue_dma source(%dma_start3A_32 : memref<128x128xf32, #tpu.memory_space<hbm>>) target(%dma_start3A_30 : memref<128x128xf32, #tpu.memory_space<vmem>>) target_semaphore(%arg9 : memref<!tpu.dma_semaphore, #tpu.memory_space<semaphore_mem>>)
      %dma_start3A_33 = arith.constant 0 : i32
      %dma_start3A_34 = arith.constant 0 : i32
      %dma_start3A_35 = tpu.memref_slice %arg8[%dma_start3A_33, %dma_start3A_34] : memref<2x128xi32, #tpu.memory_space<vmem>> -> memref<1x128xi32, #tpu.memory_space<vmem>>
      %dma_start3A_36 = arith.constant 0 : i32
      %dma_start3A_37 = tpu.memref_slice %arg3[%add3A_6, %dma_start3A_36] : memref<625x128xi32, #tpu.memory_space<hbm>> -> memref<1x128xi32, #tpu.memory_space<hbm>>
      %dma_start3A_38 = arith.constant 0 : i32
      %dma_start3A_39 = arith.constant 0 : i32
      %dma_start3A_40 = tpu.memref_slice %arg8[%dma_start3A_38, %dma_start3A_39] : memref<2x128xi32, #tpu.memory_space<vmem>> -> memref<1x128xi32, #tpu.memory_space<vmem>>
      %dma_start3A_41 = arith.constant 0 : i32
      %dma_start3A_42 = tpu.memref_slice %arg3[%add3A_6, %dma_start3A_41] : memref<625x128xi32, #tpu.memory_space<hbm>> -> memref<1x128xi32, #tpu.memory_space<hbm>>
      tpu.enqueue_dma source(%dma_start3A_42 : memref<1x128xi32, #tpu.memory_space<hbm>>) target(%dma_start3A_40 : memref<1x128xi32, #tpu.memory_space<vmem>>) target_semaphore(%arg9 : memref<!tpu.dma_semaphore, #tpu.memory_space<semaphore_mem>>)
    } else {
    }
    %scan3A = arith.constant 0 : i32
    %scan3A_9 = arith.constant 0 : i32
    %scan3A_10 = arith.constant 10 : i32
    %scan3A_11 = arith.addi %scan3A_9, %scan3A_10 : i32
    %scan3A_12 = arith.constant 1 : i32
    scf.for %scan3A_19 = %scan3A_9 to %scan3A_11 step %scan3A_12  : i32 {
      %mul3A_20 = arith.constant 2 : i32
      %mul3A_21 = arith.muli %mul3A_20, %scan3A_19 : i32
      %add3A_22 = arith.constant 1 : i32
      %add3A_23 = arith.addi %mul3A_21, %add3A_22 : i32
      %mul3A_24 = arith.constant 32 : i32
      %mul3A_25 = arith.muli %add3A_23, %mul3A_24 : i32
      %add3A_26 = arith.addi %add3A, %mul3A_25 : i32
      %lt3A_27 = arith.constant 625 : i32
      %lt3A_28 = arith.cmpi slt, %add3A_26, %lt3A_27 : i32
      %convert_element_type3A_29 = arith.extui %lt3A_28 : i1 to i32
      %cond3A_30 = arith.constant 0 : i32
      %cond3A_31 = arith.cmpi ne, %convert_element_type3A_29, %cond3A_30 : i32
      scf.if %cond3A_31 {
        %mul3A_66 = arith.constant 128 : i32
        %mul3A_67 = arith.muli %add3A_26, %mul3A_66 : i32
        %dma_start3A = arith.constant 1 : i32
        %dma_start3A_68 = arith.constant 0 : i32
        %dma_start3A_69 = arith.constant 0 : i32
        %dma_start3A_70 = tpu.memref_slice %arg7[%dma_start3A, %dma_start3A_68, %dma_start3A_69] : memref<2x128x128xf32, #tpu.memory_space<vmem>> -> memref<1x128x128xf32, #tpu.memory_space<vmem>>
        %dma_start3A_71 = tpu.memref_squeeze %dma_start3A_70 : memref<1x128x128xf32, #tpu.memory_space<vmem>> -> memref<128x128xf32, #tpu.memory_space<vmem>>
        %dma_start3A_72 = arith.constant 0 : i32
        %dma_start3A_73 = tpu.memref_slice %arg2[%mul3A_67, %dma_start3A_72] : memref<80000x128xf32, #tpu.memory_space<hbm>> -> memref<128x128xf32, #tpu.memory_space<hbm>>
        %dma_start3A_74 = arith.constant 0 : i32
        %dma_start3A_75 = arith.constant 0 : i32
        %dma_start3A_76 = tpu.memref_slice %arg7[%dma_start3A, %dma_start3A_74, %dma_start3A_75] : memref<2x128x128xf32, #tpu.memory_space<vmem>> -> memref<1x128x128xf32, #tpu.memory_space<vmem>>
        %dma_start3A_77 = tpu.memref_squeeze %dma_start3A_76 : memref<1x128x128xf32, #tpu.memory_space<vmem>> -> memref<128x128xf32, #tpu.memory_space<vmem>>
        %dma_start3A_78 = arith.constant 0 : i32
        %dma_start3A_79 = tpu.memref_slice %arg2[%mul3A_67, %dma_start3A_78] : memref<80000x128xf32, #tpu.memory_space<hbm>> -> memref<128x128xf32, #tpu.memory_space<hbm>>
        tpu.enqueue_dma source(%dma_start3A_79 : memref<128x128xf32, #tpu.memory_space<hbm>>) target(%dma_start3A_77 : memref<128x128xf32, #tpu.memory_space<vmem>>) target_semaphore(%arg10 : memref<!tpu.dma_semaphore, #tpu.memory_space<semaphore_mem>>)
        %dma_start3A_80 = arith.constant 1 : i32
        %dma_start3A_81 = arith.constant 0 : i32
        %dma_start3A_82 = tpu.memref_slice %arg8[%dma_start3A_80, %dma_start3A_81] : memref<2x128xi32, #tpu.memory_space<vmem>> -> memref<1x128xi32, #tpu.memory_space<vmem>>
        %dma_start3A_83 = arith.constant 0 : i32
        %dma_start3A_84 = tpu.memref_slice %arg3[%add3A_26, %dma_start3A_83] : memref<625x128xi32, #tpu.memory_space<hbm>> -> memref<1x128xi32, #tpu.memory_space<hbm>>
        %dma_start3A_85 = arith.constant 1 : i32
        %dma_start3A_86 = arith.constant 0 : i32
        %dma_start3A_87 = tpu.memref_slice %arg8[%dma_start3A_85, %dma_start3A_86] : memref<2x128xi32, #tpu.memory_space<vmem>> -> memref<1x128xi32, #tpu.memory_space<vmem>>
        %dma_start3A_88 = arith.constant 0 : i32
        %dma_start3A_89 = tpu.memref_slice %arg3[%add3A_26, %dma_start3A_88] : memref<625x128xi32, #tpu.memory_space<hbm>> -> memref<1x128xi32, #tpu.memory_space<hbm>>
        tpu.enqueue_dma source(%dma_start3A_89 : memref<1x128xi32, #tpu.memory_space<hbm>>) target(%dma_start3A_87 : memref<1x128xi32, #tpu.memory_space<vmem>>) target_semaphore(%arg10 : memref<!tpu.dma_semaphore, #tpu.memory_space<semaphore_mem>>)
      } else {
      }
      %mul3A_32 = arith.constant 2 : i32
      %mul3A_33 = arith.muli %mul3A_32, %scan3A_19 : i32
      %mul3A_34 = arith.constant 32 : i32
      %mul3A_35 = arith.muli %mul3A_33, %mul3A_34 : i32
      %add3A_36 = arith.addi %add3A, %mul3A_35 : i32
      %lt3A_37 = arith.constant 625 : i32
      %lt3A_38 = arith.cmpi slt, %add3A_36, %lt3A_37 : i32
      %convert_element_type3A_39 = arith.extui %lt3A_38 : i1 to i32
      %cond3A_40 = arith.constant 0 : i32
      %cond3A_41 = arith.cmpi ne, %convert_element_type3A_39, %cond3A_40 : i32
      scf.if %cond3A_41 {
        %mul3A_66 = arith.constant 128 : i32
        %mul3A_67 = arith.muli %add3A_36, %mul3A_66 : i32
        %dma_wait3A = arith.constant 0 : i32
        %dma_wait3A_68 = arith.constant 0 : i32
        %dma_wait3A_69 = arith.constant 0 : i32
        %dma_wait3A_70 = tpu.memref_slice %arg7[%dma_wait3A, %dma_wait3A_68, %dma_wait3A_69] : memref<2x128x128xf32, #tpu.memory_space<vmem>> -> memref<1x128x128xf32, #tpu.memory_space<vmem>>
        %dma_wait3A_71 = tpu.memref_squeeze %dma_wait3A_70 : memref<1x128x128xf32, #tpu.memory_space<vmem>> -> memref<128x128xf32, #tpu.memory_space<vmem>>
        %dma_wait3A_72 = arith.constant 0 : i32
        %dma_wait3A_73 = tpu.memref_slice %arg2[%mul3A_67, %dma_wait3A_72] : memref<80000x128xf32, #tpu.memory_space<hbm>> -> memref<128x128xf32, #tpu.memory_space<hbm>>
        %dma_wait3A_74 = arith.constant 0 : i32
        %dma_wait3A_75 = arith.constant 0 : i32
        %dma_wait3A_76 = tpu.memref_slice %arg7[%dma_wait3A, %dma_wait3A_74, %dma_wait3A_75] : memref<2x128x128xf32, #tpu.memory_space<vmem>> -> memref<1x128x128xf32, #tpu.memory_space<vmem>>
        %dma_wait3A_77 = tpu.memref_squeeze %dma_wait3A_76 : memref<1x128x128xf32, #tpu.memory_space<vmem>> -> memref<128x128xf32, #tpu.memory_space<vmem>>
        %dma_wait3A_78 = arith.constant 0 : i32
        %dma_wait3A_79 = tpu.memref_slice %arg2[%mul3A_67, %dma_wait3A_78] : memref<80000x128xf32, #tpu.memory_space<hbm>> -> memref<128x128xf32, #tpu.memory_space<hbm>>
        tpu.wait_dma2 semaphore(%arg9 : memref<!tpu.dma_semaphore, #tpu.memory_space<semaphore_mem>>) src(%dma_wait3A_79 : memref<128x128xf32, #tpu.memory_space<hbm>>) dst(%dma_wait3A_77 : memref<128x128xf32, #tpu.memory_space<vmem>>)
        %dma_wait3A_80 = arith.constant 0 : i32
        %dma_wait3A_81 = arith.constant 0 : i32
        %dma_wait3A_82 = tpu.memref_slice %arg8[%dma_wait3A_80, %dma_wait3A_81] : memref<2x128xi32, #tpu.memory_space<vmem>> -> memref<1x128xi32, #tpu.memory_space<vmem>>
        %dma_wait3A_83 = arith.constant 0 : i32
        %dma_wait3A_84 = tpu.memref_slice %arg3[%add3A_36, %dma_wait3A_83] : memref<625x128xi32, #tpu.memory_space<hbm>> -> memref<1x128xi32, #tpu.memory_space<hbm>>
        %dma_wait3A_85 = arith.constant 0 : i32
        %dma_wait3A_86 = arith.constant 0 : i32
        %dma_wait3A_87 = tpu.memref_slice %arg8[%dma_wait3A_85, %dma_wait3A_86] : memref<2x128xi32, #tpu.memory_space<vmem>> -> memref<1x128xi32, #tpu.memory_space<vmem>>
        %dma_wait3A_88 = arith.constant 0 : i32
        %dma_wait3A_89 = tpu.memref_slice %arg3[%add3A_36, %dma_wait3A_88] : memref<625x128xi32, #tpu.memory_space<hbm>> -> memref<1x128xi32, #tpu.memory_space<hbm>>
        tpu.wait_dma2 semaphore(%arg9 : memref<!tpu.dma_semaphore, #tpu.memory_space<semaphore_mem>>) src(%dma_wait3A_89 : memref<1x128xi32, #tpu.memory_space<hbm>>) dst(%dma_wait3A_87 : memref<1x128xi32, #tpu.memory_space<vmem>>)
        %run_scoped3A = arith.constant 0 : i32
        %run_scoped3A_90 = arith.constant 0 : i32
        "tpu.region"() ({
          %run_scoped3A_91 = tpu.sem_alloc : memref<!tpu.dma_semaphore, #tpu.memory_space<semaphore_mem>>
          %dma_start3A = arith.constant 0 : i32
          %dma_start3A_92 = arith.constant 0 : i32
          %dma_start3A_93 = tpu.memref_slice %arg7[%run_scoped3A, %dma_start3A, %dma_start3A_92] : memref<2x128x128xf32, #tpu.memory_space<vmem>> -> memref<1x128x128xf32, #tpu.memory_space<vmem>>
          %dma_start3A_94 = tpu.memref_squeeze %dma_start3A_93 : memref<1x128x128xf32, #tpu.memory_space<vmem>> -> memref<128x128xf32, #tpu.memory_space<vmem>>
          %dma_start3A_95 = arith.constant 0 : i32
          %dma_start3A_96 = tpu.memref_slice %arg8[%run_scoped3A_90, %dma_start3A_95] : memref<2x128xi32, #tpu.memory_space<vmem>> -> memref<1x128xi32, #tpu.memory_space<vmem>>
          %dma_start3A_97 = tpu.memref_squeeze %dma_start3A_96 : memref<1x128xi32, #tpu.memory_space<vmem>> -> memref<128xi32, #tpu.memory_space<vmem>>
          %dma_start3A_98 = arith.constant 0 : i32
          %dma_start3A_99 = arith.constant 0 : i32
          %dma_start3A_100 = tpu.memref_slice %arg6[%dma_start3A_98, %dma_start3A_99] : memref<10240x128xf32, #tpu.memory_space<vmem_shared>> -> memref<10240x128xf32, #tpu.memory_space<vmem_shared>>
          tpu.enqueue_indirect_dma source(%dma_start3A_94 : memref<128x128xf32, #tpu.memory_space<vmem>>) target(%dma_start3A_100 : memref<10240x128xf32, #tpu.memory_space<vmem_shared>>) offsets(%dma_start3A_97 : memref<128xi32, #tpu.memory_space<vmem>>) semaphore(%run_scoped3A_91 : memref<!tpu.dma_semaphore, #tpu.memory_space<semaphore_mem>>) {add = true}
          %dma_wait3A_101 = arith.constant 0 : i32
          %dma_wait3A_102 = arith.constant 0 : i32
          %dma_wait3A_103 = tpu.memref_slice %arg7[%run_scoped3A, %dma_wait3A_101, %dma_wait3A_102] : memref<2x128x128xf32, #tpu.memory_space<vmem>> -> memref<1x128x128xf32, #tpu.memory_space<vmem>>
          %dma_wait3A_104 = tpu.memref_squeeze %dma_wait3A_103 : memref<1x128x128xf32, #tpu.memory_space<vmem>> -> memref<128x128xf32, #tpu.memory_space<vmem>>
          %dma_wait3A_105 = arith.constant 0 : i32
          %dma_wait3A_106 = tpu.memref_slice %arg8[%run_scoped3A_90, %dma_wait3A_105] : memref<2x128xi32, #tpu.memory_space<vmem>> -> memref<1x128xi32, #tpu.memory_space<vmem>>
          %dma_wait3A_107 = tpu.memref_squeeze %dma_wait3A_106 : memref<1x128xi32, #tpu.memory_space<vmem>> -> memref<128xi32, #tpu.memory_space<vmem>>
          %dma_wait3A_108 = arith.constant 0 : i32
          %dma_wait3A_109 = arith.constant 0 : i32
          %dma_wait3A_110 = tpu.memref_slice %arg6[%dma_wait3A_108, %dma_wait3A_109] : memref<10240x128xf32, #tpu.memory_space<vmem_shared>> -> memref<10240x128xf32, #tpu.memory_space<vmem_shared>>
          tpu.wait_indirect_dma semaphore(%run_scoped3A_91 : memref<!tpu.dma_semaphore, #tpu.memory_space<semaphore_mem>>) src(%dma_wait3A_104 : memref<128x128xf32, #tpu.memory_space<vmem>>) dst(%dma_wait3A_110 : memref<10240x128xf32, #tpu.memory_space<vmem_shared>>)
          tpu.yield
        }) : () -> ()
      } else {
      }
      %mul3A_42 = arith.constant 2 : i32
      %mul3A_43 = arith.muli %mul3A_42, %scan3A_19 : i32
      %add3A_44 = arith.constant 2 : i32
      %add3A_45 = arith.addi %mul3A_43, %add3A_44 : i32
      %mul3A_46 = arith.constant 32 : i32
      %mul3A_47 = arith.muli %add3A_45, %mul3A_46 : i32
      %add3A_48 = arith.addi %add3A, %mul3A_47 : i32
      %lt3A_49 = arith.constant 625 : i32
      %lt3A_50 = arith.cmpi slt, %add3A_48, %lt3A_49 : i32
      %convert_element_type3A_51 = arith.extui %lt3A_50 : i1 to i32
      %cond3A_52 = arith.constant 0 : i32
      %cond3A_53 = arith.cmpi ne, %convert_element_type3A_51, %cond3A_52 : i32
      scf.if %cond3A_53 {
        %mul3A_66 = arith.constant 128 : i32
        %mul3A_67 = arith.muli %add3A_48, %mul3A_66 : i32
        %dma_start3A = arith.constant 0 : i32
        %dma_start3A_68 = arith.constant 0 : i32
        %dma_start3A_69 = arith.constant 0 : i32
        %dma_start3A_70 = tpu.memref_slice %arg7[%dma_start3A, %dma_start3A_68, %dma_start3A_69] : memref<2x128x128xf32, #tpu.memory_space<vmem>> -> memref<1x128x128xf32, #tpu.memory_space<vmem>>
        %dma_start3A_71 = tpu.memref_squeeze %dma_start3A_70 : memref<1x128x128xf32, #tpu.memory_space<vmem>> -> memref<128x128xf32, #tpu.memory_space<vmem>>
        %dma_start3A_72 = arith.constant 0 : i32
        %dma_start3A_73 = tpu.memref_slice %arg2[%mul3A_67, %dma_start3A_72] : memref<80000x128xf32, #tpu.memory_space<hbm>> -> memref<128x128xf32, #tpu.memory_space<hbm>>
        %dma_start3A_74 = arith.constant 0 : i32
        %dma_start3A_75 = arith.constant 0 : i32
        %dma_start3A_76 = tpu.memref_slice %arg7[%dma_start3A, %dma_start3A_74, %dma_start3A_75] : memref<2x128x128xf32, #tpu.memory_space<vmem>> -> memref<1x128x128xf32, #tpu.memory_space<vmem>>
        %dma_start3A_77 = tpu.memref_squeeze %dma_start3A_76 : memref<1x128x128xf32, #tpu.memory_space<vmem>> -> memref<128x128xf32, #tpu.memory_space<vmem>>
        %dma_start3A_78 = arith.constant 0 : i32
        %dma_start3A_79 = tpu.memref_slice %arg2[%mul3A_67, %dma_start3A_78] : memref<80000x128xf32, #tpu.memory_space<hbm>> -> memref<128x128xf32, #tpu.memory_space<hbm>>
        tpu.enqueue_dma source(%dma_start3A_79 : memref<128x128xf32, #tpu.memory_space<hbm>>) target(%dma_start3A_77 : memref<128x128xf32, #tpu.memory_space<vmem>>) target_semaphore(%arg9 : memref<!tpu.dma_semaphore, #tpu.memory_space<semaphore_mem>>)
        %dma_start3A_80 = arith.constant 0 : i32
        %dma_start3A_81 = arith.constant 0 : i32
        %dma_start3A_82 = tpu.memref_slice %arg8[%dma_start3A_80, %dma_start3A_81] : memref<2x128xi32, #tpu.memory_space<vmem>> -> memref<1x128xi32, #tpu.memory_space<vmem>>
        %dma_start3A_83 = arith.constant 0 : i32
        %dma_start3A_84 = tpu.memref_slice %arg3[%add3A_48, %dma_start3A_83] : memref<625x128xi32, #tpu.memory_space<hbm>> -> memref<1x128xi32, #tpu.memory_space<hbm>>
        %dma_start3A_85 = arith.constant 0 : i32
        %dma_start3A_86 = arith.constant 0 : i32
        %dma_start3A_87 = tpu.memref_slice %arg8[%dma_start3A_85, %dma_start3A_86] : memref<2x128xi32, #tpu.memory_space<vmem>> -> memref<1x128xi32, #tpu.memory_space<vmem>>
        %dma_start3A_88 = arith.constant 0 : i32
        %dma_start3A_89 = tpu.memref_slice %arg3[%add3A_48, %dma_start3A_88] : memref<625x128xi32, #tpu.memory_space<hbm>> -> memref<1x128xi32, #tpu.memory_space<hbm>>
        tpu.enqueue_dma source(%dma_start3A_89 : memref<1x128xi32, #tpu.memory_space<hbm>>) target(%dma_start3A_87 : memref<1x128xi32, #tpu.memory_space<vmem>>) target_semaphore(%arg9 : memref<!tpu.dma_semaphore, #tpu.memory_space<semaphore_mem>>)
      } else {
      }
      %mul3A_54 = arith.constant 2 : i32
      %mul3A_55 = arith.muli %mul3A_54, %scan3A_19 : i32
      %add3A_56 = arith.constant 1 : i32
      %add3A_57 = arith.addi %mul3A_55, %add3A_56 : i32
      %mul3A_58 = arith.constant 32 : i32
      %mul3A_59 = arith.muli %add3A_57, %mul3A_58 : i32
      %add3A_60 = arith.addi %add3A, %mul3A_59 : i32
      %lt3A_61 = arith.constant 625 : i32
      %lt3A_62 = arith.cmpi slt, %add3A_60, %lt3A_61 : i32
      %convert_element_type3A_63 = arith.extui %lt3A_62 : i1 to i32
      %cond3A_64 = arith.constant 0 : i32
      %cond3A_65 = arith.cmpi ne, %convert_element_type3A_63, %cond3A_64 : i32
      scf.if %cond3A_65 {
        %mul3A_66 = arith.constant 128 : i32
        %mul3A_67 = arith.muli %add3A_60, %mul3A_66 : i32
        %dma_wait3A = arith.constant 1 : i32
        %dma_wait3A_68 = arith.constant 0 : i32
        %dma_wait3A_69 = arith.constant 0 : i32
        %dma_wait3A_70 = tpu.memref_slice %arg7[%dma_wait3A, %dma_wait3A_68, %dma_wait3A_69] : memref<2x128x128xf32, #tpu.memory_space<vmem>> -> memref<1x128x128xf32, #tpu.memory_space<vmem>>
        %dma_wait3A_71 = tpu.memref_squeeze %dma_wait3A_70 : memref<1x128x128xf32, #tpu.memory_space<vmem>> -> memref<128x128xf32, #tpu.memory_space<vmem>>
        %dma_wait3A_72 = arith.constant 0 : i32
        %dma_wait3A_73 = tpu.memref_slice %arg2[%mul3A_67, %dma_wait3A_72] : memref<80000x128xf32, #tpu.memory_space<hbm>> -> memref<128x128xf32, #tpu.memory_space<hbm>>
        %dma_wait3A_74 = arith.constant 0 : i32
        %dma_wait3A_75 = arith.constant 0 : i32
        %dma_wait3A_76 = tpu.memref_slice %arg7[%dma_wait3A, %dma_wait3A_74, %dma_wait3A_75] : memref<2x128x128xf32, #tpu.memory_space<vmem>> -> memref<1x128x128xf32, #tpu.memory_space<vmem>>
        %dma_wait3A_77 = tpu.memref_squeeze %dma_wait3A_76 : memref<1x128x128xf32, #tpu.memory_space<vmem>> -> memref<128x128xf32, #tpu.memory_space<vmem>>
        %dma_wait3A_78 = arith.constant 0 : i32
        %dma_wait3A_79 = tpu.memref_slice %arg2[%mul3A_67, %dma_wait3A_78] : memref<80000x128xf32, #tpu.memory_space<hbm>> -> memref<128x128xf32, #tpu.memory_space<hbm>>
        tpu.wait_dma2 semaphore(%arg10 : memref<!tpu.dma_semaphore, #tpu.memory_space<semaphore_mem>>) src(%dma_wait3A_79 : memref<128x128xf32, #tpu.memory_space<hbm>>) dst(%dma_wait3A_77 : memref<128x128xf32, #tpu.memory_space<vmem>>)
        %dma_wait3A_80 = arith.constant 1 : i32
        %dma_wait3A_81 = arith.constant 0 : i32
        %dma_wait3A_82 = tpu.memref_slice %arg8[%dma_wait3A_80, %dma_wait3A_81] : memref<2x128xi32, #tpu.memory_space<vmem>> -> memref<1x128xi32, #tpu.memory_space<vmem>>
        %dma_wait3A_83 = arith.constant 0 : i32
        %dma_wait3A_84 = tpu.memref_slice %arg3[%add3A_60, %dma_wait3A_83] : memref<625x128xi32, #tpu.memory_space<hbm>> -> memref<1x128xi32, #tpu.memory_space<hbm>>
        %dma_wait3A_85 = arith.constant 1 : i32
        %dma_wait3A_86 = arith.constant 0 : i32
        %dma_wait3A_87 = tpu.memref_slice %arg8[%dma_wait3A_85, %dma_wait3A_86] : memref<2x128xi32, #tpu.memory_space<vmem>> -> memref<1x128xi32, #tpu.memory_space<vmem>>
        %dma_wait3A_88 = arith.constant 0 : i32
        %dma_wait3A_89 = tpu.memref_slice %arg3[%add3A_60, %dma_wait3A_88] : memref<625x128xi32, #tpu.memory_space<hbm>> -> memref<1x128xi32, #tpu.memory_space<hbm>>
        tpu.wait_dma2 semaphore(%arg10 : memref<!tpu.dma_semaphore, #tpu.memory_space<semaphore_mem>>) src(%dma_wait3A_89 : memref<1x128xi32, #tpu.memory_space<hbm>>) dst(%dma_wait3A_87 : memref<1x128xi32, #tpu.memory_space<vmem>>)
        %run_scoped3A = arith.constant 1 : i32
        %run_scoped3A_90 = arith.constant 1 : i32
        "tpu.region"() ({
          %run_scoped3A_91 = tpu.sem_alloc : memref<!tpu.dma_semaphore, #tpu.memory_space<semaphore_mem>>
          %dma_start3A = arith.constant 0 : i32
          %dma_start3A_92 = arith.constant 0 : i32
          %dma_start3A_93 = tpu.memref_slice %arg7[%run_scoped3A, %dma_start3A, %dma_start3A_92] : memref<2x128x128xf32, #tpu.memory_space<vmem>> -> memref<1x128x128xf32, #tpu.memory_space<vmem>>
          %dma_start3A_94 = tpu.memref_squeeze %dma_start3A_93 : memref<1x128x128xf32, #tpu.memory_space<vmem>> -> memref<128x128xf32, #tpu.memory_space<vmem>>
          %dma_start3A_95 = arith.constant 0 : i32
          %dma_start3A_96 = tpu.memref_slice %arg8[%run_scoped3A_90, %dma_start3A_95] : memref<2x128xi32, #tpu.memory_space<vmem>> -> memref<1x128xi32, #tpu.memory_space<vmem>>
          %dma_start3A_97 = tpu.memref_squeeze %dma_start3A_96 : memref<1x128xi32, #tpu.memory_space<vmem>> -> memref<128xi32, #tpu.memory_space<vmem>>
          %dma_start3A_98 = arith.constant 0 : i32
          %dma_start3A_99 = arith.constant 0 : i32
          %dma_start3A_100 = tpu.memref_slice %arg6[%dma_start3A_98, %dma_start3A_99] : memref<10240x128xf32, #tpu.memory_space<vmem_shared>> -> memref<10240x128xf32, #tpu.memory_space<vmem_shared>>
          tpu.enqueue_indirect_dma source(%dma_start3A_94 : memref<128x128xf32, #tpu.memory_space<vmem>>) target(%dma_start3A_100 : memref<10240x128xf32, #tpu.memory_space<vmem_shared>>) offsets(%dma_start3A_97 : memref<128xi32, #tpu.memory_space<vmem>>) semaphore(%run_scoped3A_91 : memref<!tpu.dma_semaphore, #tpu.memory_space<semaphore_mem>>) {add = true}
          %dma_wait3A_101 = arith.constant 0 : i32
          %dma_wait3A_102 = arith.constant 0 : i32
          %dma_wait3A_103 = tpu.memref_slice %arg7[%run_scoped3A, %dma_wait3A_101, %dma_wait3A_102] : memref<2x128x128xf32, #tpu.memory_space<vmem>> -> memref<1x128x128xf32, #tpu.memory_space<vmem>>
          %dma_wait3A_104 = tpu.memref_squeeze %dma_wait3A_103 : memref<1x128x128xf32, #tpu.memory_space<vmem>> -> memref<128x128xf32, #tpu.memory_space<vmem>>
          %dma_wait3A_105 = arith.constant 0 : i32
          %dma_wait3A_106 = tpu.memref_slice %arg8[%run_scoped3A_90, %dma_wait3A_105] : memref<2x128xi32, #tpu.memory_space<vmem>> -> memref<1x128xi32, #tpu.memory_space<vmem>>
          %dma_wait3A_107 = tpu.memref_squeeze %dma_wait3A_106 : memref<1x128xi32, #tpu.memory_space<vmem>> -> memref<128xi32, #tpu.memory_space<vmem>>
          %dma_wait3A_108 = arith.constant 0 : i32
          %dma_wait3A_109 = arith.constant 0 : i32
          %dma_wait3A_110 = tpu.memref_slice %arg6[%dma_wait3A_108, %dma_wait3A_109] : memref<10240x128xf32, #tpu.memory_space<vmem_shared>> -> memref<10240x128xf32, #tpu.memory_space<vmem_shared>>
          tpu.wait_indirect_dma semaphore(%run_scoped3A_91 : memref<!tpu.dma_semaphore, #tpu.memory_space<semaphore_mem>>) src(%dma_wait3A_104 : memref<128x128xf32, #tpu.memory_space<vmem>>) dst(%dma_wait3A_110 : memref<10240x128xf32, #tpu.memory_space<vmem_shared>>)
          tpu.yield
        }) : () -> ()
      } else {
      }
    }
    %scan3A_13 = arith.constant 10 : i32
    %barrier3A_14 = arith.constant 0 : index
    tpu.barrier barrier_id(%barrier3A_14)
    %mul3A_15 = arith.constant 640 : i32
    %mul3A_16 = arith.muli %arg1, %mul3A_15 : i32
    %mul3A_17 = arith.constant 640 : i32
    %mul3A_18 = arith.muli %arg1, %mul3A_17 : i32
    "tpu.region"() ({
      %run_scoped3A = tpu.sem_alloc : memref<!tpu.dma_semaphore, #tpu.memory_space<semaphore_mem>>
      %dma_start3A = arith.constant 0 : i32
      %dma_start3A_19 = arith.constant 0 : i32
      %dma_start3A_20 = tpu.memref_slice %arg5[%arg0, %dma_start3A, %dma_start3A_19] : memref<2x10240x128xf32, #tpu.memory_space<hbm>> -> memref<1x10240x128xf32, #tpu.memory_space<hbm>>
      %dma_start3A_21 = tpu.memref_squeeze %dma_start3A_20 : memref<1x10240x128xf32, #tpu.memory_space<hbm>> -> memref<10240x128xf32, #tpu.memory_space<hbm>>
      %dma_start3A_22 = arith.constant 0 : i32
      %dma_start3A_23 = tpu.memref_slice %dma_start3A_21[%mul3A_18, %dma_start3A_22] : memref<10240x128xf32, #tpu.memory_space<hbm>> -> memref<640x128xf32, #tpu.memory_space<hbm>>
      %dma_start3A_24 = arith.constant 0 : i32
      %dma_start3A_25 = tpu.memref_slice %arg6[%mul3A_16, %dma_start3A_24] : memref<10240x128xf32, #tpu.memory_space<vmem_shared>> -> memref<640x128xf32, #tpu.memory_space<vmem_shared>>
      tpu.enqueue_dma source(%dma_start3A_25 : memref<640x128xf32, #tpu.memory_space<vmem_shared>>) target(%dma_start3A_23 : memref<640x128xf32, #tpu.memory_space<hbm>>) target_semaphore(%run_scoped3A : memref<!tpu.dma_semaphore, #tpu.memory_space<semaphore_mem>>)
      %dma_wait3A = arith.constant 0 : i32
      %dma_wait3A_26 = arith.constant 0 : i32
      %dma_wait3A_27 = tpu.memref_slice %arg5[%arg0, %dma_wait3A, %dma_wait3A_26] : memref<2x10240x128xf32, #tpu.memory_space<hbm>> -> memref<1x10240x128xf32, #tpu.memory_space<hbm>>
      %dma_wait3A_28 = tpu.memref_squeeze %dma_wait3A_27 : memref<1x10240x128xf32, #tpu.memory_space<hbm>> -> memref<10240x128xf32, #tpu.memory_space<hbm>>
      %dma_wait3A_29 = arith.constant 0 : i32
      %dma_wait3A_30 = tpu.memref_slice %dma_wait3A_28[%mul3A_18, %dma_wait3A_29] : memref<10240x128xf32, #tpu.memory_space<hbm>> -> memref<640x128xf32, #tpu.memory_space<hbm>>
      %dma_wait3A_31 = arith.constant 0 : i32
      %dma_wait3A_32 = tpu.memref_slice %arg6[%mul3A_16, %dma_wait3A_31] : memref<10240x128xf32, #tpu.memory_space<vmem_shared>> -> memref<640x128xf32, #tpu.memory_space<vmem_shared>>
      tpu.wait_dma2 semaphore(%run_scoped3A : memref<!tpu.dma_semaphore, #tpu.memory_space<semaphore_mem>>) src(%dma_wait3A_32 : memref<640x128xf32, #tpu.memory_space<vmem_shared>>) dst(%dma_wait3A_30 : memref<640x128xf32, #tpu.memory_space<hbm>>)
      tpu.yield
    }) : () -> ()
    return
  }
}

#map = affine_map<(d0, d1) -> (0, 0)>
#map1 = affine_map<(d0, d1) -> (0, 0, 0)>
module attributes {stable_mosaic.version = 14 : i64} {
  func.func @scatter_kernel(%arg0: i32, %arg1: i32, %arg2: memref<80000x128xf32, #tpu.memory_space<hbm>>, %arg3: memref<625x128xi32, #tpu.memory_space<hbm>>, %arg4: memref<10240x128xf32, #tpu.memory_space<hbm>>, %arg5: memref<2x10240x128xf32, #tpu.memory_space<hbm>>, %arg6: memref<10240x128xf32, #tpu.memory_space<vmem_shared>>, %arg7: memref<2x128x128xf32, #tpu.memory_space<vmem>>, %arg8: memref<2x128xi32, #tpu.memory_space<vmem>>, %arg9: memref<!tpu.dma_semaphore, #tpu.memory_space<semaphore_mem>>, %arg10: memref<!tpu.dma_semaphore, #tpu.memory_space<semaphore_mem>>) attributes {dimension_semantics = [#tpu.dimension_semantics<core_parallel>, #tpu.dimension_semantics<subcore_parallel>], iteration_bounds = array<i64: 2, 16>, scalar_prefetch = 0 : i64, scratch_operands = 5 : i64, tpu.core_type = #tpu.core_type<sc_vector_subcore>, window_params = [{transform_indices = #map}, {transform_indices = #map}, {transform_indices = #map}, {transform_indices = #map1}]} {
    %mul3A = arith.constant 16 : i32
    %mul3A_0 = arith.muli %arg0, %mul3A : i32
    %add3A = arith.addi %mul3A_0, %arg1 : i32
    %mul3A_1 = arith.constant 640 : i32
    %mul3A_2 = arith.muli %arg1, %mul3A_1 : i32
    %mul3A_3 = arith.constant 640 : i32
    %mul3A_4 = arith.muli %arg1, %mul3A_3 : i32
    "tpu.region"() ({
      %run_scoped3A = tpu.sem_alloc : memref<!tpu.dma_semaphore, #tpu.memory_space<semaphore_mem>>
      %dma_start3A = arith.constant 0 : i32
      %dma_start3A_19 = tpu.memref_slice %arg6[%mul3A_4, %dma_start3A] : memref<10240x128xf32, #tpu.memory_space<vmem_shared>> -> memref<640x128xf32, #tpu.memory_space<vmem_shared>>
      %dma_start3A_20 = arith.constant 0 : i32
      %dma_start3A_21 = tpu.memref_slice %arg4[%mul3A_2, %dma_start3A_20] : memref<10240x128xf32, #tpu.memory_space<hbm>> -> memref<640x128xf32, #tpu.memory_space<hbm>>
      tpu.enqueue_dma source(%dma_start3A_21 : memref<640x128xf32, #tpu.memory_space<hbm>>) target(%dma_start3A_19 : memref<640x128xf32, #tpu.memory_space<vmem_shared>>) target_semaphore(%run_scoped3A : memref<!tpu.dma_semaphore, #tpu.memory_space<semaphore_mem>>)
      %dma_wait3A = arith.constant 0 : i32
      %dma_wait3A_22 = tpu.memref_slice %arg6[%mul3A_4, %dma_wait3A] : memref<10240x128xf32, #tpu.memory_space<vmem_shared>> -> memref<640x128xf32, #tpu.memory_space<vmem_shared>>
      %dma_wait3A_23 = arith.constant 0 : i32
      %dma_wait3A_24 = tpu.memref_slice %arg4[%mul3A_2, %dma_wait3A_23] : memref<10240x128xf32, #tpu.memory_space<hbm>> -> memref<640x128xf32, #tpu.memory_space<hbm>>
      tpu.wait_dma2 semaphore(%run_scoped3A : memref<!tpu.dma_semaphore, #tpu.memory_space<semaphore_mem>>) src(%dma_wait3A_24 : memref<640x128xf32, #tpu.memory_space<hbm>>) dst(%dma_wait3A_22 : memref<640x128xf32, #tpu.memory_space<vmem_shared>>)
      tpu.yield
    }) : () -> ()
    %barrier3A = arith.constant 0 : index
    tpu.barrier barrier_id(%barrier3A)
    %add3A_5 = arith.constant 0 : i32
    %add3A_6 = arith.addi %add3A, %add3A_5 : i32
    %lt3A = arith.constant 625 : i32
    %lt3A_7 = arith.cmpi slt, %add3A_6, %lt3A : i32
    %convert_element_type3A = arith.extui %lt3A_7 : i1 to i32
    %cond3A = arith.constant 0 : i32
    %cond3A_8 = arith.cmpi ne, %convert_element_type3A, %cond3A : i32
    scf.if %cond3A_8 {
      %mul3A_19 = arith.constant 128 : i32
      %mul3A_20 = arith.muli %add3A_6, %mul3A_19 : i32
      %dma_start3A = arith.constant 0 : i32
      %dma_start3A_21 = arith.constant 0 : i32
      %dma_start3A_22 = arith.constant 0 : i32
      %dma_start3A_23 = tpu.memref_slice %arg7[%dma_start3A, %dma_start3A_21, %dma_start3A_22] : memref<2x128x128xf32, #tpu.memory_space<vmem>> -> memref<1x128x128xf32, #tpu.memory_space<vmem>>
      %dma_start3A_24 = tpu.memref_squeeze %dma_start3A_23 : memref<1x128x128xf32, #tpu.memory_space<vmem>> -> memref<128x128xf32, #tpu.memory_space<vmem>>
      %dma_start3A_25 = arith.constant 0 : i32
      %dma_start3A_26 = tpu.memref_slice %arg2[%mul3A_20, %dma_start3A_25] : memref<80000x128xf32, #tpu.memory_space<hbm>> -> memref<128x128xf32, #tpu.memory_space<hbm>>
      %dma_start3A_27 = arith.constant 0 : i32
      %dma_start3A_28 = arith.constant 0 : i32
      %dma_start3A_29 = tpu.memref_slice %arg7[%dma_start3A, %dma_start3A_27, %dma_start3A_28] : memref<2x128x128xf32, #tpu.memory_space<vmem>> -> memref<1x128x128xf32, #tpu.memory_space<vmem>>
      %dma_start3A_30 = tpu.memref_squeeze %dma_start3A_29 : memref<1x128x128xf32, #tpu.memory_space<vmem>> -> memref<128x128xf32, #tpu.memory_space<vmem>>
      %dma_start3A_31 = arith.constant 0 : i32
      %dma_start3A_32 = tpu.memref_slice %arg2[%mul3A_20, %dma_start3A_31] : memref<80000x128xf32, #tpu.memory_space<hbm>> -> memref<128x128xf32, #tpu.memory_space<hbm>>
      tpu.enqueue_dma source(%dma_start3A_32 : memref<128x128xf32, #tpu.memory_space<hbm>>) target(%dma_start3A_30 : memref<128x128xf32, #tpu.memory_space<vmem>>) target_semaphore(%arg9 : memref<!tpu.dma_semaphore, #tpu.memory_space<semaphore_mem>>)
      %dma_start3A_33 = arith.constant 0 : i32
      %dma_start3A_34 = arith.constant 0 : i32
      %dma_start3A_35 = tpu.memref_slice %arg8[%dma_start3A_33, %dma_start3A_34] : memref<2x128xi32, #tpu.memory_space<vmem>> -> memref<1x128xi32, #tpu.memory_space<vmem>>
      %dma_start3A_36 = arith.constant 0 : i32
      %dma_start3A_37 = tpu.memref_slice %arg3[%add3A_6, %dma_start3A_36] : memref<625x128xi32, #tpu.memory_space<hbm>> -> memref<1x128xi32, #tpu.memory_space<hbm>>
      %dma_start3A_38 = arith.constant 0 : i32
      %dma_start3A_39 = arith.constant 0 : i32
      %dma_start3A_40 = tpu.memref_slice %arg8[%dma_start3A_38, %dma_start3A_39] : memref<2x128xi32, #tpu.memory_space<vmem>> -> memref<1x128xi32, #tpu.memory_space<vmem>>
      %dma_start3A_41 = arith.constant 0 : i32
      %dma_start3A_42 = tpu.memref_slice %arg3[%add3A_6, %dma_start3A_41] : memref<625x128xi32, #tpu.memory_space<hbm>> -> memref<1x128xi32, #tpu.memory_space<hbm>>
      tpu.enqueue_dma source(%dma_start3A_42 : memref<1x128xi32, #tpu.memory_space<hbm>>) target(%dma_start3A_40 : memref<1x128xi32, #tpu.memory_space<vmem>>) target_semaphore(%arg9 : memref<!tpu.dma_semaphore, #tpu.memory_space<semaphore_mem>>)
    } else {
    }
    %scan3A = arith.constant 0 : i32
    %scan3A_9 = arith.constant 0 : i32
    %scan3A_10 = arith.constant 10 : i32
    %scan3A_11 = arith.addi %scan3A_9, %scan3A_10 : i32
    %scan3A_12 = arith.constant 1 : i32
    scf.for %scan3A_19 = %scan3A_9 to %scan3A_11 step %scan3A_12  : i32 {
      %mul3A_20 = arith.constant 2 : i32
      %mul3A_21 = arith.muli %mul3A_20, %scan3A_19 : i32
      %add3A_22 = arith.constant 1 : i32
      %add3A_23 = arith.addi %mul3A_21, %add3A_22 : i32
      %mul3A_24 = arith.constant 32 : i32
      %mul3A_25 = arith.muli %add3A_23, %mul3A_24 : i32
      %add3A_26 = arith.addi %add3A, %mul3A_25 : i32
      %lt3A_27 = arith.constant 625 : i32
      %lt3A_28 = arith.cmpi slt, %add3A_26, %lt3A_27 : i32
      %convert_element_type3A_29 = arith.extui %lt3A_28 : i1 to i32
      %cond3A_30 = arith.constant 0 : i32
      %cond3A_31 = arith.cmpi ne, %convert_element_type3A_29, %cond3A_30 : i32
      scf.if %cond3A_31 {
        %mul3A_66 = arith.constant 128 : i32
        %mul3A_67 = arith.muli %add3A_26, %mul3A_66 : i32
        %dma_start3A = arith.constant 1 : i32
        %dma_start3A_68 = arith.constant 0 : i32
        %dma_start3A_69 = arith.constant 0 : i32
        %dma_start3A_70 = tpu.memref_slice %arg7[%dma_start3A, %dma_start3A_68, %dma_start3A_69] : memref<2x128x128xf32, #tpu.memory_space<vmem>> -> memref<1x128x128xf32, #tpu.memory_space<vmem>>
        %dma_start3A_71 = tpu.memref_squeeze %dma_start3A_70 : memref<1x128x128xf32, #tpu.memory_space<vmem>> -> memref<128x128xf32, #tpu.memory_space<vmem>>
        %dma_start3A_72 = arith.constant 0 : i32
        %dma_start3A_73 = tpu.memref_slice %arg2[%mul3A_67, %dma_start3A_72] : memref<80000x128xf32, #tpu.memory_space<hbm>> -> memref<128x128xf32, #tpu.memory_space<hbm>>
        %dma_start3A_74 = arith.constant 0 : i32
        %dma_start3A_75 = arith.constant 0 : i32
        %dma_start3A_76 = tpu.memref_slice %arg7[%dma_start3A, %dma_start3A_74, %dma_start3A_75] : memref<2x128x128xf32, #tpu.memory_space<vmem>> -> memref<1x128x128xf32, #tpu.memory_space<vmem>>
        %dma_start3A_77 = tpu.memref_squeeze %dma_start3A_76 : memref<1x128x128xf32, #tpu.memory_space<vmem>> -> memref<128x128xf32, #tpu.memory_space<vmem>>
        %dma_start3A_78 = arith.constant 0 : i32
        %dma_start3A_79 = tpu.memref_slice %arg2[%mul3A_67, %dma_start3A_78] : memref<80000x128xf32, #tpu.memory_space<hbm>> -> memref<128x128xf32, #tpu.memory_space<hbm>>
        tpu.enqueue_dma source(%dma_start3A_79 : memref<128x128xf32, #tpu.memory_space<hbm>>) target(%dma_start3A_77 : memref<128x128xf32, #tpu.memory_space<vmem>>) target_semaphore(%arg10 : memref<!tpu.dma_semaphore, #tpu.memory_space<semaphore_mem>>)
        %dma_start3A_80 = arith.constant 1 : i32
        %dma_start3A_81 = arith.constant 0 : i32
        %dma_start3A_82 = tpu.memref_slice %arg8[%dma_start3A_80, %dma_start3A_81] : memref<2x128xi32, #tpu.memory_space<vmem>> -> memref<1x128xi32, #tpu.memory_space<vmem>>
        %dma_start3A_83 = arith.constant 0 : i32
        %dma_start3A_84 = tpu.memref_slice %arg3[%add3A_26, %dma_start3A_83] : memref<625x128xi32, #tpu.memory_space<hbm>> -> memref<1x128xi32, #tpu.memory_space<hbm>>
        %dma_start3A_85 = arith.constant 1 : i32
        %dma_start3A_86 = arith.constant 0 : i32
        %dma_start3A_87 = tpu.memref_slice %arg8[%dma_start3A_85, %dma_start3A_86] : memref<2x128xi32, #tpu.memory_space<vmem>> -> memref<1x128xi32, #tpu.memory_space<vmem>>
        %dma_start3A_88 = arith.constant 0 : i32
        %dma_start3A_89 = tpu.memref_slice %arg3[%add3A_26, %dma_start3A_88] : memref<625x128xi32, #tpu.memory_space<hbm>> -> memref<1x128xi32, #tpu.memory_space<hbm>>
        tpu.enqueue_dma source(%dma_start3A_89 : memref<1x128xi32, #tpu.memory_space<hbm>>) target(%dma_start3A_87 : memref<1x128xi32, #tpu.memory_space<vmem>>) target_semaphore(%arg10 : memref<!tpu.dma_semaphore, #tpu.memory_space<semaphore_mem>>)
      } else {
      }
      %mul3A_32 = arith.constant 2 : i32
      %mul3A_33 = arith.muli %mul3A_32, %scan3A_19 : i32
      %mul3A_34 = arith.constant 32 : i32
      %mul3A_35 = arith.muli %mul3A_33, %mul3A_34 : i32
      %add3A_36 = arith.addi %add3A, %mul3A_35 : i32
      %lt3A_37 = arith.constant 625 : i32
      %lt3A_38 = arith.cmpi slt, %add3A_36, %lt3A_37 : i32
      %convert_element_type3A_39 = arith.extui %lt3A_38 : i1 to i32
      %cond3A_40 = arith.constant 0 : i32
      %cond3A_41 = arith.cmpi ne, %convert_element_type3A_39, %cond3A_40 : i32
      scf.if %cond3A_41 {
        %mul3A_66 = arith.constant 128 : i32
        %mul3A_67 = arith.muli %add3A_36, %mul3A_66 : i32
        %dma_wait3A = arith.constant 0 : i32
        %dma_wait3A_68 = arith.constant 0 : i32
        %dma_wait3A_69 = arith.constant 0 : i32
        %dma_wait3A_70 = tpu.memref_slice %arg7[%dma_wait3A, %dma_wait3A_68, %dma_wait3A_69] : memref<2x128x128xf32, #tpu.memory_space<vmem>> -> memref<1x128x128xf32, #tpu.memory_space<vmem>>
        %dma_wait3A_71 = tpu.memref_squeeze %dma_wait3A_70 : memref<1x128x128xf32, #tpu.memory_space<vmem>> -> memref<128x128xf32, #tpu.memory_space<vmem>>
        %dma_wait3A_72 = arith.constant 0 : i32
        %dma_wait3A_73 = tpu.memref_slice %arg2[%mul3A_67, %dma_wait3A_72] : memref<80000x128xf32, #tpu.memory_space<hbm>> -> memref<128x128xf32, #tpu.memory_space<hbm>>
        %dma_wait3A_74 = arith.constant 0 : i32
        %dma_wait3A_75 = arith.constant 0 : i32
        %dma_wait3A_76 = tpu.memref_slice %arg7[%dma_wait3A, %dma_wait3A_74, %dma_wait3A_75] : memref<2x128x128xf32, #tpu.memory_space<vmem>> -> memref<1x128x128xf32, #tpu.memory_space<vmem>>
        %dma_wait3A_77 = tpu.memref_squeeze %dma_wait3A_76 : memref<1x128x128xf32, #tpu.memory_space<vmem>> -> memref<128x128xf32, #tpu.memory_space<vmem>>
        %dma_wait3A_78 = arith.constant 0 : i32
        %dma_wait3A_79 = tpu.memref_slice %arg2[%mul3A_67, %dma_wait3A_78] : memref<80000x128xf32, #tpu.memory_space<hbm>> -> memref<128x128xf32, #tpu.memory_space<hbm>>
        tpu.wait_dma2 semaphore(%arg9 : memref<!tpu.dma_semaphore, #tpu.memory_space<semaphore_mem>>) src(%dma_wait3A_79 : memref<128x128xf32, #tpu.memory_space<hbm>>) dst(%dma_wait3A_77 : memref<128x128xf32, #tpu.memory_space<vmem>>)
        %dma_wait3A_80 = arith.constant 0 : i32
        %dma_wait3A_81 = arith.constant 0 : i32
        %dma_wait3A_82 = tpu.memref_slice %arg8[%dma_wait3A_80, %dma_wait3A_81] : memref<2x128xi32, #tpu.memory_space<vmem>> -> memref<1x128xi32, #tpu.memory_space<vmem>>
        %dma_wait3A_83 = arith.constant 0 : i32
        %dma_wait3A_84 = tpu.memref_slice %arg3[%add3A_36, %dma_wait3A_83] : memref<625x128xi32, #tpu.memory_space<hbm>> -> memref<1x128xi32, #tpu.memory_space<hbm>>
        %dma_wait3A_85 = arith.constant 0 : i32
        %dma_wait3A_86 = arith.constant 0 : i32
        %dma_wait3A_87 = tpu.memref_slice %arg8[%dma_wait3A_85, %dma_wait3A_86] : memref<2x128xi32, #tpu.memory_space<vmem>> -> memref<1x128xi32, #tpu.memory_space<vmem>>
        %dma_wait3A_88 = arith.constant 0 : i32
        %dma_wait3A_89 = tpu.memref_slice %arg3[%add3A_36, %dma_wait3A_88] : memref<625x128xi32, #tpu.memory_space<hbm>> -> memref<1x128xi32, #tpu.memory_space<hbm>>
        tpu.wait_dma2 semaphore(%arg9 : memref<!tpu.dma_semaphore, #tpu.memory_space<semaphore_mem>>) src(%dma_wait3A_89 : memref<1x128xi32, #tpu.memory_space<hbm>>) dst(%dma_wait3A_87 : memref<1x128xi32, #tpu.memory_space<vmem>>)
        %run_scoped3A = arith.constant 0 : i32
        %run_scoped3A_90 = arith.constant 0 : i32
        "tpu.region"() ({
          %run_scoped3A_91 = tpu.sem_alloc : memref<!tpu.dma_semaphore, #tpu.memory_space<semaphore_mem>>
          %dma_start3A = arith.constant 0 : i32
          %dma_start3A_92 = arith.constant 0 : i32
          %dma_start3A_93 = tpu.memref_slice %arg7[%run_scoped3A, %dma_start3A, %dma_start3A_92] : memref<2x128x128xf32, #tpu.memory_space<vmem>> -> memref<1x128x128xf32, #tpu.memory_space<vmem>>
          %dma_start3A_94 = tpu.memref_squeeze %dma_start3A_93 : memref<1x128x128xf32, #tpu.memory_space<vmem>> -> memref<128x128xf32, #tpu.memory_space<vmem>>
          %dma_start3A_95 = arith.constant 0 : i32
          %dma_start3A_96 = tpu.memref_slice %arg8[%run_scoped3A_90, %dma_start3A_95] : memref<2x128xi32, #tpu.memory_space<vmem>> -> memref<1x128xi32, #tpu.memory_space<vmem>>
          %dma_start3A_97 = tpu.memref_squeeze %dma_start3A_96 : memref<1x128xi32, #tpu.memory_space<vmem>> -> memref<128xi32, #tpu.memory_space<vmem>>
          %dma_start3A_98 = arith.constant 0 : i32
          %dma_start3A_99 = arith.constant 0 : i32
          %dma_start3A_100 = tpu.memref_slice %arg6[%dma_start3A_98, %dma_start3A_99] : memref<10240x128xf32, #tpu.memory_space<vmem_shared>> -> memref<10240x128xf32, #tpu.memory_space<vmem_shared>>
          tpu.enqueue_indirect_dma source(%dma_start3A_94 : memref<128x128xf32, #tpu.memory_space<vmem>>) target(%dma_start3A_100 : memref<10240x128xf32, #tpu.memory_space<vmem_shared>>) offsets(%dma_start3A_97 : memref<128xi32, #tpu.memory_space<vmem>>) semaphore(%run_scoped3A_91 : memref<!tpu.dma_semaphore, #tpu.memory_space<semaphore_mem>>) {add = true}
          %dma_wait3A_101 = arith.constant 0 : i32
          %dma_wait3A_102 = arith.constant 0 : i32
          %dma_wait3A_103 = tpu.memref_slice %arg7[%run_scoped3A, %dma_wait3A_101, %dma_wait3A_102] : memref<2x128x128xf32, #tpu.memory_space<vmem>> -> memref<1x128x128xf32, #tpu.memory_space<vmem>>
          %dma_wait3A_104 = tpu.memref_squeeze %dma_wait3A_103 : memref<1x128x128xf32, #tpu.memory_space<vmem>> -> memref<128x128xf32, #tpu.memory_space<vmem>>
          %dma_wait3A_105 = arith.constant 0 : i32
          %dma_wait3A_106 = tpu.memref_slice %arg8[%run_scoped3A_90, %dma_wait3A_105] : memref<2x128xi32, #tpu.memory_space<vmem>> -> memref<1x128xi32, #tpu.memory_space<vmem>>
          %dma_wait3A_107 = tpu.memref_squeeze %dma_wait3A_106 : memref<1x128xi32, #tpu.memory_space<vmem>> -> memref<128xi32, #tpu.memory_space<vmem>>
          %dma_wait3A_108 = arith.constant 0 : i32
          %dma_wait3A_109 = arith.constant 0 : i32
          %dma_wait3A_110 = tpu.memref_slice %arg6[%dma_wait3A_108, %dma_wait3A_109] : memref<10240x128xf32, #tpu.memory_space<vmem_shared>> -> memref<10240x128xf32, #tpu.memory_space<vmem_shared>>
          tpu.wait_indirect_dma semaphore(%run_scoped3A_91 : memref<!tpu.dma_semaphore, #tpu.memory_space<semaphore_mem>>) src(%dma_wait3A_104 : memref<128x128xf32, #tpu.memory_space<vmem>>) dst(%dma_wait3A_110 : memref<10240x128xf32, #tpu.memory_space<vmem_shared>>)
          tpu.yield
        }) : () -> ()
      } else {
      }
      %mul3A_42 = arith.constant 2 : i32
      %mul3A_43 = arith.muli %mul3A_42, %scan3A_19 : i32
      %add3A_44 = arith.constant 2 : i32
      %add3A_45 = arith.addi %mul3A_43, %add3A_44 : i32
      %mul3A_46 = arith.constant 32 : i32
      %mul3A_47 = arith.muli %add3A_45, %mul3A_46 : i32
      %add3A_48 = arith.addi %add3A, %mul3A_47 : i32
      %lt3A_49 = arith.constant 625 : i32
      %lt3A_50 = arith.cmpi slt, %add3A_48, %lt3A_49 : i32
      %convert_element_type3A_51 = arith.extui %lt3A_50 : i1 to i32
      %cond3A_52 = arith.constant 0 : i32
      %cond3A_53 = arith.cmpi ne, %convert_element_type3A_51, %cond3A_52 : i32
      scf.if %cond3A_53 {
        %mul3A_66 = arith.constant 128 : i32
        %mul3A_67 = arith.muli %add3A_48, %mul3A_66 : i32
        %dma_start3A = arith.constant 0 : i32
        %dma_start3A_68 = arith.constant 0 : i32
        %dma_start3A_69 = arith.constant 0 : i32
        %dma_start3A_70 = tpu.memref_slice %arg7[%dma_start3A, %dma_start3A_68, %dma_start3A_69] : memref<2x128x128xf32, #tpu.memory_space<vmem>> -> memref<1x128x128xf32, #tpu.memory_space<vmem>>
        %dma_start3A_71 = tpu.memref_squeeze %dma_start3A_70 : memref<1x128x128xf32, #tpu.memory_space<vmem>> -> memref<128x128xf32, #tpu.memory_space<vmem>>
        %dma_start3A_72 = arith.constant 0 : i32
        %dma_start3A_73 = tpu.memref_slice %arg2[%mul3A_67, %dma_start3A_72] : memref<80000x128xf32, #tpu.memory_space<hbm>> -> memref<128x128xf32, #tpu.memory_space<hbm>>
        %dma_start3A_74 = arith.constant 0 : i32
        %dma_start3A_75 = arith.constant 0 : i32
        %dma_start3A_76 = tpu.memref_slice %arg7[%dma_start3A, %dma_start3A_74, %dma_start3A_75] : memref<2x128x128xf32, #tpu.memory_space<vmem>> -> memref<1x128x128xf32, #tpu.memory_space<vmem>>
        %dma_start3A_77 = tpu.memref_squeeze %dma_start3A_76 : memref<1x128x128xf32, #tpu.memory_space<vmem>> -> memref<128x128xf32, #tpu.memory_space<vmem>>
        %dma_start3A_78 = arith.constant 0 : i32
        %dma_start3A_79 = tpu.memref_slice %arg2[%mul3A_67, %dma_start3A_78] : memref<80000x128xf32, #tpu.memory_space<hbm>> -> memref<128x128xf32, #tpu.memory_space<hbm>>
        tpu.enqueue_dma source(%dma_start3A_79 : memref<128x128xf32, #tpu.memory_space<hbm>>) target(%dma_start3A_77 : memref<128x128xf32, #tpu.memory_space<vmem>>) target_semaphore(%arg9 : memref<!tpu.dma_semaphore, #tpu.memory_space<semaphore_mem>>)
        %dma_start3A_80 = arith.constant 0 : i32
        %dma_start3A_81 = arith.constant 0 : i32
        %dma_start3A_82 = tpu.memref_slice %arg8[%dma_start3A_80, %dma_start3A_81] : memref<2x128xi32, #tpu.memory_space<vmem>> -> memref<1x128xi32, #tpu.memory_space<vmem>>
        %dma_start3A_83 = arith.constant 0 : i32
        %dma_start3A_84 = tpu.memref_slice %arg3[%add3A_48, %dma_start3A_83] : memref<625x128xi32, #tpu.memory_space<hbm>> -> memref<1x128xi32, #tpu.memory_space<hbm>>
        %dma_start3A_85 = arith.constant 0 : i32
        %dma_start3A_86 = arith.constant 0 : i32
        %dma_start3A_87 = tpu.memref_slice %arg8[%dma_start3A_85, %dma_start3A_86] : memref<2x128xi32, #tpu.memory_space<vmem>> -> memref<1x128xi32, #tpu.memory_space<vmem>>
        %dma_start3A_88 = arith.constant 0 : i32
        %dma_start3A_89 = tpu.memref_slice %arg3[%add3A_48, %dma_start3A_88] : memref<625x128xi32, #tpu.memory_space<hbm>> -> memref<1x128xi32, #tpu.memory_space<hbm>>
        tpu.enqueue_dma source(%dma_start3A_89 : memref<1x128xi32, #tpu.memory_space<hbm>>) target(%dma_start3A_87 : memref<1x128xi32, #tpu.memory_space<vmem>>) target_semaphore(%arg9 : memref<!tpu.dma_semaphore, #tpu.memory_space<semaphore_mem>>)
      } else {
      }
      %mul3A_54 = arith.constant 2 : i32
      %mul3A_55 = arith.muli %mul3A_54, %scan3A_19 : i32
      %add3A_56 = arith.constant 1 : i32
      %add3A_57 = arith.addi %mul3A_55, %add3A_56 : i32
      %mul3A_58 = arith.constant 32 : i32
      %mul3A_59 = arith.muli %add3A_57, %mul3A_58 : i32
      %add3A_60 = arith.addi %add3A, %mul3A_59 : i32
      %lt3A_61 = arith.constant 625 : i32
      %lt3A_62 = arith.cmpi slt, %add3A_60, %lt3A_61 : i32
      %convert_element_type3A_63 = arith.extui %lt3A_62 : i1 to i32
      %cond3A_64 = arith.constant 0 : i32
      %cond3A_65 = arith.cmpi ne, %convert_element_type3A_63, %cond3A_64 : i32
      scf.if %cond3A_65 {
        %mul3A_66 = arith.constant 128 : i32
        %mul3A_67 = arith.muli %add3A_60, %mul3A_66 : i32
        %dma_wait3A = arith.constant 1 : i32
        %dma_wait3A_68 = arith.constant 0 : i32
        %dma_wait3A_69 = arith.constant 0 : i32
        %dma_wait3A_70 = tpu.memref_slice %arg7[%dma_wait3A, %dma_wait3A_68, %dma_wait3A_69] : memref<2x128x128xf32, #tpu.memory_space<vmem>> -> memref<1x128x128xf32, #tpu.memory_space<vmem>>
        %dma_wait3A_71 = tpu.memref_squeeze %dma_wait3A_70 : memref<1x128x128xf32, #tpu.memory_space<vmem>> -> memref<128x128xf32, #tpu.memory_space<vmem>>
        %dma_wait3A_72 = arith.constant 0 : i32
        %dma_wait3A_73 = tpu.memref_slice %arg2[%mul3A_67, %dma_wait3A_72] : memref<80000x128xf32, #tpu.memory_space<hbm>> -> memref<128x128xf32, #tpu.memory_space<hbm>>
        %dma_wait3A_74 = arith.constant 0 : i32
        %dma_wait3A_75 = arith.constant 0 : i32
        %dma_wait3A_76 = tpu.memref_slice %arg7[%dma_wait3A, %dma_wait3A_74, %dma_wait3A_75] : memref<2x128x128xf32, #tpu.memory_space<vmem>> -> memref<1x128x128xf32, #tpu.memory_space<vmem>>
        %dma_wait3A_77 = tpu.memref_squeeze %dma_wait3A_76 : memref<1x128x128xf32, #tpu.memory_space<vmem>> -> memref<128x128xf32, #tpu.memory_space<vmem>>
        %dma_wait3A_78 = arith.constant 0 : i32
        %dma_wait3A_79 = tpu.memref_slice %arg2[%mul3A_67, %dma_wait3A_78] : memref<80000x128xf32, #tpu.memory_space<hbm>> -> memref<128x128xf32, #tpu.memory_space<hbm>>
        tpu.wait_dma2 semaphore(%arg10 : memref<!tpu.dma_semaphore, #tpu.memory_space<semaphore_mem>>) src(%dma_wait3A_79 : memref<128x128xf32, #tpu.memory_space<hbm>>) dst(%dma_wait3A_77 : memref<128x128xf32, #tpu.memory_space<vmem>>)
        %dma_wait3A_80 = arith.constant 1 : i32
        %dma_wait3A_81 = arith.constant 0 : i32
        %dma_wait3A_82 = tpu.memref_slice %arg8[%dma_wait3A_80, %dma_wait3A_81] : memref<2x128xi32, #tpu.memory_space<vmem>> -> memref<1x128xi32, #tpu.memory_space<vmem>>
        %dma_wait3A_83 = arith.constant 0 : i32
        %dma_wait3A_84 = tpu.memref_slice %arg3[%add3A_60, %dma_wait3A_83] : memref<625x128xi32, #tpu.memory_space<hbm>> -> memref<1x128xi32, #tpu.memory_space<hbm>>
        %dma_wait3A_85 = arith.constant 1 : i32
        %dma_wait3A_86 = arith.constant 0 : i32
        %dma_wait3A_87 = tpu.memref_slice %arg8[%dma_wait3A_85, %dma_wait3A_86] : memref<2x128xi32, #tpu.memory_space<vmem>> -> memref<1x128xi32, #tpu.memory_space<vmem>>
        %dma_wait3A_88 = arith.constant 0 : i32
        %dma_wait3A_89 = tpu.memref_slice %arg3[%add3A_60, %dma_wait3A_88] : memref<625x128xi32, #tpu.memory_space<hbm>> -> memref<1x128xi32, #tpu.memory_space<hbm>>
        tpu.wait_dma2 semaphore(%arg10 : memref<!tpu.dma_semaphore, #tpu.memory_space<semaphore_mem>>) src(%dma_wait3A_89 : memref<1x128xi32, #tpu.memory_space<hbm>>) dst(%dma_wait3A_87 : memref<1x128xi32, #tpu.memory_space<vmem>>)
        %run_scoped3A = arith.constant 1 : i32
        %run_scoped3A_90 = arith.constant 1 : i32
        "tpu.region"() ({
          %run_scoped3A_91 = tpu.sem_alloc : memref<!tpu.dma_semaphore, #tpu.memory_space<semaphore_mem>>
          %dma_start3A = arith.constant 0 : i32
          %dma_start3A_92 = arith.constant 0 : i32
          %dma_start3A_93 = tpu.memref_slice %arg7[%run_scoped3A, %dma_start3A, %dma_start3A_92] : memref<2x128x128xf32, #tpu.memory_space<vmem>> -> memref<1x128x128xf32, #tpu.memory_space<vmem>>
          %dma_start3A_94 = tpu.memref_squeeze %dma_start3A_93 : memref<1x128x128xf32, #tpu.memory_space<vmem>> -> memref<128x128xf32, #tpu.memory_space<vmem>>
          %dma_start3A_95 = arith.constant 0 : i32
          %dma_start3A_96 = tpu.memref_slice %arg8[%run_scoped3A_90, %dma_start3A_95] : memref<2x128xi32, #tpu.memory_space<vmem>> -> memref<1x128xi32, #tpu.memory_space<vmem>>
          %dma_start3A_97 = tpu.memref_squeeze %dma_start3A_96 : memref<1x128xi32, #tpu.memory_space<vmem>> -> memref<128xi32, #tpu.memory_space<vmem>>
          %dma_start3A_98 = arith.constant 0 : i32
          %dma_start3A_99 = arith.constant 0 : i32
          %dma_start3A_100 = tpu.memref_slice %arg6[%dma_start3A_98, %dma_start3A_99] : memref<10240x128xf32, #tpu.memory_space<vmem_shared>> -> memref<10240x128xf32, #tpu.memory_space<vmem_shared>>
          tpu.enqueue_indirect_dma source(%dma_start3A_94 : memref<128x128xf32, #tpu.memory_space<vmem>>) target(%dma_start3A_100 : memref<10240x128xf32, #tpu.memory_space<vmem_shared>>) offsets(%dma_start3A_97 : memref<128xi32, #tpu.memory_space<vmem>>) semaphore(%run_scoped3A_91 : memref<!tpu.dma_semaphore, #tpu.memory_space<semaphore_mem>>) {add = true}
          %dma_wait3A_101 = arith.constant 0 : i32
          %dma_wait3A_102 = arith.constant 0 : i32
          %dma_wait3A_103 = tpu.memref_slice %arg7[%run_scoped3A, %dma_wait3A_101, %dma_wait3A_102] : memref<2x128x128xf32, #tpu.memory_space<vmem>> -> memref<1x128x128xf32, #tpu.memory_space<vmem>>
          %dma_wait3A_104 = tpu.memref_squeeze %dma_wait3A_103 : memref<1x128x128xf32, #tpu.memory_space<vmem>> -> memref<128x128xf32, #tpu.memory_space<vmem>>
          %dma_wait3A_105 = arith.constant 0 : i32
          %dma_wait3A_106 = tpu.memref_slice %arg8[%run_scoped3A_90, %dma_wait3A_105] : memref<2x128xi32, #tpu.memory_space<vmem>> -> memref<1x128xi32, #tpu.memory_space<vmem>>
          %dma_wait3A_107 = tpu.memref_squeeze %dma_wait3A_106 : memref<1x128xi32, #tpu.memory_space<vmem>> -> memref<128xi32, #tpu.memory_space<vmem>>
          %dma_wait3A_108 = arith.constant 0 : i32
          %dma_wait3A_109 = arith.constant 0 : i32
          %dma_wait3A_110 = tpu.memref_slice %arg6[%dma_wait3A_108, %dma_wait3A_109] : memref<10240x128xf32, #tpu.memory_space<vmem_shared>> -> memref<10240x128xf32, #tpu.memory_space<vmem_shared>>
          tpu.wait_indirect_dma semaphore(%run_scoped3A_91 : memref<!tpu.dma_semaphore, #tpu.memory_space<semaphore_mem>>) src(%dma_wait3A_104 : memref<128x128xf32, #tpu.memory_space<vmem>>) dst(%dma_wait3A_110 : memref<10240x128xf32, #tpu.memory_space<vmem_shared>>)
          tpu.yield
        }) : () -> ()
      } else {
      }
    }
    %scan3A_13 = arith.constant 10 : i32
    %barrier3A_14 = arith.constant 0 : index
    tpu.barrier barrier_id(%barrier3A_14)
    %mul3A_15 = arith.constant 640 : i32
    %mul3A_16 = arith.muli %arg1, %mul3A_15 : i32
    %mul3A_17 = arith.constant 640 : i32
    %mul3A_18 = arith.muli %arg1, %mul3A_17 : i32
    "tpu.region"() ({
      %run_scoped3A = tpu.sem_alloc : memref<!tpu.dma_semaphore, #tpu.memory_space<semaphore_mem>>
      %dma_start3A = arith.constant 0 : i32
      %dma_start3A_19 = arith.constant 0 : i32
      %dma_start3A_20 = tpu.memref_slice %arg5[%arg0, %dma_start3A, %dma_start3A_19] : memref<2x10240x128xf32, #tpu.memory_space<hbm>> -> memref<1x10240x128xf32, #tpu.memory_space<hbm>>
      %dma_start3A_21 = tpu.memref_squeeze %dma_start3A_20 : memref<1x10240x128xf32, #tpu.memory_space<hbm>> -> memref<10240x128xf32, #tpu.memory_space<hbm>>
      %dma_start3A_22 = arith.constant 0 : i32
      %dma_start3A_23 = tpu.memref_slice %dma_start3A_21[%mul3A_18, %dma_start3A_22] : memref<10240x128xf32, #tpu.memory_space<hbm>> -> memref<640x128xf32, #tpu.memory_space<hbm>>
      %dma_start3A_24 = arith.constant 0 : i32
      %dma_start3A_25 = tpu.memref_slice %arg6[%mul3A_16, %dma_start3A_24] : memref<10240x128xf32, #tpu.memory_space<vmem_shared>> -> memref<640x128xf32, #tpu.memory_space<vmem_shared>>
      tpu.enqueue_dma source(%dma_start3A_25 : memref<640x128xf32, #tpu.memory_space<vmem_shared>>) target(%dma_start3A_23 : memref<640x128xf32, #tpu.memory_space<hbm>>) target_semaphore(%run_scoped3A : memref<!tpu.dma_semaphore, #tpu.memory_space<semaphore_mem>>)
      %dma_wait3A = arith.constant 0 : i32
      %dma_wait3A_26 = arith.constant 0 : i32
      %dma_wait3A_27 = tpu.memref_slice %arg5[%arg0, %dma_wait3A, %dma_wait3A_26] : memref<2x10240x128xf32, #tpu.memory_space<hbm>> -> memref<1x10240x128xf32, #tpu.memory_space<hbm>>
      %dma_wait3A_28 = tpu.memref_squeeze %dma_wait3A_27 : memref<1x10240x128xf32, #tpu.memory_space<hbm>> -> memref<10240x128xf32, #tpu.memory_space<hbm>>
      %dma_wait3A_29 = arith.constant 0 : i32
      %dma_wait3A_30 = tpu.memref_slice %dma_wait3A_28[%mul3A_18, %dma_wait3A_29] : memref<10240x128xf32, #tpu.memory_space<hbm>> -> memref<640x128xf32, #tpu.memory_space<hbm>>
      %dma_wait3A_31 = arith.constant 0 : i32
      %dma_wait3A_32 = tpu.memref_slice %arg6[%mul3A_16, %dma_wait3A_31] : memref<10240x128xf32, #tpu.memory_space<vmem_shared>> -> memref<640x128xf32, #tpu.memory_space<vmem_shared>>
      tpu.wait_dma2 semaphore(%run_scoped3A : memref<!tpu.dma_semaphore, #tpu.memory_space<semaphore_mem>>) src(%dma_wait3A_32 : memref<640x128xf32, #tpu.memory_space<vmem_shared>>) dst(%dma_wait3A_30 : memref<640x128xf32, #tpu.memory_space<hbm>>)
      tpu.yield
    }) : () -> ()
    return
  }
}

module attributes {stable_mosaic.version = 14 : i64} {
  func.func @_edge_body(%arg0: i32, %arg1: memref<6x3200xf32, #tpu.memory_space<vmem>>, %arg2: memref<3200x128xf32, #tpu.memory_space<vmem>>, %arg3: memref<6x128xf32, #tpu.memory_space<vmem>>, %arg4: memref<3200x128xf32, #tpu.memory_space<vmem>>) attributes {dimension_semantics = [#tpu.dimension_semantics<arbitrary>], iteration_bounds = array<i64: 25>, scalar_prefetch = 0 : i64, scratch_operands = 0 : i64, tpu.core_type = #tpu.core_type<tc>, window_params = [{transform_indices = @transform_0, window_bounds = array<i64: 6, 3200>}, {transform_indices = @transform_1, window_bounds = array<i64: 3200, 128>}, {pipeline_mode = #tpu.pipeline_mode<synchronous>, transform_indices = @transform_2, window_bounds = array<i64: 6, 128>}, {transform_indices = @transform_3, window_bounds = array<i64: 3200, 128>}]} {
    %get3A = arith.constant 0 : index
    %get3A_0 = arith.constant 0 : index
    %get3A_1 = vector.load %arg1[%get3A, %get3A_0] : memref<6x3200xf32, #tpu.memory_space<vmem>>, vector<6x3200xf32>
    %get3A_2 = arith.constant 0 : index
    %get3A_3 = arith.constant 0 : index
    %get3A_4 = vector.load %arg3[%get3A_2, %get3A_3] : memref<6x128xf32, #tpu.memory_space<vmem>>, vector<6x128xf32>
    %dot_general3A = arith.constant dense<0.000000e+00> : vector<3200x128xf32>
    %dot_general3A_5 = tpu.matmul %get3A_1, %get3A_4, %dot_general3A {dimension_numbers = #tpu.dot_dimension_numbers<[0], [0], [1], [1], [0, 1, 1, 1], [], []>, transpose_lhs_hint = false} : vector<6x3200xf32>, vector<6x128xf32>, vector<3200x128xf32> -> vector<3200x128xf32>
    %get3A_6 = arith.constant 0 : index
    %get3A_7 = arith.constant 0 : index
    %get3A_8 = vector.load %arg2[%get3A_6, %get3A_7] : memref<3200x128xf32, #tpu.memory_space<vmem>>, vector<3200x128xf32>
    %mul3A = arith.mulf %dot_general3A_5, %get3A_8 : vector<3200x128xf32>
    %swap3A = arith.constant 0 : index
    %swap3A_9 = arith.constant 0 : index
    %swap3A_10 = vector.load %arg4[%swap3A, %swap3A_9] : memref<3200x128xf32, #tpu.memory_space<vmem>>, vector<3200x128xf32>
    tpu.vector_store %arg4[%swap3A, %swap3A_9], %mul3A {strides = array<i32>} : memref<3200x128xf32, #tpu.memory_space<vmem>>, vector<3200x128xf32>,
    return
  }
  func.func @transform_0(%arg0: i32) -> (i32, i32) {
    %add3A = arith.constant 75 : i32
    %add3A_0 = arith.addi %arg0, %add3A : i32
    %c0_i32 = arith.constant 0 : i32
    %c0_i32_1 = arith.constant 0 : i32
    return %c0_i32, %add3A_0 : i32, i32
  }
  func.func @transform_1(%arg0: i32) -> (i32, i32) {
    %add3A = arith.constant 75 : i32
    %add3A_0 = arith.addi %arg0, %add3A : i32
    %c0_i32 = arith.constant 0 : i32
    %c0_i32_1 = arith.constant 0 : i32
    return %add3A_0, %c0_i32 : i32, i32
  }
  func.func @transform_2(%arg0: i32) -> (i32, i32) {
    %c0_i32 = arith.constant 0 : i32
    %c0_i32_0 = arith.constant 0 : i32
    %c0_i32_1 = arith.constant 0 : i32
    return %c0_i32, %c0_i32_0 : i32, i32
  }
  func.func @transform_3(%arg0: i32) -> (i32, i32) {
    %c0_i32 = arith.constant 0 : i32
    %c0_i32_0 = arith.constant 0 : i32
    return %arg0, %c0_i32 : i32, i32
  }
}

module attributes {stable_mosaic.version = 14 : i64} {
  func.func @_edge_body(%arg0: i32, %arg1: memref<6x3200xf32, #tpu.memory_space<vmem>>, %arg2: memref<3200x128xf32, #tpu.memory_space<vmem>>, %arg3: memref<6x128xf32, #tpu.memory_space<vmem>>, %arg4: memref<3200x128xf32, #tpu.memory_space<vmem>>) attributes {dimension_semantics = [#tpu.dimension_semantics<arbitrary>], iteration_bounds = array<i64: 25>, scalar_prefetch = 0 : i64, scratch_operands = 0 : i64, tpu.core_type = #tpu.core_type<tc>, window_params = [{transform_indices = @transform_0, window_bounds = array<i64: 6, 3200>}, {transform_indices = @transform_1, window_bounds = array<i64: 3200, 128>}, {pipeline_mode = #tpu.pipeline_mode<synchronous>, transform_indices = @transform_2, window_bounds = array<i64: 6, 128>}, {transform_indices = @transform_3, window_bounds = array<i64: 3200, 128>}]} {
    %get3A = arith.constant 0 : index
    %get3A_0 = arith.constant 0 : index
    %get3A_1 = vector.load %arg1[%get3A, %get3A_0] : memref<6x3200xf32, #tpu.memory_space<vmem>>, vector<6x3200xf32>
    %get3A_2 = arith.constant 0 : index
    %get3A_3 = arith.constant 0 : index
    %get3A_4 = vector.load %arg3[%get3A_2, %get3A_3] : memref<6x128xf32, #tpu.memory_space<vmem>>, vector<6x128xf32>
    %dot_general3A = arith.constant dense<0.000000e+00> : vector<3200x128xf32>
    %dot_general3A_5 = tpu.matmul %get3A_1, %get3A_4, %dot_general3A {dimension_numbers = #tpu.dot_dimension_numbers<[0], [0], [1], [1], [0, 1, 1, 1], [], []>, transpose_lhs_hint = false} : vector<6x3200xf32>, vector<6x128xf32>, vector<3200x128xf32> -> vector<3200x128xf32>
    %get3A_6 = arith.constant 0 : index
    %get3A_7 = arith.constant 0 : index
    %get3A_8 = vector.load %arg2[%get3A_6, %get3A_7] : memref<3200x128xf32, #tpu.memory_space<vmem>>, vector<3200x128xf32>
    %mul3A = arith.mulf %dot_general3A_5, %get3A_8 : vector<3200x128xf32>
    %swap3A = arith.constant 0 : index
    %swap3A_9 = arith.constant 0 : index
    %swap3A_10 = vector.load %arg4[%swap3A, %swap3A_9] : memref<3200x128xf32, #tpu.memory_space<vmem>>, vector<3200x128xf32>
    tpu.vector_store %arg4[%swap3A, %swap3A_9], %mul3A {strides = array<i32>} : memref<3200x128xf32, #tpu.memory_space<vmem>>, vector<3200x128xf32>,
    return
  }
  func.func @transform_0(%arg0: i32) -> (i32, i32) {
    %add3A = arith.constant 50 : i32
    %add3A_0 = arith.addi %arg0, %add3A : i32
    %c0_i32 = arith.constant 0 : i32
    %c0_i32_1 = arith.constant 0 : i32
    return %c0_i32, %add3A_0 : i32, i32
  }
  func.func @transform_1(%arg0: i32) -> (i32, i32) {
    %add3A = arith.constant 50 : i32
    %add3A_0 = arith.addi %arg0, %add3A : i32
    %c0_i32 = arith.constant 0 : i32
    %c0_i32_1 = arith.constant 0 : i32
    return %add3A_0, %c0_i32 : i32, i32
  }
  func.func @transform_2(%arg0: i32) -> (i32, i32) {
    %c0_i32 = arith.constant 0 : i32
    %c0_i32_0 = arith.constant 0 : i32
    %c0_i32_1 = arith.constant 0 : i32
    return %c0_i32, %c0_i32_0 : i32, i32
  }
  func.func @transform_3(%arg0: i32) -> (i32, i32) {
    %c0_i32 = arith.constant 0 : i32
    %c0_i32_0 = arith.constant 0 : i32
    return %arg0, %c0_i32 : i32, i32
  }
}

module attributes {stable_mosaic.version = 14 : i64} {
  func.func @_edge_body(%arg0: i32, %arg1: memref<6x3200xf32, #tpu.memory_space<vmem>>, %arg2: memref<3200x128xf32, #tpu.memory_space<vmem>>, %arg3: memref<6x128xf32, #tpu.memory_space<vmem>>, %arg4: memref<3200x128xf32, #tpu.memory_space<vmem>>) attributes {dimension_semantics = [#tpu.dimension_semantics<arbitrary>], iteration_bounds = array<i64: 25>, scalar_prefetch = 0 : i64, scratch_operands = 0 : i64, tpu.core_type = #tpu.core_type<tc>, window_params = [{transform_indices = @transform_0, window_bounds = array<i64: 6, 3200>}, {transform_indices = @transform_1, window_bounds = array<i64: 3200, 128>}, {pipeline_mode = #tpu.pipeline_mode<synchronous>, transform_indices = @transform_2, window_bounds = array<i64: 6, 128>}, {transform_indices = @transform_3, window_bounds = array<i64: 3200, 128>}]} {
    %get3A = arith.constant 0 : index
    %get3A_0 = arith.constant 0 : index
    %get3A_1 = vector.load %arg1[%get3A, %get3A_0] : memref<6x3200xf32, #tpu.memory_space<vmem>>, vector<6x3200xf32>
    %get3A_2 = arith.constant 0 : index
    %get3A_3 = arith.constant 0 : index
    %get3A_4 = vector.load %arg3[%get3A_2, %get3A_3] : memref<6x128xf32, #tpu.memory_space<vmem>>, vector<6x128xf32>
    %dot_general3A = arith.constant dense<0.000000e+00> : vector<3200x128xf32>
    %dot_general3A_5 = tpu.matmul %get3A_1, %get3A_4, %dot_general3A {dimension_numbers = #tpu.dot_dimension_numbers<[0], [0], [1], [1], [0, 1, 1, 1], [], []>, transpose_lhs_hint = false} : vector<6x3200xf32>, vector<6x128xf32>, vector<3200x128xf32> -> vector<3200x128xf32>
    %get3A_6 = arith.constant 0 : index
    %get3A_7 = arith.constant 0 : index
    %get3A_8 = vector.load %arg2[%get3A_6, %get3A_7] : memref<3200x128xf32, #tpu.memory_space<vmem>>, vector<3200x128xf32>
    %mul3A = arith.mulf %dot_general3A_5, %get3A_8 : vector<3200x128xf32>
    %swap3A = arith.constant 0 : index
    %swap3A_9 = arith.constant 0 : index
    %swap3A_10 = vector.load %arg4[%swap3A, %swap3A_9] : memref<3200x128xf32, #tpu.memory_space<vmem>>, vector<3200x128xf32>
    tpu.vector_store %arg4[%swap3A, %swap3A_9], %mul3A {strides = array<i32>} : memref<3200x128xf32, #tpu.memory_space<vmem>>, vector<3200x128xf32>,
    return
  }
  func.func @transform_0(%arg0: i32) -> (i32, i32) {
    %add3A = arith.constant 25 : i32
    %add3A_0 = arith.addi %arg0, %add3A : i32
    %c0_i32 = arith.constant 0 : i32
    %c0_i32_1 = arith.constant 0 : i32
    return %c0_i32, %add3A_0 : i32, i32
  }
  func.func @transform_1(%arg0: i32) -> (i32, i32) {
    %add3A = arith.constant 25 : i32
    %add3A_0 = arith.addi %arg0, %add3A : i32
    %c0_i32 = arith.constant 0 : i32
    %c0_i32_1 = arith.constant 0 : i32
    return %add3A_0, %c0_i32 : i32, i32
  }
  func.func @transform_2(%arg0: i32) -> (i32, i32) {
    %c0_i32 = arith.constant 0 : i32
    %c0_i32_0 = arith.constant 0 : i32
    %c0_i32_1 = arith.constant 0 : i32
    return %c0_i32, %c0_i32_0 : i32, i32
  }
  func.func @transform_3(%arg0: i32) -> (i32, i32) {
    %c0_i32 = arith.constant 0 : i32
    %c0_i32_0 = arith.constant 0 : i32
    return %arg0, %c0_i32 : i32, i32
  }
}

module attributes {stable_mosaic.version = 14 : i64} {
  func.func @_edge_body(%arg0: i32, %arg1: memref<6x3200xf32, #tpu.memory_space<vmem>>, %arg2: memref<3200x128xf32, #tpu.memory_space<vmem>>, %arg3: memref<6x128xf32, #tpu.memory_space<vmem>>, %arg4: memref<3200x128xf32, #tpu.memory_space<vmem>>) attributes {dimension_semantics = [#tpu.dimension_semantics<arbitrary>], iteration_bounds = array<i64: 25>, scalar_prefetch = 0 : i64, scratch_operands = 0 : i64, tpu.core_type = #tpu.core_type<tc>, window_params = [{transform_indices = @transform_0, window_bounds = array<i64: 6, 3200>}, {transform_indices = @transform_1, window_bounds = array<i64: 3200, 128>}, {pipeline_mode = #tpu.pipeline_mode<synchronous>, transform_indices = @transform_2, window_bounds = array<i64: 6, 128>}, {transform_indices = @transform_3, window_bounds = array<i64: 3200, 128>}]} {
    %get3A = arith.constant 0 : index
    %get3A_0 = arith.constant 0 : index
    %get3A_1 = vector.load %arg1[%get3A, %get3A_0] : memref<6x3200xf32, #tpu.memory_space<vmem>>, vector<6x3200xf32>
    %get3A_2 = arith.constant 0 : index
    %get3A_3 = arith.constant 0 : index
    %get3A_4 = vector.load %arg3[%get3A_2, %get3A_3] : memref<6x128xf32, #tpu.memory_space<vmem>>, vector<6x128xf32>
    %dot_general3A = arith.constant dense<0.000000e+00> : vector<3200x128xf32>
    %dot_general3A_5 = tpu.matmul %get3A_1, %get3A_4, %dot_general3A {dimension_numbers = #tpu.dot_dimension_numbers<[0], [0], [1], [1], [0, 1, 1, 1], [], []>, transpose_lhs_hint = false} : vector<6x3200xf32>, vector<6x128xf32>, vector<3200x128xf32> -> vector<3200x128xf32>
    %get3A_6 = arith.constant 0 : index
    %get3A_7 = arith.constant 0 : index
    %get3A_8 = vector.load %arg2[%get3A_6, %get3A_7] : memref<3200x128xf32, #tpu.memory_space<vmem>>, vector<3200x128xf32>
    %mul3A = arith.mulf %dot_general3A_5, %get3A_8 : vector<3200x128xf32>
    %swap3A = arith.constant 0 : index
    %swap3A_9 = arith.constant 0 : index
    %swap3A_10 = vector.load %arg4[%swap3A, %swap3A_9] : memref<3200x128xf32, #tpu.memory_space<vmem>>, vector<3200x128xf32>
    tpu.vector_store %arg4[%swap3A, %swap3A_9], %mul3A {strides = array<i32>} : memref<3200x128xf32, #tpu.memory_space<vmem>>, vector<3200x128xf32>,
    return
  }
  func.func @transform_0(%arg0: i32) -> (i32, i32) {
    %add3A = arith.constant 0 : i32
    %add3A_0 = arith.addi %arg0, %add3A : i32
    %c0_i32 = arith.constant 0 : i32
    %c0_i32_1 = arith.constant 0 : i32
    return %c0_i32, %add3A_0 : i32, i32
  }
  func.func @transform_1(%arg0: i32) -> (i32, i32) {
    %add3A = arith.constant 0 : i32
    %add3A_0 = arith.addi %arg0, %add3A : i32
    %c0_i32 = arith.constant 0 : i32
    %c0_i32_1 = arith.constant 0 : i32
    return %add3A_0, %c0_i32 : i32, i32
  }
  func.func @transform_2(%arg0: i32) -> (i32, i32) {
    %c0_i32 = arith.constant 0 : i32
    %c0_i32_0 = arith.constant 0 : i32
    %c0_i32_1 = arith.constant 0 : i32
    return %c0_i32, %c0_i32_0 : i32, i32
  }
  func.func @transform_3(%arg0: i32) -> (i32, i32) {
    %c0_i32 = arith.constant 0 : i32
    %c0_i32_0 = arith.constant 0 : i32
    return %arg0, %c0_i32 : i32, i32
  }
}

module attributes {stable_mosaic.version = 14 : i64} {
  func.func @_mlp_body(%arg0: i32, %arg1: memref<2x1000x128xf32, #tpu.memory_space<vmem>>, %arg2: memref<2x1000x128xf32, #tpu.memory_space<vmem>>, %arg3: memref<2x1000x128xf32, #tpu.memory_space<vmem>>, %arg4: memref<2x1000x128xf32, #tpu.memory_space<vmem>>, %arg5: memref<128x128xf32, #tpu.memory_space<vmem>>, %arg6: memref<1x128xf32, #tpu.memory_space<vmem>>, %arg7: memref<128x128xf32, #tpu.memory_space<vmem>>, %arg8: memref<1x128xf32, #tpu.memory_space<vmem>>, %arg9: memref<128x128xf32, #tpu.memory_space<vmem>>, %arg10: memref<1x128xf32, #tpu.memory_space<vmem>>, %arg11: memref<128x128xf32, #tpu.memory_space<vmem>>, %arg12: memref<1000x128xf32, #tpu.memory_space<vmem>>) attributes {dimension_semantics = [#tpu.dimension_semantics<arbitrary>], iteration_bounds = array<i64: 10>, scalar_prefetch = 0 : i64, scratch_operands = 0 : i64, tpu.core_type = #tpu.core_type<tc>, window_params = [{transform_indices = @transform_0, window_bounds = array<i64: 2, 1000, 128>}, {transform_indices = @transform_1, window_bounds = array<i64: 2, 1000, 128>}, {transform_indices = @transform_2, window_bounds = array<i64: 2, 1000, 128>}, {transform_indices = @transform_3, window_bounds = array<i64: 2, 1000, 128>}, {pipeline_mode = #tpu.pipeline_mode<synchronous>, transform_indices = @transform_4, window_bounds = array<i64: 128, 128>}, {pipeline_mode = #tpu.pipeline_mode<synchronous>, transform_indices = @transform_5, window_bounds = array<i64: 1, 128>}, {pipeline_mode = #tpu.pipeline_mode<synchronous>, transform_indices = @transform_6, window_bounds = array<i64: 128, 128>}, {pipeline_mode = #tpu.pipeline_mode<synchronous>, transform_indices = @transform_7, window_bounds = array<i64: 1, 128>}, {pipeline_mode = #tpu.pipeline_mode<synchronous>, transform_indices = @transform_8, window_bounds = array<i64: 128, 128>}, {pipeline_mode = #tpu.pipeline_mode<synchronous>, transform_indices = @transform_9, window_bounds = array<i64: 1, 128>}, {pipeline_mode = #tpu.pipeline_mode<synchronous>, transform_indices = @transform_10, window_bounds = array<i64: 128, 128>}, {transform_indices = @transform_11, window_bounds = array<i64: 1000, 128>}]} {
    %get3A = arith.constant 0 : index
    %get3A_0 = arith.constant 0 : index
    %get3A_1 = arith.constant 0 : index
    %get3A_2 = vector.load %arg1[%get3A, %get3A_0, %get3A_1] : memref<2x1000x128xf32, #tpu.memory_space<vmem>>, vector<1x1000x128xf32>
    %get3A_3 = vector.shape_cast %get3A_2 : vector<1x1000x128xf32> to vector<1000x128xf32>
    %get3A_4 = arith.constant 1 : index
    %get3A_5 = arith.constant 0 : index
    %get3A_6 = arith.constant 0 : index
    %get3A_7 = vector.load %arg1[%get3A_4, %get3A_5, %get3A_6] : memref<2x1000x128xf32, #tpu.memory_space<vmem>>, vector<1x1000x128xf32>
    %get3A_8 = vector.shape_cast %get3A_7 : vector<1x1000x128xf32> to vector<1000x128xf32>
    %add3A = arith.addf %get3A_3, %get3A_8 : vector<1000x128xf32>
    %get3A_9 = arith.constant 0 : index
    %get3A_10 = arith.constant 0 : index
    %get3A_11 = arith.constant 0 : index
    %get3A_12 = vector.load %arg2[%get3A_9, %get3A_10, %get3A_11] : memref<2x1000x128xf32, #tpu.memory_space<vmem>>, vector<1x1000x128xf32>
    %get3A_13 = vector.shape_cast %get3A_12 : vector<1x1000x128xf32> to vector<1000x128xf32>
    %get3A_14 = arith.constant 1 : index
    %get3A_15 = arith.constant 0 : index
    %get3A_16 = arith.constant 0 : index
    %get3A_17 = vector.load %arg2[%get3A_14, %get3A_15, %get3A_16] : memref<2x1000x128xf32, #tpu.memory_space<vmem>>, vector<1x1000x128xf32>
    %get3A_18 = vector.shape_cast %get3A_17 : vector<1x1000x128xf32> to vector<1000x128xf32>
    %add3A_19 = arith.addf %get3A_13, %get3A_18 : vector<1000x128xf32>
    %add3A_20 = arith.addf %add3A, %add3A_19 : vector<1000x128xf32>
    %get3A_21 = arith.constant 0 : index
    %get3A_22 = arith.constant 0 : index
    %get3A_23 = arith.constant 0 : index
    %get3A_24 = vector.load %arg3[%get3A_21, %get3A_22, %get3A_23] : memref<2x1000x128xf32, #tpu.memory_space<vmem>>, vector<1x1000x128xf32>
    %get3A_25 = vector.shape_cast %get3A_24 : vector<1x1000x128xf32> to vector<1000x128xf32>
    %get3A_26 = arith.constant 1 : index
    %get3A_27 = arith.constant 0 : index
    %get3A_28 = arith.constant 0 : index
    %get3A_29 = vector.load %arg3[%get3A_26, %get3A_27, %get3A_28] : memref<2x1000x128xf32, #tpu.memory_space<vmem>>, vector<1x1000x128xf32>
    %get3A_30 = vector.shape_cast %get3A_29 : vector<1x1000x128xf32> to vector<1000x128xf32>
    %add3A_31 = arith.addf %get3A_25, %get3A_30 : vector<1000x128xf32>
    %add3A_32 = arith.addf %add3A_20, %add3A_31 : vector<1000x128xf32>
    %get3A_33 = arith.constant 0 : index
    %get3A_34 = arith.constant 0 : index
    %get3A_35 = arith.constant 0 : index
    %get3A_36 = vector.load %arg4[%get3A_33, %get3A_34, %get3A_35] : memref<2x1000x128xf32, #tpu.memory_space<vmem>>, vector<1x1000x128xf32>
    %get3A_37 = vector.shape_cast %get3A_36 : vector<1x1000x128xf32> to vector<1000x128xf32>
    %get3A_38 = arith.constant 1 : index
    %get3A_39 = arith.constant 0 : index
    %get3A_40 = arith.constant 0 : index
    %get3A_41 = vector.load %arg4[%get3A_38, %get3A_39, %get3A_40] : memref<2x1000x128xf32, #tpu.memory_space<vmem>>, vector<1x1000x128xf32>
    %get3A_42 = vector.shape_cast %get3A_41 : vector<1x1000x128xf32> to vector<1000x128xf32>
    %add3A_43 = arith.addf %get3A_37, %get3A_42 : vector<1000x128xf32>
    %add3A_44 = arith.addf %add3A_32, %add3A_43 : vector<1000x128xf32>
    %get3A_45 = arith.constant 0 : index
    %get3A_46 = arith.constant 0 : index
    %get3A_47 = vector.load %arg5[%get3A_45, %get3A_46] : memref<128x128xf32, #tpu.memory_space<vmem>>, vector<128x128xf32>
    %dot_general3A = arith.constant dense<0.000000e+00> : vector<1000x128xf32>
    %dot_general3A_48 = tpu.matmul %add3A_44, %get3A_47, %dot_general3A {dimension_numbers = #tpu.dot_dimension_numbers<[1], [0], [0], [1], [0, 0, 1, 1], [], []>, transpose_lhs_hint = false} : vector<1000x128xf32>, vector<128x128xf32>, vector<1000x128xf32> -> vector<1000x128xf32>
    %get3A_49 = arith.constant 0 : index
    %get3A_50 = arith.constant 0 : index
    %get3A_51 = vector.load %arg6[%get3A_49, %get3A_50] : memref<1x128xf32, #tpu.memory_space<vmem>>, vector<1x128xf32>
    %add3A_52 = vector.broadcast %get3A_51 : vector<1x128xf32> to vector<1000x128xf32>
    %add3A_53 = arith.addf %dot_general3A_48, %add3A_52 : vector<1000x128xf32>
    %neg3A = arith.constant 0.000000e+00 : f32
    %neg3A_54 = vector.broadcast %neg3A : f32 to vector<1000x128xf32>
    %neg3A_55 = arith.subf %neg3A_54, %add3A_53 : vector<1000x128xf32>
    %exp3A = math.exp %neg3A_55 : vector<1000x128xf32>
    %add3A_56 = arith.constant 1.000000e+00 : f32
    %add3A_57 = vector.broadcast %add3A_56 : f32 to vector<1000x128xf32>
    %add3A_58 = arith.addf %add3A_57, %exp3A : vector<1000x128xf32>
    %div3A = arith.constant 1.000000e+00 : f32
    %div3A_59 = vector.broadcast %div3A : f32 to vector<1000x128xf32>
    %div3A_60 = arith.divf %div3A_59, %add3A_58 : vector<1000x128xf32>
    %mul3A = arith.mulf %add3A_53, %div3A_60 : vector<1000x128xf32>
    %get3A_61 = arith.constant 0 : index
    %get3A_62 = arith.constant 0 : index
    %get3A_63 = vector.load %arg7[%get3A_61, %get3A_62] : memref<128x128xf32, #tpu.memory_space<vmem>>, vector<128x128xf32>
    %dot_general3A_64 = arith.constant dense<0.000000e+00> : vector<1000x128xf32>
    %dot_general3A_65 = tpu.matmul %mul3A, %get3A_63, %dot_general3A_64 {dimension_numbers = #tpu.dot_dimension_numbers<[1], [0], [0], [1], [0, 0, 1, 1], [], []>, transpose_lhs_hint = false} : vector<1000x128xf32>, vector<128x128xf32>, vector<1000x128xf32> -> vector<1000x128xf32>
    %get3A_66 = arith.constant 0 : index
    %get3A_67 = arith.constant 0 : index
    %get3A_68 = vector.load %arg8[%get3A_66, %get3A_67] : memref<1x128xf32, #tpu.memory_space<vmem>>, vector<1x128xf32>
    %add3A_69 = vector.broadcast %get3A_68 : vector<1x128xf32> to vector<1000x128xf32>
    %add3A_70 = arith.addf %dot_general3A_65, %add3A_69 : vector<1000x128xf32>
    %neg3A_71 = arith.constant 0.000000e+00 : f32
    %neg3A_72 = vector.broadcast %neg3A_71 : f32 to vector<1000x128xf32>
    %neg3A_73 = arith.subf %neg3A_72, %add3A_70 : vector<1000x128xf32>
    %exp3A_74 = math.exp %neg3A_73 : vector<1000x128xf32>
    %add3A_75 = arith.constant 1.000000e+00 : f32
    %add3A_76 = vector.broadcast %add3A_75 : f32 to vector<1000x128xf32>
    %add3A_77 = arith.addf %add3A_76, %exp3A_74 : vector<1000x128xf32>
    %div3A_78 = arith.constant 1.000000e+00 : f32
    %div3A_79 = vector.broadcast %div3A_78 : f32 to vector<1000x128xf32>
    %div3A_80 = arith.divf %div3A_79, %add3A_77 : vector<1000x128xf32>
    %mul3A_81 = arith.mulf %add3A_70, %div3A_80 : vector<1000x128xf32>
    %get3A_82 = arith.constant 0 : index
    %get3A_83 = arith.constant 0 : index
    %get3A_84 = vector.load %arg9[%get3A_82, %get3A_83] : memref<128x128xf32, #tpu.memory_space<vmem>>, vector<128x128xf32>
    %dot_general3A_85 = arith.constant dense<0.000000e+00> : vector<1000x128xf32>
    %dot_general3A_86 = tpu.matmul %mul3A_81, %get3A_84, %dot_general3A_85 {dimension_numbers = #tpu.dot_dimension_numbers<[1], [0], [0], [1], [0, 0, 1, 1], [], []>, transpose_lhs_hint = false} : vector<1000x128xf32>, vector<128x128xf32>, vector<1000x128xf32> -> vector<1000x128xf32>
    %get3A_87 = arith.constant 0 : index
    %get3A_88 = arith.constant 0 : index
    %get3A_89 = vector.load %arg10[%get3A_87, %get3A_88] : memref<1x128xf32, #tpu.memory_space<vmem>>, vector<1x128xf32>
    %add3A_90 = vector.broadcast %get3A_89 : vector<1x128xf32> to vector<1000x128xf32>
    %add3A_91 = arith.addf %dot_general3A_86, %add3A_90 : vector<1000x128xf32>
    %neg3A_92 = arith.constant 0.000000e+00 : f32
    %neg3A_93 = vector.broadcast %neg3A_92 : f32 to vector<1000x128xf32>
    %neg3A_94 = arith.subf %neg3A_93, %add3A_91 : vector<1000x128xf32>
    %exp3A_95 = math.exp %neg3A_94 : vector<1000x128xf32>
    %add3A_96 = arith.constant 1.000000e+00 : f32
    %add3A_97 = vector.broadcast %add3A_96 : f32 to vector<1000x128xf32>
    %add3A_98 = arith.addf %add3A_97, %exp3A_95 : vector<1000x128xf32>
    %div3A_99 = arith.constant 1.000000e+00 : f32
    %div3A_100 = vector.broadcast %div3A_99 : f32 to vector<1000x128xf32>
    %div3A_101 = arith.divf %div3A_100, %add3A_98 : vector<1000x128xf32>
    %mul3A_102 = arith.mulf %add3A_91, %div3A_101 : vector<1000x128xf32>
    %get3A_103 = arith.constant 0 : index
    %get3A_104 = arith.constant 0 : index
    %get3A_105 = vector.load %arg11[%get3A_103, %get3A_104] : memref<128x128xf32, #tpu.memory_space<vmem>>, vector<128x128xf32>
    %dot_general3A_106 = arith.constant dense<0.000000e+00> : vector<1000x128xf32>
    %dot_general3A_107 = tpu.matmul %mul3A_102, %get3A_105, %dot_general3A_106 {dimension_numbers = #tpu.dot_dimension_numbers<[1], [0], [0], [1], [0, 0, 1, 1], [], []>, transpose_lhs_hint = false} : vector<1000x128xf32>, vector<128x128xf32>, vector<1000x128xf32> -> vector<1000x128xf32>
    %swap3A = arith.constant 0 : index
    %swap3A_108 = arith.constant 0 : index
    %swap3A_109 = vector.load %arg12[%swap3A, %swap3A_108] : memref<1000x128xf32, #tpu.memory_space<vmem>>, vector<1000x128xf32>
    tpu.vector_store %arg12[%swap3A, %swap3A_108], %dot_general3A_107 {strides = array<i32>} : memref<1000x128xf32, #tpu.memory_space<vmem>>, vector<1000x128xf32>,
    return
  }
  func.func @transform_0(%arg0: i32) -> (i32, i32, i32) {
    %c0_i32 = arith.constant 0 : i32
    %c0_i32_0 = arith.constant 0 : i32
    %c0_i32_1 = arith.constant 0 : i32
    return %c0_i32, %arg0, %c0_i32_0 : i32, i32, i32
  }
  func.func @transform_1(%arg0: i32) -> (i32, i32, i32) {
    %c0_i32 = arith.constant 0 : i32
    %c0_i32_0 = arith.constant 0 : i32
    %c0_i32_1 = arith.constant 0 : i32
    return %c0_i32, %arg0, %c0_i32_0 : i32, i32, i32
  }
  func.func @transform_2(%arg0: i32) -> (i32, i32, i32) {
    %c0_i32 = arith.constant 0 : i32
    %c0_i32_0 = arith.constant 0 : i32
    %c0_i32_1 = arith.constant 0 : i32
    return %c0_i32, %arg0, %c0_i32_0 : i32, i32, i32
  }
  func.func @transform_3(%arg0: i32) -> (i32, i32, i32) {
    %c0_i32 = arith.constant 0 : i32
    %c0_i32_0 = arith.constant 0 : i32
    %c0_i32_1 = arith.constant 0 : i32
    return %c0_i32, %arg0, %c0_i32_0 : i32, i32, i32
  }
  func.func @transform_4(%arg0: i32) -> (i32, i32) {
    %c0_i32 = arith.constant 0 : i32
    %c0_i32_0 = arith.constant 0 : i32
    %c0_i32_1 = arith.constant 0 : i32
    return %c0_i32, %c0_i32_0 : i32, i32
  }
  func.func @transform_5(%arg0: i32) -> (i32, i32) {
    %c0_i32 = arith.constant 0 : i32
    %c0_i32_0 = arith.constant 0 : i32
    %c0_i32_1 = arith.constant 0 : i32
    return %c0_i32, %c0_i32_0 : i32, i32
  }
  func.func @transform_6(%arg0: i32) -> (i32, i32) {
    %c0_i32 = arith.constant 0 : i32
    %c0_i32_0 = arith.constant 0 : i32
    %c0_i32_1 = arith.constant 0 : i32
    return %c0_i32, %c0_i32_0 : i32, i32
  }
  func.func @transform_7(%arg0: i32) -> (i32, i32) {
    %c0_i32 = arith.constant 0 : i32
    %c0_i32_0 = arith.constant 0 : i32
    %c0_i32_1 = arith.constant 0 : i32
    return %c0_i32, %c0_i32_0 : i32, i32
  }
  func.func @transform_8(%arg0: i32) -> (i32, i32) {
    %c0_i32 = arith.constant 0 : i32
    %c0_i32_0 = arith.constant 0 : i32
    %c0_i32_1 = arith.constant 0 : i32
    return %c0_i32, %c0_i32_0 : i32, i32
  }
  func.func @transform_9(%arg0: i32) -> (i32, i32) {
    %c0_i32 = arith.constant 0 : i32
    %c0_i32_0 = arith.constant 0 : i32
    %c0_i32_1 = arith.constant 0 : i32
    return %c0_i32, %c0_i32_0 : i32, i32
  }
  func.func @transform_10(%arg0: i32) -> (i32, i32) {
    %c0_i32 = arith.constant 0 : i32
    %c0_i32_0 = arith.constant 0 : i32
    %c0_i32_1 = arith.constant 0 : i32
    return %c0_i32, %c0_i32_0 : i32, i32
  }
  func.func @transform_11(%arg0: i32) -> (i32, i32) {
    %c0_i32 = arith.constant 0 : i32
    %c0_i32_0 = arith.constant 0 : i32
    return %arg0, %c0_i32 : i32, i32
  }
}

</mosaic_0001>

<sc_bundles>
// kernel: kernel.11.cloned.1.call-start
scs
__scs_entry_jumppad:
0x0: {  	(pc) =	sbr.rel $0x88, $3  }
0x1: {  	(tag) =	ssettag $0x0;
	lr =	simm.s32 $0x1  }
0x2: {  	[smem:$0x3F95] =	sst lr;
	_ =	strace $0xD0000000  }
0x3: {  	_ = 	snop  }
0x4: {  	_ = 	snop  }
0x5: {  	_ = 	snop  }
0x6: {  	_ = 	snop  }
0x7: {  	_ = 	snop  }
__scs_overlays_trampoline_lowered:
0x8: {  	[smem:$0x3FA4] =	sst s0  }
0x9: {  	[smem:$0x3FA5] =	sst s1  }
0xa: {  	[smem:$0x3FA6] =	sst s2  }
0xb: {  	[smem:$0x3FA7] =	sst s3  }
0xc: {  	[smem:$0x3FA8] =	sst s4  }
0xd: {  	[smem:$0x3FA9] =	sst s5  }
0xe: {  	[smem:$0x3FAA] =	sst s6  }
0xf: {  	[smem:$0x3FAB] =	sst s7  }
0x10: {  	[smem:$0x3FAC] =	sst s8  }
0x11: {  	[smem:$0x3FAD] =	sst s9;
	s0 =	simm.s32 @!p0 $0x0  }
0x12: {  	s1 =	sld [smem:$0x3F93];
	s0 =	simm.s32 @p0 $0x1  }
0x13: {  	[smem:$0x3FAE] =	sst s0;
	s0 =	simm.s32 @!p1 $0x0  }
0x14: {  	s2 =	sld [smem:$0x3F92];
	s0 =	simm.s32 @p1 $0x1  }
0x15: {  	[smem:$0x3FAF] =	sst s0;
	s0 =	simm.s32 @!p2 $0x0  }
0x16: {  	s3 =	sld [smem:$0x3FDB];
	s0 =	simm.s32 @p2 $0x1  }
0x17: {  	s4 =	simm.s32 $0x1BF5;
	[smem:$0x3FB1] =	sst s0  }
0x18: {  	s0 =	sld [smem:$0x3F94];
	_ =	swait.ge [sflag:s4], $0x0  }
0x19: {  	s7 =	sld [smem:$0x3F95]  }
0x1a: {  	s8 =	sadd.s32 $0xFFFFE003, lr  }
0x1b: {  	s9 =	sadd.s32 $0xFFFFFEF7, lr;
	s5 =	simm.s32 $0xFFFFFFFF;
	p2 =	slt.u32 s8, $0xFFFFF086  }
0x1c: {  	p1 =	slt.u32 s9, $0xF7A;
	s5 =	simm.s32 @!p2 $0x0  }
0x1d: {  	s5 =	simm.s32 @p1 $0x1;
	p0 =	seq.s32 s7, s2  }
0x1e: {  	s7 =	smul.u32 @!p0 $0xF7A, s2;
	p2 =	seq.s32 @!p0 s5, $0x0  }
0x1f: {  	s9 =	smul.u32 $0xF7A, s1;
	s8 =	simm.s32 @!p0 $0x1BF5;
	p2 =	por !p2, p0  }
0x20: {  	[sflag:s8] =	ssyncset.s32 @!p0 $0xFFFFF086;
	s6 =	sadd.s32 @!p0 s3, s7;
	s7 =	simm.s32 @!p0 $0x108  }
0x21: {  	s3 =	sadd.s32 s3, s9;
	s6 =	sadd.s32 @!p0 $0x88, s6;
	s7 =	simm.s32 @p2 $0x1082  }
0x22: {  	[simem:s7], [sflag:s8] =	dma.local @!p0 [hbm:s6], $0xF7A  }
0x23: {  	s9 =	sor.u32 $0xD0000000, s2;
	s6 =	simm.s32 $0x108;
	_ =	swait.ge @!p0 [sflag:s8], $0x0  }
0x24: {  	s3 =	sadd.s32 $0x88, s3;
	s6 =	simm.s32 @!p1 $0x1082;
	[sflag:s4] =	ssyncset.s32 $0xFFFFF086  }
0x25: {  	[simem:s6], [sflag:s4] =	dma.local [hbm:s3], $0xF7A  }
0x26: {  	[smem:$0x3F95] =	sst s1;
	(tag) =	ssettag s2;
	_ =	strace s9  }
0x27: {  	s1 =	sld [smem:$0x3FA5]  }
0x28: {  	s2 =	sld [smem:$0x3FA6]  }
0x29: {  	s4 =	sld [smem:$0x3FA8]  }
0x2a: {  	p0 =	seq.s32 s5, $0x0;
	s5 =	sld [smem:$0x3FA9]  }
0x2b: {  	s6 =	sld [smem:$0x3FAA]  }
0x2c: {  	s7 =	sld [smem:$0x3FAB]  }
0x2d: {  	s3 =	simm.s32 $0x108;
	s8 =	sld [smem:$0x3FAC]  }
0x2e: {  	s3 =	simm.s32 @!p0 $0x1082;
	s9 =	sld [smem:$0x3FAD]  }
0x2f: {  	lr =	sadd.s32 s0, s3;
	s0 =	sld [smem:$0x3FA4]  }
0x30: {  	s3 =	sld [smem:$0x3FA7]  }
0x31: {  	[smem:$0x3FB0] =	sst s10  }
0x32: {  	s10 =	sld [smem:$0x3FAE];
	_ =	sdelay $0x3  }
0x33: {  	p0 =	seq.s32 s10, $0x1;
	s10 =	sld [smem:$0x3FB0];
	_ =	sdelay $0x3  }
0x34: {  	[smem:$0x3FB0] =	sst s10  }
0x35: {  	s10 =	sld [smem:$0x3FAF];
	_ =	sdelay $0x3  }
0x36: {  	p1 =	seq.s32 s10, $0x1;
	s10 =	sld [smem:$0x3FB0];
	_ =	sdelay $0x3  }
0x37: {  	[smem:$0x3FB0] =	sst s10  }
0x38: {  	s10 =	sld [smem:$0x3FB1]  }
0x39: {  	_ = 	snop;
	(pc) =	sbr.ind lr, $3  }
0x3a: {  	_ = 	snop  }
0x3b: {  	_ = 	snop  }
0x3c: {  	p2 =	seq.s32 s10, $0x1;
	s10 =	sld [smem:$0x3FB0]  }
0x3d: {  	_ =	shalt  }
0x3e: {  	_ =	shalt  }
0x3f: {  	_ =	shalt  }
0x40: {  	_ =	shalt  }
0x41: {  	_ =	shalt  }
0x42: {  	_ =	shalt  }
0x43: {  	_ =	shalt  }
0x44: {  	_ =	shalt  }
0x45: {  	_ =	shalt  }
0x46: {  	_ =	shalt  }
0x47: {  	_ =	shalt  }
0x48: {  	_ =	shalt  }
0x49: {  	_ =	shalt  }
0x4a: {  	_ =	shalt  }
0x4b: {  	_ =	shalt  }
0x4c: {  	_ =	shalt  }
0x4d: {  	_ =	shalt  }
0x4e: {  	_ =	shalt  }
0x4f: {  	_ =	shalt  }
0x50: {  	_ =	shalt  }
0x51: {  	_ =	shalt  }
0x52: {  	_ =	shalt  }
0x53: {  	_ =	shalt  }
0x54: {  	_ =	shalt  }
0x55: {  	_ =	shalt  }
0x56: {  	_ =	shalt  }
0x57: {  	_ =	shalt  }
0x58: {  	_ =	shalt  }
0x59: {  	_ =	shalt  }
0x5a: {  	_ =	shalt  }
0x5b: {  	_ =	shalt  }
0x5c: {  	_ =	shalt  }
0x5d: {  	_ =	shalt  }
0x5e: {  	_ =	shalt  }
0x5f: {  	_ =	shalt  }
0x60: {  	_ =	shalt  }
0x61: {  	_ =	shalt  }
0x62: {  	_ =	shalt  }
0x63: {  	_ =	shalt  }
0x64: {  	_ =	shalt  }
0x65: {  	_ =	shalt  }
0x66: {  	_ =	shalt  }
0x67: {  	_ =	shalt  }
0x68: {  	_ =	shalt  }
0x69: {  	_ =	shalt  }
0x6a: {  	_ =	shalt  }
0x6b: {  	_ =	shalt  }
0x6c: {  	_ =	shalt  }
0x6d: {  	_ =	shalt  }
0x6e: {  	_ =	shalt  }
0x6f: {  	_ =	shalt  }
0x70: {  	_ =	shalt  }
0x71: {  	_ =	shalt  }
0x72: {  	_ =	shalt  }
0x73: {  	_ =	shalt  }
0x74: {  	_ =	shalt  }
0x75: {  	_ =	shalt  }
0x76: {  	_ =	shalt  }
0x77: {  	_ =	shalt  }
0x78: {  	_ =	shalt  }
0x79: {  	_ =	shalt  }
0x7a: {  	_ =	shalt  }
0x7b: {  	_ =	shalt  }
0x7c: {  	_ =	shalt  }
0x7d: {  	_ =	shalt  }
0x7e: {  	_ =	shalt  }
0x7f: {  	_ =	shalt  }
0x80: {  	_ =	shalt  }
0x81: {  	_ =	shalt  }
0x82: {  	_ =	shalt  }
0x83: {  	_ =	shalt  }
0x84: {  	_ =	shalt  }
0x85: {  	_ =	shalt  }
0x86: {  	_ =	shalt  }
0x87: {  	_ =	shalt  }
.Lfunc_end0:
.L_simem_size_0:
called_computation_lowered:
.L_overlay_start_0:
0x88: {  	s2 =	sld [smem:$0x3FD9]  }
0x89: {  	s3 =	sld [smem:$0x3FFE];
	_ =	sdelay $0x1  }
0x8a: {  	s1 =	srdreg.scid  }
0x8b: {  	s0 =	sand.u32 $0x1, s1  }
0x8c: {  	s17 =	sshll.u32 s0, $0xA;
	s2 =	sadd.s32 s3, s2  }
0x8d: {  	s2 =	sadd.s32 s2, s17  }
0x8e: {  	[smem:$0x3FBC] =	sst s2  }
0x8f: {  	_ = 	snop  }
0x90: {  	s18 =	sld [smem:$0x3FD0];
	(tm) =	ssettm $0x1  }
0x91: {  	s19 =	sld [smem:$0x3FFB];
	_ =	sdelay $0x3  }
0x92: {  	_ =	strace s19  }
0x93: {  	s2 =	sld [smem:$0x3FFC];
	_ =	sdelay $0x3  }
0x94: {  	_ =	strace s2  }
0x95: {  	s2 =	sld [smem:$0x3FFD];
	_ =	sdelay $0x3  }
0x96: {  	_ =	strace s2  }
0x97: {  	_ =	strace $0x8FFFFFFF  }
0x98: {  	s20 =	sld [smem:$0x3FDB];
	_ =	sdelay $0x1  }
0x99: {  	s4 =	simm.s32 $_scs_section_size  }
0x9a: {  	s5 =	simm.s32 $_size__tile_overlayer_lowered;
	s6 =	simm.s32 $_tile_overlayer_lowered  }
0x9b: {  	s7 =	simm.s32 $0x1BFF;
	s21 =	sshll.u32 s6, $0x1;
	s4 =	sadd.s32 s4, s20  }
0x9c: {  	s22 =	simm.s32 $0x0;
	s5 =	sshll.u32 s5, $0x1;
	s6 =	sadd.s32 s21, s4  }
0x9d: {  	[timem:s22], [sflag:s7] =	dma.local [hbm:s6], s5  }
0x9e: {  	_ =	swait.ge [sflag:s7], s5  }
0x9f: {  	s5 =	ssub.s32 $0x0, s5;
	[sflag:s7] =	ssyncset.done $0x0  }
0xa0: {  	[sflag:s7] =	ssyncadd.s32 s5;
	_ =	sdelay $0x1  }
0xa1: {  	s23 =	simm.s32 $0x1B8B  }
0xa2: {  	_ =	swait.ge [sflag:s23], $0x1  }
0xa3: {  	[sflag:s23] =	ssyncset.done $0x0  }
0xa4: {  	[sflag:s23] =	ssyncadd.s32 $0xFFFFFFFF  }
0xa5: {  	s5 =	sld [smem:$0x0]  }
0xa6: {  	s6 =	sand.u32 $0xFFFFFFFE, s1  }
0xa7: {  	p0 =	sne.s32 s1, s6  }
0xa8: {  	s6 =	sshll.u32 @p0 s6, $0xE  }
0xa9: {  	s6 =	sadd.s32 @p0 $0x11B8D, s6;
	s7 =	sshll.u32 @p0 s5, $0x11  }
0xaa: {  	s6 =	sor.u32 @p0 s7, s6  }
0xab: {  	[sflag:s6] =	ssyncadd.remote.s32 @p0 $0x1;
	_ =	sdelay $0x1  }
0xac: {  	s6 =	simm.s32 @p0 $0x1B8D  }
0xad: {  	_ =	swait.eq @p0 [sflag:s6], $0x1  }
0xae: {  	[sflag:s6] =	ssyncadd.s32 @p0 $0xFFFFFFFF  }
0xaf: {  	s7 =	sshll.u32 @!p0 s1, $0xE  }
0xb0: {  	s7 =	sor.u32 @!p0 $0x4000, s7;
	s6 =	simm.s32 @!p0 $0x1B8D  }
0xb1: {  	s5 =	sshll.u32 @!p0 s5, $0x11;
	s7 =	sadd.s32 @!p0 $0x11B8D, s7;
	_ =	swait.eq @!p0 [sflag:s6], $0x1  }
0xb2: {  	s5 =	sor.u32 @!p0 s5, s7;
	[sflag:s6] =	ssyncadd.s32 @!p0 $0xFFFFFFFF  }
0xb3: {  	s25 =	simm.s32 $0x1B8E;
	s24 =	sld [smem:$0x3FFE];
	[sflag:s5] =	ssyncadd.remote.s32 @!p0 $0x1  }
0xb4: {  	s26 =	simm.s32 $execute0_lowered;
	[smem:$0x3FD2] =	sst s25  }
0xb5: {  	s6 =	sshll.u32 s26, $0x1;
	_ =	strace $0x8000004F;
	[dreg:$0x1] =	wrdreg $0xFFFFFFFF  }
0xb6: {  	s28 =	simm.s32 $_size_execute0_lowered;
	s4 =	sadd.s32 s4, s6;
	[dreg:$0x0] =	wrdreg $0x0  }
0xb7: {  	s6 =	sshll.u32 s28, $0x1;
	[dreg:$0x2] =	wrdreg s4  }
0xb8: {  	[dreg:$0x3] =	wrdreg s6  }
0xb9: {  	[dreg:$0x4] =	wrdreg $0xC0  }
0xba: {  	_ =	task [dreg:s22], $0x5FFFF  }
0xbb: {  	[dreg:$0x1] =	wrdreg $0xFFFFFFFF  }
0xbc: {  	[dreg:$0x0] =	wrdreg $0x60  }
0xbd: {  	[dreg:$0x2] =	wrdreg s24  }
0xbe: {  	[dreg:$0x3] =	wrdreg s18  }
0xbf: {  	[dreg:$0x4] =	wrdreg $0x0  }
0xc0: {  	[dreg:$0x5] =	wrdreg $0x9  }
0xc1: {  	_ =	task.clear_ibuf [dreg:s22], $0x6FFFF;
	_ =	strace $0x9000004F  }
0xc2: {  	s29 =	simm.s32 $0x9;
	_ =	strace $0x80000051  }
0xc3: {  	_ =	swait.ge [sflag:s29], $0x1  }
0xc4: {  	[sflag:s29] =	ssyncadd.s32 $0xFFFFFFFF  }
0xc5: {  	_ =	strace $0x90000051  }
0xc6: {  	_ =	sfence  }
0xc7: {  	s30 =	sld [smem:$0x0];
	_ =	sdelay $0x2  }
0xc8: {  	s31 =	sshll.u32 s1, $0xD;
	s1 =	sshrl.u32 s1, $0x2  }
0xc9: {  	s4 =	sand.u32 $0x4000, s31;
	s1 =	sadd.s32 s1, s30  }
0xca: {  	s0 =	sor.u32 s4, s0;
	s1 =	sshll.u32 s1, $0x11  }
0xcb: {  	s0 =	sor.u32 s1, s0  }
0xcc: {  	s0 =	sadd.s32 $0x8F2B, s0  }
0xcd: {  	[sflag:s0] =	ssyncadd.remote.s32 $0x1  }
0xce: {  	_ =	sfence.sel $0xFFFF  }
0xcf: {  	[dreg:$0x0] =	wrdreg $0xFFFFFFFF;
	(pc) =	sbr.abs _section_cstart, $3  }
0xd0: {  	[dreg:$0x1] =	wrdreg $0xFFFFFFFF  }
0xd1: {  	_ =	task.clear_ibuf [dreg:s22], $0x2FFFF;
	_ =	strace $0x9FFFFFFF  }
0xd2: {  	(tm) =	ssettm $0x7FFFFFFF  }
0xd3: {  	_ =	shalt  }
tec
execute0_lowered:
.L_overlay_start_1:
0x0: {  	(tag) =	ssettag $0x1  }
0x1: {  	s4 =	rddreg [dreg:$0x0]  }
0x2: {  	s12 =	rddreg [dreg:$0x1]  }
0x3: {  	s2 =	rddreg [dreg:$0x2]  }
0x4: {  	s0 =	rddreg [dreg:$0x3];
	s3 =	simm.s32 $0x0  }
0x5: {  	s1 =	stileid.u32;
	s5 =	srdreg.scid;
	s20 =	simm.s32 $0x1  }
0x6: {  	[smem:$0x7FF] =	sst s3;
	s24 =	smul.u32 $0x2800, s1;
	s11 =	sand.u32 $0x1, s5  }
0x7: {  	s13 =	sadd.s32 $0x4CBA00, s4;
	s6 =	smul.u32 $0x50000, s1;
	s23 =	sshll.u32 s1, $0x6  }
0x8: {  	s25 =	sshll.u32 s1, $0x4;
	s31 =	sshll.u32 s1, $0xB;
	_ =	strace $0x80000050  }
0x9: {  	s5 =	smul.u32 $0x28000, s11;
	s21 =	ssub.s32 $0x2, s11;
	s9 =	sshll.u32 s11, $0x4  }
0xa: {  	s16 =	sand.u32 $0x70, s25;
	s11 =	sshll.u32 s11, $0xF;
	s7 =	sadd.s32 s24, s4  }
0xb: {  	s22 =	sshrl.u32 s21, $0x1;
	s6 =	sshrl.u32 s6, $0x2;
	s9 =	sor.u32 s1, s9  }
0xc: {  	s17 =	sadd.s32 s12, s16;
	s8 =	sadd.s32 s5, s4;
	s10 =	ssub.s32 s21, s22  }
0xd: {  	s14 =	sadd.s32 s6, s2;
	s4 =	sadd.s32 $0x142A00, s7;
	s5 =	sor.u32 $0x1C03, s23  }
0xe: {  	s15 =	sshll.u32 s9, $0x4;
	s26 =	sshll.u32 s9, $0xB;
	s23 =	sor.u32 $0x260, s9  }
0xf: {  	s21 =	simm.s32 $0x80;
	s22 =	simm.s32 $0x4;
	s28 =	sand.u32 $0x180, s15  }
0x10: {  	s6 =	sadd.s32 s13, s26;
	s25 =	sadd.s32 $0x604200, s8;
	s8 =	smax.u32 s10, $0x1  }
0x11: {  	s9 =	sshll.u32 s23, $0x4;
	s29 =	sshll.u32 s23, $0xB;
	s19 =	sor.u32 $0x200, s15  }
0x12: {  	s15 =	sor.u32 $0x400, s15;
	s14 =	sshrl.u32 s14, $0x3;
	p0 =	sgt.u32 s23, $0x270  }
0x13: {  	s23 =	simm.s32 $0x2;
	s7 =	sadd.s32 s28, s17;
	s18 =	sand.u32 $0x2780, s9  }
0x14: {  	s9 =	sadd.s32 s13, s29;
	s30 =	sand.u32 $0x380, s19;
	s13 =	sadd.s32 s11, s13  }
0x15: {  	s15 =	sand.u32 $0x580, s15;
	s19 =	simm.s32 $0x1C080;
	s24 =	sadd.s32 s24, s25  }
0x16: {  	s25 =	simm.s32 $0x0;
	s10 =	sadd.s32 s18, s17;
	s17 =	sadd.s32 s30, s12  }
0x17: {  	s13 =	sadd.s32 s31, s13;
	s15 =	sadd.s32 s15, s12;
	s18 =	simm.s32 $0x18000  }
0x18: {  	s11 =	sadd.s32 s16, s17;
	s12 =	sadd.s32 $0x10000, s13;
	s13 =	sadd.s32 s16, s15  }
0x19: {  	s15 =	simm.s32 $0x3;
	s16 =	simm.s32 $0x14000;
	s17 =	simm.s32 $0x1C000  }
.LBB2_1:
0x1a: {  	[spmem:s14], [sflag:s5] =	dma.local [hbm:s4], $0x2800  }
0x1b: {  	_ =	swait.ge [sflag:s15], $0x2800  }
0x1c: {  	[sflag:s15] =	ssyncset.done $0x0  }
0x1d: {  	[sflag:s15] =	ssyncadd.s32 $0xFFFFD800  }
0x1e: {  	[bflag:$0x0] =	sbarrier.arrive $0xFFFF  }
0x1f: {  	[tilespmem:s16], [sflag:$0x1] =	stream.linear.gather [hbm4b:s6+s3], $0x4000, $0x38;
	[tilespmem:$0x1C100] =	vst v63  }
0x20: {  	_ = 	snop  }
0x21: {  	[tilespmem:s17], [sflag:$0x1] =	stream.linear.gather [hbm4b:s7+s3], $0x80, $0x38;
	[tilespmem:$0x1C100] =	vst v63  }
0x22: {  	_ = 	snop  }
0x23: {  	[tilespmem:s18], [sflag:$0x2] =	stream.linear.gather [hbm4b:s12+s3], $0x4000, $0x38;
	[tilespmem:$0x1C100] =	vst v63  }
0x24: {  	s26 =	sadd.s32 $0x0, s11  }
0x25: {  	[tilespmem:s19], [sflag:$0x2] =	stream.linear.gather [hbm4b:s26+s3], $0x80, $0x38;
	[tilespmem:$0x1C100] =	vst v63  }
0x26: {  	_ =	swait.ge [sflag:s20], $0x4000  }
0x27: {  	[sflag:s20] =	ssyncset.done $0x0  }
0x28: {  	[sflag:s20] =	ssyncadd.s32 $0xFFFFC000  }
0x29: {  	_ =	swait.ge [sflag:s20], $0x80  }
0x2a: {  	[sflag:s20] =	ssyncset.done $0x0  }
0x2b: {  	[sflag:s20] =	ssyncadd.s32 $0xFFFFFF80  }
0x2c: {  	[spmem:s2] =	stream.indirect.scatter.add.f32 [tilespmem:s16], [sflag:$0x4], $0x80, s17, s21, $0xb8;
	[tilespmem:$0x1C100] =	vst v63  }
0x2d: {  	_ =	swait.ge [sflag:s22], $0x4000  }
0x2e: {  	[sflag:s22] =	ssyncset.done $0x0  }
0x2f: {  	s30 =	sadd.s32 $0x10000, s12;
	[sflag:s22] =	ssyncadd.s32 $0xFFFFC000  }
0x30: {  	[tilespmem:s16], [sflag:$0x1] =	stream.linear.gather [hbm4b:s30+s3], $0x4000, $0x38;
	[tilespmem:$0x1C100] =	vst v63  }
0x31: {  	s31 =	sadd.s32 $0x0, s13  }
0x32: {  	[tilespmem:s17], [sflag:$0x1] =	stream.linear.gather [hbm4b:s31+s3], $0x80, $0x38;
	[tilespmem:$0x1C100] =	vst v63  }
0x33: {  	_ =	swait.ge [sflag:s23], $0x4000  }
0x34: {  	[sflag:s23] =	ssyncset.done $0x0  }
0x35: {  	[sflag:s23] =	ssyncadd.s32 $0xFFFFC000  }
0x36: {  	_ =	swait.ge [sflag:s23], $0x80  }
0x37: {  	[sflag:s23] =	ssyncset.done $0x0  }
0x38: {  	[sflag:s23] =	ssyncadd.s32 $0xFFFFFF80  }
0x39: {  	[spmem:s2] =	stream.indirect.scatter.add.f32 [tilespmem:s18], [sflag:$0x3], $0x80, s19, s21, $0xb8;
	[tilespmem:$0x1C100] =	vst v63  }
0x3a: {  	_ =	swait.ge [sflag:s15], $0x4000  }
0x3b: {  	s28 =	smov.u32 s12;
	s26 =	simm.s32 $0x400;
	[sflag:s15] =	ssyncset.done $0x0  }
.LBB2_2:
0x3c: {  	p1 =	sne.s32 s26, $0x2000;
	[sflag:s15] =	ssyncadd.s32 $0xFFFFC000;
	s28 =	sadd.s32 $0x20000, s28  }
0x3d: {  	[tilespmem:s18], [sflag:$0x2] =	stream.linear.gather [hbm4b:s28+s3], $0x4000, $0x38;
	[tilespmem:$0x1C100] =	vst v63  }
0x3e: {  	s29 =	sadd.s32 s26, s11;
	s30 =	smov.u32 s26;
	s26 =	sadd.s32 $0x400, s26  }
0x3f: {  	[tilespmem:s19], [sflag:$0x2] =	stream.linear.gather [hbm4b:s29+s3], $0x80, $0x38;
	[tilespmem:$0x1C100] =	vst v63  }
0x40: {  	_ =	swait.ge [sflag:s20], $0x4000  }
0x41: {  	[sflag:s20] =	ssyncset.done $0x0  }
0x42: {  	[sflag:s20] =	ssyncadd.s32 $0xFFFFC000  }
0x43: {  	_ =	swait.ge [sflag:s20], $0x80  }
0x44: {  	[sflag:s20] =	ssyncset.done $0x0  }
0x45: {  	[sflag:s20] =	ssyncadd.s32 $0xFFFFFF80  }
0x46: {  	[spmem:s2] =	stream.indirect.scatter.add.f32 [tilespmem:s16], [sflag:$0x4], $0x80, s17, s21, $0xb8;
	[tilespmem:$0x1C100] =	vst v63  }
0x47: {  	_ =	swait.ge [sflag:s22], $0x4000  }
0x48: {  	[sflag:s22] =	ssyncset.done $0x0  }
0x49: {  	s29 =	sadd.s32 $0x10000, s28;
	[sflag:s22] =	ssyncadd.s32 $0xFFFFC000  }
0x4a: {  	[tilespmem:s16], [sflag:$0x1] =	stream.linear.gather [hbm4b:s29+s3], $0x4000, $0x38;
	[tilespmem:$0x1C100] =	vst v63  }
0x4b: {  	s29 =	sadd.s32 s30, s13  }
0x4c: {  	[tilespmem:s17], [sflag:$0x1] =	stream.linear.gather [hbm4b:s29+s3], $0x80, $0x38;
	[tilespmem:$0x1C100] =	vst v63  }
0x4d: {  	_ =	swait.ge [sflag:s23], $0x4000  }
0x4e: {  	[sflag:s23] =	ssyncset.done $0x0  }
0x4f: {  	[sflag:s23] =	ssyncadd.s32 $0xFFFFC000  }
0x50: {  	_ =	swait.ge [sflag:s23], $0x80  }
.Ltmp0:
0x51: {  	[sflag:s23] =	ssyncset.done $0x0;
	(pc) =	sbr.rel @p1 .LBB2_2-.Ltmp0, $4  }
0x52: {  	[sflag:s23] =	ssyncadd.s32 $0xFFFFFF80  }
0x53: {  	[spmem:s2] =	stream.indirect.scatter.add.f32 [tilespmem:s18], [sflag:$0x3], $0x80, s19, s21, $0xb8;
	[tilespmem:$0x1C100] =	vst v63  }
0x54: {  	_ =	swait.ge [sflag:s15], $0x4000  }
0x55: {  	[sflag:s15] =	ssyncset.done $0x0  }
0x56: {  	[sflag:s15] =	ssyncadd.s32 $0xFFFFC000;
	s26 =	simm.s32 @!p0 $0x0;
	s28 =	simm.s32 @!p0 $0x18000  }
0x57: {  	[tilespmem:s28], [sflag:$0x2] =	stream.linear.gather @!p0 [hbm4b:s9+s26], $0x4000, $0x38;
	[tilespmem:$0x1C100] =	vst v63  }
0x58: {  	s29 =	simm.s32 @!p0 $0x1C080  }
0x59: {  	[tilespmem:s29], [sflag:$0x2] =	stream.linear.gather @!p0 [hbm4b:s10+s26], $0x80, $0x38;
	[tilespmem:$0x1C100] =	vst v63  }
0x5a: {  	_ =	swait.ge [sflag:s20], $0x4000  }
0x5b: {  	[sflag:s20] =	ssyncset.done $0x0  }
0x5c: {  	[sflag:s20] =	ssyncadd.s32 $0xFFFFC000  }
0x5d: {  	_ =	swait.ge [sflag:s20], $0x80  }
0x5e: {  	[sflag:s20] =	ssyncset.done $0x0  }
0x5f: {  	[sflag:s20] =	ssyncadd.s32 $0xFFFFFF80  }
0x60: {  	[spmem:s2] =	stream.indirect.scatter.add.f32 [tilespmem:s16], [sflag:$0x4], $0x80, s17, s21, $0xb8;
	[tilespmem:$0x1C100] =	vst v63  }
0x61: {  	_ =	swait.ge [sflag:s22], $0x4000  }
0x62: {  	[sflag:s22] =	ssyncset.done $0x0  }
0x63: {  	s26 =	simm.s32 @!p0 $0x2;
	[sflag:s22] =	ssyncadd.s32 $0xFFFFC000  }
0x64: {  	_ =	swait.ge @!p0 [sflag:s26], $0x4000  }
0x65: {  	[sflag:s26] =	ssyncset.done @!p0 $0x0  }
0x66: {  	[sflag:s26] =	ssyncadd.s32 @!p0 $0xFFFFC000  }
0x67: {  	_ =	swait.ge @!p0 [sflag:s26], $0x80  }
0x68: {  	[sflag:s26] =	ssyncset.done @!p0 $0x0  }
0x69: {  	[sflag:s26] =	ssyncadd.s32 @!p0 $0xFFFFFF80;
	s26 =	simm.s32 @!p0 $0x80  }
0x6a: {  	[spmem:s2] =	stream.indirect.scatter.add.f32 @!p0 [tilespmem:s28], [sflag:$0x3], $0x80, s29, s26, $0xb8;
	[tilespmem:$0x1C100] =	vst v63  }
0x6b: {  	s26 =	simm.s32 @!p0 $0x3  }
0x6c: {  	_ =	swait.ge @!p0 [sflag:s26], $0x4000  }
0x6d: {  	s25 =	sadd.s32 $0x1, s25;
	[sflag:s26] =	ssyncset.done @!p0 $0x0  }
0x6e: {  	p1 =	sne.s32 s25, s8;
	[sflag:s26] =	ssyncadd.s32 @!p0 $0xFFFFC000  }
.Ltmp1:
0x6f: {  	[bflag:$0x0] =	sbarrier.arrive $0xFFFF;
	(pc) =	sbr.rel @p1 .LBB2_1-.Ltmp1, $4  }
0x70: {  	[hbm:s24], [sflag:s5] =	dma.local [spmem:s14], $0x2800  }
0x71: {  	_ =	swait.ge [sflag:s15], $0x2800  }
0x72: {  	[sflag:s15] =	ssyncset.done $0x0  }
0x73: {  	[sflag:s15] =	ssyncadd.s32 $0xFFFFD800  }
0x74: {  	_ =	sfence.sel $0x180000  }
0x75: {  	[bflag:$0x0] =	sbarrier.arrive $0xFFFF  }
0x76: {  	p0 =	sne.s32 s1, $0x0;
	_ =	strace $0x90000050  }
0x77: {  	s0 =	sadd.s32 @!p0 $0x100000, s0;
	[bflag:$0x2] =	sbarrier.arrive $0xFFFF  }
0x78: {  	[sflag:s0] =	ssyncadd.tile.s32 @!p0 $0x1;
	_ =	shalt  }
.Lfunc_end2:
_tile_overlayer_lowered:
.L_overlay_start_2:
0x79: {  	(tag) =	ssettag $0x2  }
0x7a: {  	s0 =	rddreg [dreg:$0x0];
	s2 =	stileid.u32  }
0x7b: {  	s1 =	rddreg [dreg:$0x1];
	p0 =	sne.s32 s2, $0x0  }
0x7c: {  	s3 =	rddreg [dreg:$0x2];
	[bflag:$0x3] =	sbarrier.arrive $0xFFFF;
	s2 =	simm.s32 @!p0 $0x1C03  }
0x7d: {  	[timem:s3], [sflag:s2] =	dma.local @!p0 [hbm:s0], s1  }
0x7e: {  	s0 =	simm.s32 @!p0 $0x3  }
0x7f: {  	_ =	swait.ge @!p0 [sflag:s0], s1  }
0x80: {  	s1 =	ssub.s32 @!p0 $0x0, s1;
	[sflag:s0] =	ssyncset.done @!p0 $0x0  }
0x81: {  	[sflag:s0] =	ssyncadd.s32 @!p0 s1  }
0x82: {  	[bflag:$0x3] =	sbarrier.arrive $0xFFFF  }
0x83: {  	_ =	shalt  }

// kernel: kernel.14.cloned.1.call-start
scs
__scs_entry_jumppad:
0x0: {  	(pc) =	sbr.rel $0x88, $3  }
0x1: {  	(tag) =	ssettag $0x0;
	lr =	simm.s32 $0x1  }
0x2: {  	[smem:$0x3F95] =	sst lr;
	_ =	strace $0xD0000000  }
0x3: {  	_ = 	snop  }
0x4: {  	_ = 	snop  }
0x5: {  	_ = 	snop  }
0x6: {  	_ = 	snop  }
0x7: {  	_ = 	snop  }
__scs_overlays_trampoline_lowered:
0x8: {  	[smem:$0x3FA4] =	sst s0  }
0x9: {  	[smem:$0x3FA5] =	sst s1  }
0xa: {  	[smem:$0x3FA6] =	sst s2  }
0xb: {  	[smem:$0x3FA7] =	sst s3  }
0xc: {  	[smem:$0x3FA8] =	sst s4  }
0xd: {  	[smem:$0x3FA9] =	sst s5  }
0xe: {  	[smem:$0x3FAA] =	sst s6  }
0xf: {  	[smem:$0x3FAB] =	sst s7  }
0x10: {  	[smem:$0x3FAC] =	sst s8  }
0x11: {  	[smem:$0x3FAD] =	sst s9;
	s0 =	simm.s32 @!p0 $0x0  }
0x12: {  	s1 =	sld [smem:$0x3F93];
	s0 =	simm.s32 @p0 $0x1  }
0x13: {  	[smem:$0x3FAE] =	sst s0;
	s0 =	simm.s32 @!p1 $0x0  }
0x14: {  	s2 =	sld [smem:$0x3F92];
	s0 =	simm.s32 @p1 $0x1  }
0x15: {  	[smem:$0x3FAF] =	sst s0;
	s0 =	simm.s32 @!p2 $0x0  }
0x16: {  	s3 =	sld [smem:$0x3FDB];
	s0 =	simm.s32 @p2 $0x1  }
0x17: {  	s4 =	simm.s32 $0x1BF5;
	[smem:$0x3FB1] =	sst s0  }
0x18: {  	s0 =	sld [smem:$0x3F94];
	_ =	swait.ge [sflag:s4], $0x0  }
0x19: {  	s7 =	sld [smem:$0x3F95]  }
0x1a: {  	s8 =	sadd.s32 $0xFFFFE003, lr  }
0x1b: {  	s9 =	sadd.s32 $0xFFFFFEF7, lr;
	s5 =	simm.s32 $0xFFFFFFFF;
	p2 =	slt.u32 s8, $0xFFFFF086  }
0x1c: {  	p1 =	slt.u32 s9, $0xF7A;
	s5 =	simm.s32 @!p2 $0x0  }
0x1d: {  	s5 =	simm.s32 @p1 $0x1;
	p0 =	seq.s32 s7, s2  }
0x1e: {  	s7 =	smul.u32 @!p0 $0xF7A, s2;
	p2 =	seq.s32 @!p0 s5, $0x0  }
0x1f: {  	s9 =	smul.u32 $0xF7A, s1;
	s8 =	simm.s32 @!p0 $0x1BF5;
	p2 =	por !p2, p0  }
0x20: {  	[sflag:s8] =	ssyncset.s32 @!p0 $0xFFFFF086;
	s6 =	sadd.s32 @!p0 s3, s7;
	s7 =	simm.s32 @!p0 $0x108  }
0x21: {  	s3 =	sadd.s32 s3, s9;
	s6 =	sadd.s32 @!p0 $0x88, s6;
	s7 =	simm.s32 @p2 $0x1082  }
0x22: {  	[simem:s7], [sflag:s8] =	dma.local @!p0 [hbm:s6], $0xF7A  }
0x23: {  	s9 =	sor.u32 $0xD0000000, s2;
	s6 =	simm.s32 $0x108;
	_ =	swait.ge @!p0 [sflag:s8], $0x0  }
0x24: {  	s3 =	sadd.s32 $0x88, s3;
	s6 =	simm.s32 @!p1 $0x1082;
	[sflag:s4] =	ssyncset.s32 $0xFFFFF086  }
0x25: {  	[simem:s6], [sflag:s4] =	dma.local [hbm:s3], $0xF7A  }
0x26: {  	[smem:$0x3F95] =	sst s1;
	(tag) =	ssettag s2;
	_ =	strace s9  }
0x27: {  	s1 =	sld [smem:$0x3FA5]  }
0x28: {  	s2 =	sld [smem:$0x3FA6]  }
0x29: {  	s4 =	sld [smem:$0x3FA8]  }
0x2a: {  	p0 =	seq.s32 s5, $0x0;
	s5 =	sld [smem:$0x3FA9]  }
0x2b: {  	s6 =	sld [smem:$0x3FAA]  }
0x2c: {  	s7 =	sld [smem:$0x3FAB]  }
0x2d: {  	s3 =	simm.s32 $0x108;
	s8 =	sld [smem:$0x3FAC]  }
0x2e: {  	s3 =	simm.s32 @!p0 $0x1082;
	s9 =	sld [smem:$0x3FAD]  }
0x2f: {  	lr =	sadd.s32 s0, s3;
	s0 =	sld [smem:$0x3FA4]  }
0x30: {  	s3 =	sld [smem:$0x3FA7]  }
0x31: {  	[smem:$0x3FB0] =	sst s10  }
0x32: {  	s10 =	sld [smem:$0x3FAE];
	_ =	sdelay $0x3  }
0x33: {  	p0 =	seq.s32 s10, $0x1;
	s10 =	sld [smem:$0x3FB0];
	_ =	sdelay $0x3  }
0x34: {  	[smem:$0x3FB0] =	sst s10  }
0x35: {  	s10 =	sld [smem:$0x3FAF];
	_ =	sdelay $0x3  }
0x36: {  	p1 =	seq.s32 s10, $0x1;
	s10 =	sld [smem:$0x3FB0];
	_ =	sdelay $0x3  }
0x37: {  	[smem:$0x3FB0] =	sst s10  }
0x38: {  	s10 =	sld [smem:$0x3FB1]  }
0x39: {  	_ = 	snop;
	(pc) =	sbr.ind lr, $3  }
0x3a: {  	_ = 	snop  }
0x3b: {  	_ = 	snop  }
0x3c: {  	p2 =	seq.s32 s10, $0x1;
	s10 =	sld [smem:$0x3FB0]  }
0x3d: {  	_ =	shalt  }
0x3e: {  	_ =	shalt  }
0x3f: {  	_ =	shalt  }
0x40: {  	_ =	shalt  }
0x41: {  	_ =	shalt  }
0x42: {  	_ =	shalt  }
0x43: {  	_ =	shalt  }
0x44: {  	_ =	shalt  }
0x45: {  	_ =	shalt  }
0x46: {  	_ =	shalt  }
0x47: {  	_ =	shalt  }
0x48: {  	_ =	shalt  }
0x49: {  	_ =	shalt  }
0x4a: {  	_ =	shalt  }
0x4b: {  	_ =	shalt  }
0x4c: {  	_ =	shalt  }
0x4d: {  	_ =	shalt  }
0x4e: {  	_ =	shalt  }
0x4f: {  	_ =	shalt  }
0x50: {  	_ =	shalt  }
0x51: {  	_ =	shalt  }
0x52: {  	_ =	shalt  }
0x53: {  	_ =	shalt  }
0x54: {  	_ =	shalt  }
0x55: {  	_ =	shalt  }
0x56: {  	_ =	shalt  }
0x57: {  	_ =	shalt  }
0x58: {  	_ =	shalt  }
0x59: {  	_ =	shalt  }
0x5a: {  	_ =	shalt  }
0x5b: {  	_ =	shalt  }
0x5c: {  	_ =	shalt  }
0x5d: {  	_ =	shalt  }
0x5e: {  	_ =	shalt  }
0x5f: {  	_ =	shalt  }
0x60: {  	_ =	shalt  }
0x61: {  	_ =	shalt  }
0x62: {  	_ =	shalt  }
0x63: {  	_ =	shalt  }
0x64: {  	_ =	shalt  }
0x65: {  	_ =	shalt  }
0x66: {  	_ =	shalt  }
0x67: {  	_ =	shalt  }
0x68: {  	_ =	shalt  }
0x69: {  	_ =	shalt  }
0x6a: {  	_ =	shalt  }
0x6b: {  	_ =	shalt  }
0x6c: {  	_ =	shalt  }
0x6d: {  	_ =	shalt  }
0x6e: {  	_ =	shalt  }
0x6f: {  	_ =	shalt  }
0x70: {  	_ =	shalt  }
0x71: {  	_ =	shalt  }
0x72: {  	_ =	shalt  }
0x73: {  	_ =	shalt  }
0x74: {  	_ =	shalt  }
0x75: {  	_ =	shalt  }
0x76: {  	_ =	shalt  }
0x77: {  	_ =	shalt  }
0x78: {  	_ =	shalt  }
0x79: {  	_ =	shalt  }
0x7a: {  	_ =	shalt  }
0x7b: {  	_ =	shalt  }
0x7c: {  	_ =	shalt  }
0x7d: {  	_ =	shalt  }
0x7e: {  	_ =	shalt  }
0x7f: {  	_ =	shalt  }
0x80: {  	_ =	shalt  }
0x81: {  	_ =	shalt  }
0x82: {  	_ =	shalt  }
0x83: {  	_ =	shalt  }
0x84: {  	_ =	shalt  }
0x85: {  	_ =	shalt  }
0x86: {  	_ =	shalt  }
0x87: {  	_ =	shalt  }
.Lfunc_end0:
.L_simem_size_0:
called_computation.1_lowered:
.L_overlay_start_0:
0x88: {  	s2 =	sld [smem:$0x3FD9]  }
0x89: {  	s3 =	sld [smem:$0x3FFE];
	_ =	sdelay $0x1  }
0x8a: {  	s1 =	srdreg.scid  }
0x8b: {  	s0 =	sand.u32 $0x1, s1  }
0x8c: {  	s17 =	sshll.u32 s0, $0xA;
	s2 =	sadd.s32 s3, s2  }
0x8d: {  	s2 =	sadd.s32 s2, s17  }
0x8e: {  	[smem:$0x3FBC] =	sst s2  }
0x8f: {  	_ = 	snop  }
0x90: {  	(tm) =	ssettm $0x1  }
0x91: {  	s18 =	sld [smem:$0x3FFB];
	_ =	sdelay $0x3  }
0x92: {  	_ =	strace s18  }
0x93: {  	s2 =	sld [smem:$0x3FFC];
	_ =	sdelay $0x3  }
0x94: {  	_ =	strace s2  }
0x95: {  	s2 =	sld [smem:$0x3FFD];
	_ =	sdelay $0x3  }
0x96: {  	_ =	strace s2  }
0x97: {  	_ =	strace $0x8FFFFFFF  }
0x98: {  	s19 =	sld [smem:$0x3FDB];
	_ =	sdelay $0x1  }
0x99: {  	s20 =	simm.s32 $_scs_section_size  }
0x9a: {  	s4 =	simm.s32 $_size__tile_overlayer_lowered;
	s5 =	simm.s32 $_tile_overlayer_lowered  }
0x9b: {  	s6 =	simm.s32 $0x1BFF;
	s21 =	sshll.u32 s5, $0x1;
	s3 =	sadd.s32 s20, s19  }
0x9c: {  	s22 =	simm.s32 $0x0;
	s4 =	sshll.u32 s4, $0x1;
	s5 =	sadd.s32 s21, s3  }
0x9d: {  	[timem:s22], [sflag:s6] =	dma.local [hbm:s5], s4  }
0x9e: {  	_ =	swait.ge [sflag:s6], s4  }
0x9f: {  	s4 =	ssub.s32 $0x0, s4;
	[sflag:s6] =	ssyncset.done $0x0  }
0xa0: {  	[sflag:s6] =	ssyncadd.s32 s4;
	_ =	sdelay $0x1  }
0xa1: {  	s23 =	simm.s32 $0x1B8B  }
0xa2: {  	_ =	swait.ge [sflag:s23], $0x1  }
0xa3: {  	[sflag:s23] =	ssyncset.done $0x0  }
0xa4: {  	[sflag:s23] =	ssyncadd.s32 $0xFFFFFFFF  }
0xa5: {  	s4 =	sld [smem:$0x0]  }
0xa6: {  	s5 =	sand.u32 $0xFFFFFFFE, s1  }
0xa7: {  	p0 =	sne.s32 s1, s5  }
0xa8: {  	s5 =	sshll.u32 @p0 s5, $0xE  }
0xa9: {  	s5 =	sadd.s32 @p0 $0x11B8D, s5;
	s6 =	sshll.u32 @p0 s4, $0x11  }
0xaa: {  	s5 =	sor.u32 @p0 s6, s5  }
0xab: {  	[sflag:s5] =	ssyncadd.remote.s32 @p0 $0x1;
	_ =	sdelay $0x1  }
0xac: {  	s5 =	simm.s32 @p0 $0x1B8D  }
0xad: {  	_ =	swait.eq @p0 [sflag:s5], $0x1  }
0xae: {  	[sflag:s5] =	ssyncadd.s32 @p0 $0xFFFFFFFF  }
0xaf: {  	s6 =	sshll.u32 @!p0 s1, $0xE  }
0xb0: {  	s6 =	sor.u32 @!p0 $0x4000, s6;
	s5 =	simm.s32 @!p0 $0x1B8D  }
0xb1: {  	s4 =	sshll.u32 @!p0 s4, $0x11;
	s6 =	sadd.s32 @!p0 $0x11B8D, s6;
	_ =	swait.eq @!p0 [sflag:s5], $0x1  }
0xb2: {  	s4 =	sor.u32 @!p0 s4, s6;
	[sflag:s5] =	ssyncadd.s32 @!p0 $0xFFFFFFFF  }
0xb3: {  	s25 =	simm.s32 $0x1B8E;
	s24 =	sld [smem:$0x3FFE];
	[sflag:s4] =	ssyncadd.remote.s32 @!p0 $0x1  }
0xb4: {  	s26 =	simm.s32 $execute0_lowered;
	[smem:$0x3FD2] =	sst s25  }
0xb5: {  	s5 =	sshll.u32 s26, $0x1;
	_ =	strace $0x8000004C;
	[dreg:$0x1] =	wrdreg $0xFFFFFFFF  }
0xb6: {  	s28 =	simm.s32 $_size_execute0_lowered;
	s3 =	sadd.s32 s3, s5;
	[dreg:$0x0] =	wrdreg $0x0  }
0xb7: {  	s5 =	sshll.u32 s28, $0x1;
	[dreg:$0x2] =	wrdreg s3  }
0xb8: {  	[dreg:$0x3] =	wrdreg s5  }
0xb9: {  	[dreg:$0x4] =	wrdreg $0xC0  }
0xba: {  	_ =	task [dreg:s22], $0x5FFFF  }
0xbb: {  	[dreg:$0x1] =	wrdreg $0xFFFFFFFF  }
0xbc: {  	[dreg:$0x0] =	wrdreg $0x60  }
0xbd: {  	[dreg:$0x2] =	wrdreg s24  }
0xbe: {  	[dreg:$0x3] =	wrdreg $0x0  }
0xbf: {  	[dreg:$0x4] =	wrdreg $0xA  }
0xc0: {  	_ =	task.clear_ibuf [dreg:s22], $0x5FFFF;
	_ =	strace $0x9000004C  }
0xc1: {  	s29 =	simm.s32 $0xA;
	_ =	strace $0x8000004E  }
0xc2: {  	_ =	swait.ge [sflag:s29], $0x1  }
0xc3: {  	[sflag:s29] =	ssyncadd.s32 $0xFFFFFFFF  }
0xc4: {  	_ =	strace $0x9000004E  }
0xc5: {  	_ =	sfence  }
0xc6: {  	s30 =	sld [smem:$0x0];
	_ =	sdelay $0x2  }
0xc7: {  	s31 =	sshll.u32 s1, $0xD;
	s1 =	sshrl.u32 s1, $0x2  }
0xc8: {  	s4 =	sand.u32 $0x4000, s31;
	s1 =	sadd.s32 s1, s30  }
0xc9: {  	s0 =	sor.u32 s4, s0;
	s1 =	sshll.u32 s1, $0x11  }
0xca: {  	s0 =	sor.u32 s1, s0  }
0xcb: {  	s0 =	sadd.s32 $0x8F2B, s0  }
0xcc: {  	[sflag:s0] =	ssyncadd.remote.s32 $0x1  }
0xcd: {  	_ =	sfence.sel $0xFFFF  }
0xce: {  	[dreg:$0x0] =	wrdreg $0xFFFFFFFF;
	(pc) =	sbr.abs _section_cstart, $3  }
0xcf: {  	[dreg:$0x1] =	wrdreg $0xFFFFFFFF  }
0xd0: {  	_ =	task.clear_ibuf [dreg:s22], $0x2FFFF;
	_ =	strace $0x9FFFFFFF  }
0xd1: {  	(tm) =	ssettm $0x7FFFFFFF  }
tec
execute0_lowered:
.L_overlay_start_1:
0x0: {  	(tag) =	ssettag $0x1  }
0x1: {  	s4 =	rddreg [dreg:$0x0]  }
0x2: {  	s2 =	rddreg [dreg:$0x1]  }
0x3: {  	s0 =	rddreg [dreg:$0x2];
	s3 =	simm.s32 $0x0;
	s1 =	stileid.u32  }
0x4: {  	s5 =	srdreg.scid;
	s20 =	simm.s32 $0x1;
	[smem:$0x7FF] =	sst s3  }
0x5: {  	s24 =	smul.u32 $0x2800, s1;
	s11 =	sand.u32 $0x1, s5;
	s12 =	sadd.s32 $0x343200, s4  }
0x6: {  	s13 =	sadd.s32 $0x7A00, s4;
	s6 =	smul.u32 $0x50000, s1;
	s23 =	sshll.u32 s1, $0x6  }
0x7: {  	s25 =	sshll.u32 s1, $0x4;
	s31 =	sshll.u32 s1, $0xB;
	_ =	strace $0x8000004D  }
0x8: {  	s5 =	smul.u32 $0x28000, s11;
	s21 =	ssub.s32 $0x2, s11;
	s9 =	sshll.u32 s11, $0x4  }
0x9: {  	s16 =	sand.u32 $0x70, s25;
	s11 =	sshll.u32 s11, $0xF;
	s7 =	sadd.s32 s24, s4  }
0xa: {  	s22 =	sshrl.u32 s21, $0x1;
	s6 =	sshrl.u32 s6, $0x2;
	s9 =	sor.u32 s1, s9  }
0xb: {  	s17 =	sadd.s32 s13, s16;
	s8 =	sadd.s32 s5, s4;
	s10 =	ssub.s32 s21, s22  }
0xc: {  	s14 =	sadd.s32 s6, s2;
	s4 =	sadd.s32 $0x142A00, s7;
	s5 =	sor.u32 $0x1C03, s23  }
0xd: {  	s15 =	sshll.u32 s9, $0x4;
	s26 =	sshll.u32 s9, $0xB;
	s23 =	sor.u32 $0x260, s9  }
0xe: {  	s21 =	simm.s32 $0x80;
	s22 =	simm.s32 $0x4;
	s28 =	sand.u32 $0x180, s15  }
0xf: {  	s6 =	sadd.s32 s12, s26;
	s25 =	sadd.s32 $0x47BA00, s8;
	s8 =	smax.u32 s10, $0x1  }
0x10: {  	s9 =	sshll.u32 s23, $0x4;
	s29 =	sshll.u32 s23, $0xB;
	s19 =	sor.u32 $0x200, s15  }
0x11: {  	s15 =	sor.u32 $0x400, s15;
	s14 =	sshrl.u32 s14, $0x3;
	p0 =	sgt.u32 s23, $0x270  }
0x12: {  	s23 =	simm.s32 $0x2;
	s7 =	sadd.s32 s28, s17;
	s18 =	sand.u32 $0x2780, s9  }
0x13: {  	s9 =	sadd.s32 s12, s29;
	s30 =	sand.u32 $0x380, s19;
	s12 =	sadd.s32 s11, s12  }
0x14: {  	s15 =	sand.u32 $0x580, s15;
	s19 =	simm.s32 $0x1C080;
	s24 =	sadd.s32 s24, s25  }
0x15: {  	s25 =	simm.s32 $0x0;
	s10 =	sadd.s32 s18, s17;
	s17 =	sadd.s32 s30, s13  }
0x16: {  	s12 =	sadd.s32 s31, s12;
	s13 =	sadd.s32 s15, s13;
	s15 =	simm.s32 $0x3  }
0x17: {  	s18 =	simm.s32 $0x18000;
	s11 =	sadd.s32 s16, s17;
	s12 =	sadd.s32 $0x10000, s12  }
0x18: {  	s13 =	sadd.s32 s16, s13;
	s16 =	simm.s32 $0x14000;
	s17 =	simm.s32 $0x1C000  }
.LBB2_1:
0x19: {  	[spmem:s14], [sflag:s5] =	dma.local [hbm:s4], $0x2800  }
0x1a: {  	_ =	swait.ge [sflag:s15], $0x2800  }
0x1b: {  	[sflag:s15] =	ssyncset.done $0x0  }
0x1c: {  	[sflag:s15] =	ssyncadd.s32 $0xFFFFD800  }
0x1d: {  	[bflag:$0x0] =	sbarrier.arrive $0xFFFF  }
0x1e: {  	[tilespmem:s16], [sflag:$0x1] =	stream.linear.gather [hbm4b:s6+s3], $0x4000, $0x38;
	[tilespmem:$0x1C100] =	vst v63  }
0x1f: {  	_ = 	snop  }
0x20: {  	[tilespmem:s17], [sflag:$0x1] =	stream.linear.gather [hbm4b:s7+s3], $0x80, $0x38;
	[tilespmem:$0x1C100] =	vst v63  }
0x21: {  	_ = 	snop  }
0x22: {  	[tilespmem:s18], [sflag:$0x2] =	stream.linear.gather [hbm4b:s12+s3], $0x4000, $0x38;
	[tilespmem:$0x1C100] =	vst v63  }
0x23: {  	s26 =	sadd.s32 $0x0, s11  }
0x24: {  	[tilespmem:s19], [sflag:$0x2] =	stream.linear.gather [hbm4b:s26+s3], $0x80, $0x38;
	[tilespmem:$0x1C100] =	vst v63  }
0x25: {  	_ =	swait.ge [sflag:s20], $0x4000  }
0x26: {  	[sflag:s20] =	ssyncset.done $0x0  }
0x27: {  	[sflag:s20] =	ssyncadd.s32 $0xFFFFC000  }
0x28: {  	_ =	swait.ge [sflag:s20], $0x80  }
0x29: {  	[sflag:s20] =	ssyncset.done $0x0  }
0x2a: {  	[sflag:s20] =	ssyncadd.s32 $0xFFFFFF80  }
0x2b: {  	[spmem:s2] =	stream.indirect.scatter.add.f32 [tilespmem:s16], [sflag:$0x4], $0x80, s17, s21, $0xb8;
	[tilespmem:$0x1C100] =	vst v63  }
0x2c: {  	_ =	swait.ge [sflag:s22], $0x4000  }
0x2d: {  	[sflag:s22] =	ssyncset.done $0x0  }
0x2e: {  	s30 =	sadd.s32 $0x10000, s12;
	[sflag:s22] =	ssyncadd.s32 $0xFFFFC000  }
0x2f: {  	[tilespmem:s16], [sflag:$0x1] =	stream.linear.gather [hbm4b:s30+s3], $0x4000, $0x38;
	[tilespmem:$0x1C100] =	vst v63  }
0x30: {  	s31 =	sadd.s32 $0x0, s13  }
0x31: {  	[tilespmem:s17], [sflag:$0x1] =	stream.linear.gather [hbm4b:s31+s3], $0x80, $0x38;
	[tilespmem:$0x1C100] =	vst v63  }
0x32: {  	_ =	swait.ge [sflag:s23], $0x4000  }
0x33: {  	[sflag:s23] =	ssyncset.done $0x0  }
0x34: {  	[sflag:s23] =	ssyncadd.s32 $0xFFFFC000  }
0x35: {  	_ =	swait.ge [sflag:s23], $0x80  }
0x36: {  	[sflag:s23] =	ssyncset.done $0x0  }
0x37: {  	[sflag:s23] =	ssyncadd.s32 $0xFFFFFF80  }
0x38: {  	[spmem:s2] =	stream.indirect.scatter.add.f32 [tilespmem:s18], [sflag:$0x3], $0x80, s19, s21, $0xb8;
	[tilespmem:$0x1C100] =	vst v63  }
0x39: {  	_ =	swait.ge [sflag:s15], $0x4000  }
0x3a: {  	s28 =	smov.u32 s12;
	s26 =	simm.s32 $0x400;
	[sflag:s15] =	ssyncset.done $0x0  }
.LBB2_2:
0x3b: {  	p1 =	sne.s32 s26, $0x2000;
	[sflag:s15] =	ssyncadd.s32 $0xFFFFC000;
	s28 =	sadd.s32 $0x20000, s28  }
0x3c: {  	[tilespmem:s18], [sflag:$0x2] =	stream.linear.gather [hbm4b:s28+s3], $0x4000, $0x38;
	[tilespmem:$0x1C100] =	vst v63  }
0x3d: {  	s29 =	sadd.s32 s26, s11;
	s30 =	smov.u32 s26;
	s26 =	sadd.s32 $0x400, s26  }
0x3e: {  	[tilespmem:s19], [sflag:$0x2] =	stream.linear.gather [hbm4b:s29+s3], $0x80, $0x38;
	[tilespmem:$0x1C100] =	vst v63  }
0x3f: {  	_ =	swait.ge [sflag:s20], $0x4000  }
0x40: {  	[sflag:s20] =	ssyncset.done $0x0  }
0x41: {  	[sflag:s20] =	ssyncadd.s32 $0xFFFFC000  }
0x42: {  	_ =	swait.ge [sflag:s20], $0x80  }
0x43: {  	[sflag:s20] =	ssyncset.done $0x0  }
0x44: {  	[sflag:s20] =	ssyncadd.s32 $0xFFFFFF80  }
0x45: {  	[spmem:s2] =	stream.indirect.scatter.add.f32 [tilespmem:s16], [sflag:$0x4], $0x80, s17, s21, $0xb8;
	[tilespmem:$0x1C100] =	vst v63  }
0x46: {  	_ =	swait.ge [sflag:s22], $0x4000  }
0x47: {  	[sflag:s22] =	ssyncset.done $0x0  }
0x48: {  	s29 =	sadd.s32 $0x10000, s28;
	[sflag:s22] =	ssyncadd.s32 $0xFFFFC000  }
0x49: {  	[tilespmem:s16], [sflag:$0x1] =	stream.linear.gather [hbm4b:s29+s3], $0x4000, $0x38;
	[tilespmem:$0x1C100] =	vst v63  }
0x4a: {  	s29 =	sadd.s32 s30, s13  }
0x4b: {  	[tilespmem:s17], [sflag:$0x1] =	stream.linear.gather [hbm4b:s29+s3], $0x80, $0x38;
	[tilespmem:$0x1C100] =	vst v63  }
0x4c: {  	_ =	swait.ge [sflag:s23], $0x4000  }
0x4d: {  	[sflag:s23] =	ssyncset.done $0x0  }
0x4e: {  	[sflag:s23] =	ssyncadd.s32 $0xFFFFC000  }
0x4f: {  	_ =	swait.ge [sflag:s23], $0x80  }
.Ltmp0:
0x50: {  	[sflag:s23] =	ssyncset.done $0x0;
	(pc) =	sbr.rel @p1 .LBB2_2-.Ltmp0, $4  }
0x51: {  	[sflag:s23] =	ssyncadd.s32 $0xFFFFFF80  }
0x52: {  	[spmem:s2] =	stream.indirect.scatter.add.f32 [tilespmem:s18], [sflag:$0x3], $0x80, s19, s21, $0xb8;
	[tilespmem:$0x1C100] =	vst v63  }
0x53: {  	_ =	swait.ge [sflag:s15], $0x4000  }
0x54: {  	[sflag:s15] =	ssyncset.done $0x0  }
0x55: {  	[sflag:s15] =	ssyncadd.s32 $0xFFFFC000;
	s26 =	simm.s32 @!p0 $0x0;
	s28 =	simm.s32 @!p0 $0x18000  }
0x56: {  	[tilespmem:s28], [sflag:$0x2] =	stream.linear.gather @!p0 [hbm4b:s9+s26], $0x4000, $0x38;
	[tilespmem:$0x1C100] =	vst v63  }
0x57: {  	s29 =	simm.s32 @!p0 $0x1C080  }
0x58: {  	[tilespmem:s29], [sflag:$0x2] =	stream.linear.gather @!p0 [hbm4b:s10+s26], $0x80, $0x38;
	[tilespmem:$0x1C100] =	vst v63  }
0x59: {  	_ =	swait.ge [sflag:s20], $0x4000  }
0x5a: {  	[sflag:s20] =	ssyncset.done $0x0  }
0x5b: {  	[sflag:s20] =	ssyncadd.s32 $0xFFFFC000  }
0x5c: {  	_ =	swait.ge [sflag:s20], $0x80  }
0x5d: {  	[sflag:s20] =	ssyncset.done $0x0  }
0x5e: {  	[sflag:s20] =	ssyncadd.s32 $0xFFFFFF80  }
0x5f: {  	[spmem:s2] =	stream.indirect.scatter.add.f32 [tilespmem:s16], [sflag:$0x4], $0x80, s17, s21, $0xb8;
	[tilespmem:$0x1C100] =	vst v63  }
0x60: {  	_ =	swait.ge [sflag:s22], $0x4000  }
0x61: {  	[sflag:s22] =	ssyncset.done $0x0  }
0x62: {  	s26 =	simm.s32 @!p0 $0x2;
	[sflag:s22] =	ssyncadd.s32 $0xFFFFC000  }
0x63: {  	_ =	swait.ge @!p0 [sflag:s26], $0x4000  }
0x64: {  	[sflag:s26] =	ssyncset.done @!p0 $0x0  }
0x65: {  	[sflag:s26] =	ssyncadd.s32 @!p0 $0xFFFFC000  }
0x66: {  	_ =	swait.ge @!p0 [sflag:s26], $0x80  }
0x67: {  	[sflag:s26] =	ssyncset.done @!p0 $0x0  }
0x68: {  	[sflag:s26] =	ssyncadd.s32 @!p0 $0xFFFFFF80;
	s26 =	simm.s32 @!p0 $0x80  }
0x69: {  	[spmem:s2] =	stream.indirect.scatter.add.f32 @!p0 [tilespmem:s28], [sflag:$0x3], $0x80, s29, s26, $0xb8;
	[tilespmem:$0x1C100] =	vst v63  }
0x6a: {  	s26 =	simm.s32 @!p0 $0x3  }
0x6b: {  	_ =	swait.ge @!p0 [sflag:s26], $0x4000  }
0x6c: {  	s25 =	sadd.s32 $0x1, s25;
	[sflag:s26] =	ssyncset.done @!p0 $0x0  }
0x6d: {  	p1 =	sne.s32 s25, s8;
	[sflag:s26] =	ssyncadd.s32 @!p0 $0xFFFFC000  }
.Ltmp1:
0x6e: {  	[bflag:$0x0] =	sbarrier.arrive $0xFFFF;
	(pc) =	sbr.rel @p1 .LBB2_1-.Ltmp1, $4  }
0x6f: {  	[hbm:s24], [sflag:s5] =	dma.local [spmem:s14], $0x2800  }
0x70: {  	_ =	swait.ge [sflag:s15], $0x2800  }
0x71: {  	[sflag:s15] =	ssyncset.done $0x0  }
0x72: {  	[sflag:s15] =	ssyncadd.s32 $0xFFFFD800  }
0x73: {  	_ =	sfence.sel $0x180000  }
0x74: {  	[bflag:$0x0] =	sbarrier.arrive $0xFFFF  }
0x75: {  	p0 =	sne.s32 s1, $0x0;
	_ =	strace $0x9000004D  }
0x76: {  	s0 =	sadd.s32 @!p0 $0x100000, s0;
	[bflag:$0x2] =	sbarrier.arrive $0xFFFF  }
0x77: {  	[sflag:s0] =	ssyncadd.tile.s32 @!p0 $0x1;
	_ =	shalt  }
.Lfunc_end2:
_tile_overlayer_lowered:
.L_overlay_start_2:
0x78: {  	(tag) =	ssettag $0x2  }
0x79: {  	s0 =	rddreg [dreg:$0x0];
	s2 =	stileid.u32  }
0x7a: {  	s1 =	rddreg [dreg:$0x1];
	p0 =	sne.s32 s2, $0x0  }
0x7b: {  	s3 =	rddreg [dreg:$0x2];
	[bflag:$0x3] =	sbarrier.arrive $0xFFFF;
	s2 =	simm.s32 @!p0 $0x1C03  }
0x7c: {  	[timem:s3], [sflag:s2] =	dma.local @!p0 [hbm:s0], s1  }
0x7d: {  	s0 =	simm.s32 @!p0 $0x3  }
0x7e: {  	_ =	swait.ge @!p0 [sflag:s0], s1  }
0x7f: {  	s1 =	ssub.s32 @!p0 $0x0, s1;
	[sflag:s0] =	ssyncset.done @!p0 $0x0  }
0x80: {  	[sflag:s0] =	ssyncadd.s32 @!p0 s1  }
0x81: {  	[bflag:$0x3] =	sbarrier.arrive $0xFFFF  }
0x82: {  	_ =	shalt  }

// kernel: kernel.17.cloned.1.call-start
scs
__scs_entry_jumppad:
0x0: {  	(pc) =	sbr.rel $0x88, $3  }
0x1: {  	(tag) =	ssettag $0x0;
	lr =	simm.s32 $0x1  }
0x2: {  	[smem:$0x3F95] =	sst lr;
	_ =	strace $0xD0000000  }
0x3: {  	_ = 	snop  }
0x4: {  	_ = 	snop  }
0x5: {  	_ = 	snop  }
0x6: {  	_ = 	snop  }
0x7: {  	_ = 	snop  }
__scs_overlays_trampoline_lowered:
0x8: {  	[smem:$0x3FA4] =	sst s0  }
0x9: {  	[smem:$0x3FA5] =	sst s1  }
0xa: {  	[smem:$0x3FA6] =	sst s2  }
0xb: {  	[smem:$0x3FA7] =	sst s3  }
0xc: {  	[smem:$0x3FA8] =	sst s4  }
0xd: {  	[smem:$0x3FA9] =	sst s5  }
0xe: {  	[smem:$0x3FAA] =	sst s6  }
0xf: {  	[smem:$0x3FAB] =	sst s7  }
0x10: {  	[smem:$0x3FAC] =	sst s8  }
0x11: {  	[smem:$0x3FAD] =	sst s9;
	s0 =	simm.s32 @!p0 $0x0  }
0x12: {  	s1 =	sld [smem:$0x3F93];
	s0 =	simm.s32 @p0 $0x1  }
0x13: {  	[smem:$0x3FAE] =	sst s0;
	s0 =	simm.s32 @!p1 $0x0  }
0x14: {  	s2 =	sld [smem:$0x3F92];
	s0 =	simm.s32 @p1 $0x1  }
0x15: {  	[smem:$0x3FAF] =	sst s0;
	s0 =	simm.s32 @!p2 $0x0  }
0x16: {  	s3 =	sld [smem:$0x3FDB];
	s0 =	simm.s32 @p2 $0x1  }
0x17: {  	s4 =	simm.s32 $0x1BF5;
	[smem:$0x3FB1] =	sst s0  }
0x18: {  	s0 =	sld [smem:$0x3F94];
	_ =	swait.ge [sflag:s4], $0x0  }
0x19: {  	s7 =	sld [smem:$0x3F95]  }
0x1a: {  	s8 =	sadd.s32 $0xFFFFE003, lr  }
0x1b: {  	s9 =	sadd.s32 $0xFFFFFEF7, lr;
	s5 =	simm.s32 $0xFFFFFFFF;
	p2 =	slt.u32 s8, $0xFFFFF086  }
0x1c: {  	p1 =	slt.u32 s9, $0xF7A;
	s5 =	simm.s32 @!p2 $0x0  }
0x1d: {  	s5 =	simm.s32 @p1 $0x1;
	p0 =	seq.s32 s7, s2  }
0x1e: {  	s7 =	smul.u32 @!p0 $0xF7A, s2;
	p2 =	seq.s32 @!p0 s5, $0x0  }
0x1f: {  	s9 =	smul.u32 $0xF7A, s1;
	s8 =	simm.s32 @!p0 $0x1BF5;
	p2 =	por !p2, p0  }
0x20: {  	[sflag:s8] =	ssyncset.s32 @!p0 $0xFFFFF086;
	s6 =	sadd.s32 @!p0 s3, s7;
	s7 =	simm.s32 @!p0 $0x108  }
0x21: {  	s3 =	sadd.s32 s3, s9;
	s6 =	sadd.s32 @!p0 $0x88, s6;
	s7 =	simm.s32 @p2 $0x1082  }
0x22: {  	[simem:s7], [sflag:s8] =	dma.local @!p0 [hbm:s6], $0xF7A  }
0x23: {  	s9 =	sor.u32 $0xD0000000, s2;
	s6 =	simm.s32 $0x108;
	_ =	swait.ge @!p0 [sflag:s8], $0x0  }
0x24: {  	s3 =	sadd.s32 $0x88, s3;
	s6 =	simm.s32 @!p1 $0x1082;
	[sflag:s4] =	ssyncset.s32 $0xFFFFF086  }
0x25: {  	[simem:s6], [sflag:s4] =	dma.local [hbm:s3], $0xF7A  }
0x26: {  	[smem:$0x3F95] =	sst s1;
	(tag) =	ssettag s2;
	_ =	strace s9  }
0x27: {  	s1 =	sld [smem:$0x3FA5]  }
0x28: {  	s2 =	sld [smem:$0x3FA6]  }
0x29: {  	s4 =	sld [smem:$0x3FA8]  }
0x2a: {  	p0 =	seq.s32 s5, $0x0;
	s5 =	sld [smem:$0x3FA9]  }
0x2b: {  	s6 =	sld [smem:$0x3FAA]  }
0x2c: {  	s7 =	sld [smem:$0x3FAB]  }
0x2d: {  	s3 =	simm.s32 $0x108;
	s8 =	sld [smem:$0x3FAC]  }
0x2e: {  	s3 =	simm.s32 @!p0 $0x1082;
	s9 =	sld [smem:$0x3FAD]  }
0x2f: {  	lr =	sadd.s32 s0, s3;
	s0 =	sld [smem:$0x3FA4]  }
0x30: {  	s3 =	sld [smem:$0x3FA7]  }
0x31: {  	[smem:$0x3FB0] =	sst s10  }
0x32: {  	s10 =	sld [smem:$0x3FAE];
	_ =	sdelay $0x3  }
0x33: {  	p0 =	seq.s32 s10, $0x1;
	s10 =	sld [smem:$0x3FB0];
	_ =	sdelay $0x3  }
0x34: {  	[smem:$0x3FB0] =	sst s10  }
0x35: {  	s10 =	sld [smem:$0x3FAF];
	_ =	sdelay $0x3  }
0x36: {  	p1 =	seq.s32 s10, $0x1;
	s10 =	sld [smem:$0x3FB0];
	_ =	sdelay $0x3  }
0x37: {  	[smem:$0x3FB0] =	sst s10  }
0x38: {  	s10 =	sld [smem:$0x3FB1]  }
0x39: {  	_ = 	snop;
	(pc) =	sbr.ind lr, $3  }
0x3a: {  	_ = 	snop  }
0x3b: {  	_ = 	snop  }
0x3c: {  	p2 =	seq.s32 s10, $0x1;
	s10 =	sld [smem:$0x3FB0]  }
0x3d: {  	_ =	shalt  }
0x3e: {  	_ =	shalt  }
0x3f: {  	_ =	shalt  }
0x40: {  	_ =	shalt  }
0x41: {  	_ =	shalt  }
0x42: {  	_ =	shalt  }
0x43: {  	_ =	shalt  }
0x44: {  	_ =	shalt  }
0x45: {  	_ =	shalt  }
0x46: {  	_ =	shalt  }
0x47: {  	_ =	shalt  }
0x48: {  	_ =	shalt  }
0x49: {  	_ =	shalt  }
0x4a: {  	_ =	shalt  }
0x4b: {  	_ =	shalt  }
0x4c: {  	_ =	shalt  }
0x4d: {  	_ =	shalt  }
0x4e: {  	_ =	shalt  }
0x4f: {  	_ =	shalt  }
0x50: {  	_ =	shalt  }
0x51: {  	_ =	shalt  }
0x52: {  	_ =	shalt  }
0x53: {  	_ =	shalt  }
0x54: {  	_ =	shalt  }
0x55: {  	_ =	shalt  }
0x56: {  	_ =	shalt  }
0x57: {  	_ =	shalt  }
0x58: {  	_ =	shalt  }
0x59: {  	_ =	shalt  }
0x5a: {  	_ =	shalt  }
0x5b: {  	_ =	shalt  }
0x5c: {  	_ =	shalt  }
0x5d: {  	_ =	shalt  }
0x5e: {  	_ =	shalt  }
0x5f: {  	_ =	shalt  }
0x60: {  	_ =	shalt  }
0x61: {  	_ =	shalt  }
0x62: {  	_ =	shalt  }
0x63: {  	_ =	shalt  }
0x64: {  	_ =	shalt  }
0x65: {  	_ =	shalt  }
0x66: {  	_ =	shalt  }
0x67: {  	_ =	shalt  }
0x68: {  	_ =	shalt  }
0x69: {  	_ =	shalt  }
0x6a: {  	_ =	shalt  }
0x6b: {  	_ =	shalt  }
0x6c: {  	_ =	shalt  }
0x6d: {  	_ =	shalt  }
0x6e: {  	_ =	shalt  }
0x6f: {  	_ =	shalt  }
0x70: {  	_ =	shalt  }
0x71: {  	_ =	shalt  }
0x72: {  	_ =	shalt  }
0x73: {  	_ =	shalt  }
0x74: {  	_ =	shalt  }
0x75: {  	_ =	shalt  }
0x76: {  	_ =	shalt  }
0x77: {  	_ =	shalt  }
0x78: {  	_ =	shalt  }
0x79: {  	_ =	shalt  }
0x7a: {  	_ =	shalt  }
0x7b: {  	_ =	shalt  }
0x7c: {  	_ =	shalt  }
0x7d: {  	_ =	shalt  }
0x7e: {  	_ =	shalt  }
0x7f: {  	_ =	shalt  }
0x80: {  	_ =	shalt  }
0x81: {  	_ =	shalt  }
0x82: {  	_ =	shalt  }
0x83: {  	_ =	shalt  }
0x84: {  	_ =	shalt  }
0x85: {  	_ =	shalt  }
0x86: {  	_ =	shalt  }
0x87: {  	_ =	shalt  }
.Lfunc_end0:
.L_simem_size_0:
called_computation.2_lowered:
.L_overlay_start_0:
0x88: {  	s2 =	sld [smem:$0x3FD9]  }
0x89: {  	s3 =	sld [smem:$0x3FFE];
	_ =	sdelay $0x1  }
0x8a: {  	s1 =	srdreg.scid  }
0x8b: {  	s0 =	sand.u32 $0x1, s1  }
0x8c: {  	s17 =	sshll.u32 s0, $0xA;
	s2 =	sadd.s32 s3, s2  }
0x8d: {  	s2 =	sadd.s32 s2, s17  }
0x8e: {  	[smem:$0x3FBC] =	sst s2  }
0x8f: {  	_ = 	snop  }
0x90: {  	(tm) =	ssettm $0x1  }
0x91: {  	s18 =	sld [smem:$0x3FFB];
	_ =	sdelay $0x3  }
0x92: {  	_ =	strace s18  }
0x93: {  	s2 =	sld [smem:$0x3FFC];
	_ =	sdelay $0x3  }
0x94: {  	_ =	strace s2  }
0x95: {  	s2 =	sld [smem:$0x3FFD];
	_ =	sdelay $0x3  }
0x96: {  	_ =	strace s2  }
0x97: {  	_ =	strace $0x8FFFFFFF  }
0x98: {  	s19 =	sld [smem:$0x3FDB];
	_ =	sdelay $0x1  }
0x99: {  	s20 =	simm.s32 $_scs_section_size  }
0x9a: {  	s4 =	simm.s32 $_size__tile_overlayer_lowered;
	s5 =	simm.s32 $_tile_overlayer_lowered  }
0x9b: {  	s6 =	simm.s32 $0x1BFF;
	s21 =	sshll.u32 s5, $0x1;
	s3 =	sadd.s32 s20, s19  }
0x9c: {  	s22 =	simm.s32 $0x0;
	s4 =	sshll.u32 s4, $0x1;
	s5 =	sadd.s32 s21, s3  }
0x9d: {  	[timem:s22], [sflag:s6] =	dma.local [hbm:s5], s4  }
0x9e: {  	_ =	swait.ge [sflag:s6], s4  }
0x9f: {  	s4 =	ssub.s32 $0x0, s4;
	[sflag:s6] =	ssyncset.done $0x0  }
0xa0: {  	[sflag:s6] =	ssyncadd.s32 s4;
	_ =	sdelay $0x1  }
0xa1: {  	s23 =	simm.s32 $0x1B8B  }
0xa2: {  	_ =	swait.ge [sflag:s23], $0x1  }
0xa3: {  	[sflag:s23] =	ssyncset.done $0x0  }
0xa4: {  	[sflag:s23] =	ssyncadd.s32 $0xFFFFFFFF  }
0xa5: {  	s4 =	sld [smem:$0x0]  }
0xa6: {  	s5 =	sand.u32 $0xFFFFFFFE, s1  }
0xa7: {  	p0 =	sne.s32 s1, s5  }
0xa8: {  	s5 =	sshll.u32 @p0 s5, $0xE  }
0xa9: {  	s5 =	sadd.s32 @p0 $0x11B8D, s5;
	s6 =	sshll.u32 @p0 s4, $0x11  }
0xaa: {  	s5 =	sor.u32 @p0 s6, s5  }
0xab: {  	[sflag:s5] =	ssyncadd.remote.s32 @p0 $0x1;
	_ =	sdelay $0x1  }
0xac: {  	s5 =	simm.s32 @p0 $0x1B8D  }
0xad: {  	_ =	swait.eq @p0 [sflag:s5], $0x1  }
0xae: {  	[sflag:s5] =	ssyncadd.s32 @p0 $0xFFFFFFFF  }
0xaf: {  	s6 =	sshll.u32 @!p0 s1, $0xE  }
0xb0: {  	s6 =	sor.u32 @!p0 $0x4000, s6;
	s5 =	simm.s32 @!p0 $0x1B8D  }
0xb1: {  	s4 =	sshll.u32 @!p0 s4, $0x11;
	s6 =	sadd.s32 @!p0 $0x11B8D, s6;
	_ =	swait.eq @!p0 [sflag:s5], $0x1  }
0xb2: {  	s4 =	sor.u32 @!p0 s4, s6;
	[sflag:s5] =	ssyncadd.s32 @!p0 $0xFFFFFFFF  }
0xb3: {  	s25 =	simm.s32 $0x1B8E;
	s24 =	sld [smem:$0x3FFE];
	[sflag:s4] =	ssyncadd.remote.s32 @!p0 $0x1  }
0xb4: {  	s26 =	simm.s32 $execute0_lowered;
	[smem:$0x3FD2] =	sst s25  }
0xb5: {  	s5 =	sshll.u32 s26, $0x1;
	_ =	strace $0x80000049;
	[dreg:$0x1] =	wrdreg $0xFFFFFFFF  }
0xb6: {  	s28 =	simm.s32 $_size_execute0_lowered;
	s3 =	sadd.s32 s3, s5;
	[dreg:$0x0] =	wrdreg $0x0  }
0xb7: {  	s5 =	sshll.u32 s28, $0x1;
	[dreg:$0x2] =	wrdreg s3  }
0xb8: {  	[dreg:$0x3] =	wrdreg s5  }
0xb9: {  	[dreg:$0x4] =	wrdreg $0xC0  }
0xba: {  	_ =	task [dreg:s22], $0x5FFFF  }
0xbb: {  	[dreg:$0x1] =	wrdreg $0xFFFFFFFF  }
0xbc: {  	[dreg:$0x0] =	wrdreg $0x60  }
0xbd: {  	[dreg:$0x2] =	wrdreg s24  }
0xbe: {  	[dreg:$0x3] =	wrdreg $0x0  }
0xbf: {  	[dreg:$0x4] =	wrdreg $0xB  }
0xc0: {  	_ =	task.clear_ibuf [dreg:s22], $0x5FFFF;
	_ =	strace $0x90000049  }
0xc1: {  	s29 =	simm.s32 $0xB;
	_ =	strace $0x8000004B  }
0xc2: {  	_ =	swait.ge [sflag:s29], $0x1  }
0xc3: {  	[sflag:s29] =	ssyncadd.s32 $0xFFFFFFFF  }
0xc4: {  	_ =	strace $0x9000004B  }
0xc5: {  	_ =	sfence  }
0xc6: {  	s30 =	sld [smem:$0x0];
	_ =	sdelay $0x2  }
0xc7: {  	s31 =	sshll.u32 s1, $0xD;
	s1 =	sshrl.u32 s1, $0x2  }
0xc8: {  	s4 =	sand.u32 $0x4000, s31;
	s1 =	sadd.s32 s1, s30  }
0xc9: {  	s0 =	sor.u32 s4, s0;
	s1 =	sshll.u32 s1, $0x11  }
0xca: {  	s0 =	sor.u32 s1, s0  }
0xcb: {  	s0 =	sadd.s32 $0x8F2B, s0  }
0xcc: {  	[sflag:s0] =	ssyncadd.remote.s32 $0x1  }
0xcd: {  	_ =	sfence.sel $0xFFFF  }
0xce: {  	[dreg:$0x0] =	wrdreg $0xFFFFFFFF;
	(pc) =	sbr.abs _section_cstart, $3  }
0xcf: {  	[dreg:$0x1] =	wrdreg $0xFFFFFFFF  }
0xd0: {  	_ =	task.clear_ibuf [dreg:s22], $0x2FFFF;
	_ =	strace $0x9FFFFFFF  }
0xd1: {  	(tm) =	ssettm $0x7FFFFFFF  }
tec
execute0_lowered:
.L_overlay_start_1:
0x0: {  	(tag) =	ssettag $0x1  }
0x1: {  	s4 =	rddreg [dreg:$0x0]  }
0x2: {  	s2 =	rddreg [dreg:$0x1]  }
0x3: {  	s0 =	rddreg [dreg:$0x2];
	s3 =	simm.s32 $0x0;
	s1 =	stileid.u32  }
0x4: {  	s5 =	srdreg.scid;
	s20 =	simm.s32 $0x1;
	[smem:$0x7FF] =	sst s3  }
0x5: {  	s24 =	smul.u32 $0x2800, s1;
	s11 =	sand.u32 $0x1, s5;
	s12 =	sadd.s32 $0x1BAA00, s4  }
0x6: {  	s13 =	sadd.s32 $0x5200, s4;
	s6 =	smul.u32 $0x50000, s1;
	s23 =	sshll.u32 s1, $0x6  }
0x7: {  	s25 =	sshll.u32 s1, $0x4;
	s31 =	sshll.u32 s1, $0xB;
	_ =	strace $0x8000004A  }
0x8: {  	s5 =	smul.u32 $0x28000, s11;
	s21 =	ssub.s32 $0x2, s11;
	s9 =	sshll.u32 s11, $0x4  }
0x9: {  	s16 =	sand.u32 $0x70, s25;
	s11 =	sshll.u32 s11, $0xF;
	s7 =	sadd.s32 s24, s4  }
0xa: {  	s22 =	sshrl.u32 s21, $0x1;
	s6 =	sshrl.u32 s6, $0x2;
	s9 =	sor.u32 s1, s9  }
0xb: {  	s17 =	sadd.s32 s13, s16;
	s8 =	sadd.s32 s5, s4;
	s10 =	ssub.s32 s21, s22  }
0xc: {  	s14 =	sadd.s32 s6, s2;
	s4 =	sadd.s32 $0x142A00, s7;
	s5 =	sor.u32 $0x1C03, s23  }
0xd: {  	s15 =	sshll.u32 s9, $0x4;
	s26 =	sshll.u32 s9, $0xB;
	s23 =	sor.u32 $0x260, s9  }
0xe: {  	s21 =	simm.s32 $0x80;
	s22 =	simm.s32 $0x4;
	s28 =	sand.u32 $0x180, s15  }
0xf: {  	s6 =	sadd.s32 s12, s26;
	s25 =	sadd.s32 $0x2F3200, s8;
	s8 =	smax.u32 s10, $0x1  }
0x10: {  	s9 =	sshll.u32 s23, $0x4;
	s29 =	sshll.u32 s23, $0xB;
	s19 =	sor.u32 $0x200, s15  }
0x11: {  	s15 =	sor.u32 $0x400, s15;
	s14 =	sshrl.u32 s14, $0x3;
	p0 =	sgt.u32 s23, $0x270  }
0x12: {  	s23 =	simm.s32 $0x2;
	s7 =	sadd.s32 s28, s17;
	s18 =	sand.u32 $0x2780, s9  }
0x13: {  	s9 =	sadd.s32 s12, s29;
	s30 =	sand.u32 $0x380, s19;
	s12 =	sadd.s32 s11, s12  }
0x14: {  	s15 =	sand.u32 $0x580, s15;
	s19 =	simm.s32 $0x1C080;
	s24 =	sadd.s32 s24, s25  }
0x15: {  	s25 =	simm.s32 $0x0;
	s10 =	sadd.s32 s18, s17;
	s17 =	sadd.s32 s30, s13  }
0x16: {  	s12 =	sadd.s32 s31, s12;
	s13 =	sadd.s32 s15, s13;
	s15 =	simm.s32 $0x3  }
0x17: {  	s18 =	simm.s32 $0x18000;
	s11 =	sadd.s32 s16, s17;
	s12 =	sadd.s32 $0x10000, s12  }
0x18: {  	s13 =	sadd.s32 s16, s13;
	s16 =	simm.s32 $0x14000;
	s17 =	simm.s32 $0x1C000  }
.LBB2_1:
0x19: {  	[spmem:s14], [sflag:s5] =	dma.local [hbm:s4], $0x2800  }
0x1a: {  	_ =	swait.ge [sflag:s15], $0x2800  }
0x1b: {  	[sflag:s15] =	ssyncset.done $0x0  }
0x1c: {  	[sflag:s15] =	ssyncadd.s32 $0xFFFFD800  }
0x1d: {  	[bflag:$0x0] =	sbarrier.arrive $0xFFFF  }
0x1e: {  	[tilespmem:s16], [sflag:$0x1] =	stream.linear.gather [hbm4b:s6+s3], $0x4000, $0x38;
	[tilespmem:$0x1C100] =	vst v63  }
0x1f: {  	_ = 	snop  }
0x20: {  	[tilespmem:s17], [sflag:$0x1] =	stream.linear.gather [hbm4b:s7+s3], $0x80, $0x38;
	[tilespmem:$0x1C100] =	vst v63  }
0x21: {  	_ = 	snop  }
0x22: {  	[tilespmem:s18], [sflag:$0x2] =	stream.linear.gather [hbm4b:s12+s3], $0x4000, $0x38;
	[tilespmem:$0x1C100] =	vst v63  }
0x23: {  	s26 =	sadd.s32 $0x0, s11  }
0x24: {  	[tilespmem:s19], [sflag:$0x2] =	stream.linear.gather [hbm4b:s26+s3], $0x80, $0x38;
	[tilespmem:$0x1C100] =	vst v63  }
0x25: {  	_ =	swait.ge [sflag:s20], $0x4000  }
0x26: {  	[sflag:s20] =	ssyncset.done $0x0  }
0x27: {  	[sflag:s20] =	ssyncadd.s32 $0xFFFFC000  }
0x28: {  	_ =	swait.ge [sflag:s20], $0x80  }
0x29: {  	[sflag:s20] =	ssyncset.done $0x0  }
0x2a: {  	[sflag:s20] =	ssyncadd.s32 $0xFFFFFF80  }
0x2b: {  	[spmem:s2] =	stream.indirect.scatter.add.f32 [tilespmem:s16], [sflag:$0x4], $0x80, s17, s21, $0xb8;
	[tilespmem:$0x1C100] =	vst v63  }
0x2c: {  	_ =	swait.ge [sflag:s22], $0x4000  }
0x2d: {  	[sflag:s22] =	ssyncset.done $0x0  }
0x2e: {  	s30 =	sadd.s32 $0x10000, s12;
	[sflag:s22] =	ssyncadd.s32 $0xFFFFC000  }
0x2f: {  	[tilespmem:s16], [sflag:$0x1] =	stream.linear.gather [hbm4b:s30+s3], $0x4000, $0x38;
	[tilespmem:$0x1C100] =	vst v63  }
0x30: {  	s31 =	sadd.s32 $0x0, s13  }
0x31: {  	[tilespmem:s17], [sflag:$0x1] =	stream.linear.gather [hbm4b:s31+s3], $0x80, $0x38;
	[tilespmem:$0x1C100] =	vst v63  }
0x32: {  	_ =	swait.ge [sflag:s23], $0x4000  }
0x33: {  	[sflag:s23] =	ssyncset.done $0x0  }
0x34: {  	[sflag:s23] =	ssyncadd.s32 $0xFFFFC000  }
0x35: {  	_ =	swait.ge [sflag:s23], $0x80  }
0x36: {  	[sflag:s23] =	ssyncset.done $0x0  }
0x37: {  	[sflag:s23] =	ssyncadd.s32 $0xFFFFFF80  }
0x38: {  	[spmem:s2] =	stream.indirect.scatter.add.f32 [tilespmem:s18], [sflag:$0x3], $0x80, s19, s21, $0xb8;
	[tilespmem:$0x1C100] =	vst v63  }
0x39: {  	_ =	swait.ge [sflag:s15], $0x4000  }
0x3a: {  	s28 =	smov.u32 s12;
	s26 =	simm.s32 $0x400;
	[sflag:s15] =	ssyncset.done $0x0  }
.LBB2_2:
0x3b: {  	p1 =	sne.s32 s26, $0x2000;
	[sflag:s15] =	ssyncadd.s32 $0xFFFFC000;
	s28 =	sadd.s32 $0x20000, s28  }
0x3c: {  	[tilespmem:s18], [sflag:$0x2] =	stream.linear.gather [hbm4b:s28+s3], $0x4000, $0x38;
	[tilespmem:$0x1C100] =	vst v63  }
0x3d: {  	s29 =	sadd.s32 s26, s11;
	s30 =	smov.u32 s26;
	s26 =	sadd.s32 $0x400, s26  }
0x3e: {  	[tilespmem:s19], [sflag:$0x2] =	stream.linear.gather [hbm4b:s29+s3], $0x80, $0x38;
	[tilespmem:$0x1C100] =	vst v63  }
0x3f: {  	_ =	swait.ge [sflag:s20], $0x4000  }
0x40: {  	[sflag:s20] =	ssyncset.done $0x0  }
0x41: {  	[sflag:s20] =	ssyncadd.s32 $0xFFFFC000  }
0x42: {  	_ =	swait.ge [sflag:s20], $0x80  }
0x43: {  	[sflag:s20] =	ssyncset.done $0x0  }
0x44: {  	[sflag:s20] =	ssyncadd.s32 $0xFFFFFF80  }
0x45: {  	[spmem:s2] =	stream.indirect.scatter.add.f32 [tilespmem:s16], [sflag:$0x4], $0x80, s17, s21, $0xb8;
	[tilespmem:$0x1C100] =	vst v63  }
0x46: {  	_ =	swait.ge [sflag:s22], $0x4000  }
0x47: {  	[sflag:s22] =	ssyncset.done $0x0  }
0x48: {  	s29 =	sadd.s32 $0x10000, s28;
	[sflag:s22] =	ssyncadd.s32 $0xFFFFC000  }
0x49: {  	[tilespmem:s16], [sflag:$0x1] =	stream.linear.gather [hbm4b:s29+s3], $0x4000, $0x38;
	[tilespmem:$0x1C100] =	vst v63  }
0x4a: {  	s29 =	sadd.s32 s30, s13  }
0x4b: {  	[tilespmem:s17], [sflag:$0x1] =	stream.linear.gather [hbm4b:s29+s3], $0x80, $0x38;
	[tilespmem:$0x1C100] =	vst v63  }
0x4c: {  	_ =	swait.ge [sflag:s23], $0x4000  }
0x4d: {  	[sflag:s23] =	ssyncset.done $0x0  }
0x4e: {  	[sflag:s23] =	ssyncadd.s32 $0xFFFFC000  }
0x4f: {  	_ =	swait.ge [sflag:s23], $0x80  }
.Ltmp0:
0x50: {  	[sflag:s23] =	ssyncset.done $0x0;
	(pc) =	sbr.rel @p1 .LBB2_2-.Ltmp0, $4  }
0x51: {  	[sflag:s23] =	ssyncadd.s32 $0xFFFFFF80  }
0x52: {  	[spmem:s2] =	stream.indirect.scatter.add.f32 [tilespmem:s18], [sflag:$0x3], $0x80, s19, s21, $0xb8;
	[tilespmem:$0x1C100] =	vst v63  }
0x53: {  	_ =	swait.ge [sflag:s15], $0x4000  }
0x54: {  	[sflag:s15] =	ssyncset.done $0x0  }
0x55: {  	[sflag:s15] =	ssyncadd.s32 $0xFFFFC000;
	s26 =	simm.s32 @!p0 $0x0;
	s28 =	simm.s32 @!p0 $0x18000  }
0x56: {  	[tilespmem:s28], [sflag:$0x2] =	stream.linear.gather @!p0 [hbm4b:s9+s26], $0x4000, $0x38;
	[tilespmem:$0x1C100] =	vst v63  }
0x57: {  	s29 =	simm.s32 @!p0 $0x1C080  }
0x58: {  	[tilespmem:s29], [sflag:$0x2] =	stream.linear.gather @!p0 [hbm4b:s10+s26], $0x80, $0x38;
	[tilespmem:$0x1C100] =	vst v63  }
0x59: {  	_ =	swait.ge [sflag:s20], $0x4000  }
0x5a: {  	[sflag:s20] =	ssyncset.done $0x0  }
0x5b: {  	[sflag:s20] =	ssyncadd.s32 $0xFFFFC000  }
0x5c: {  	_ =	swait.ge [sflag:s20], $0x80  }
0x5d: {  	[sflag:s20] =	ssyncset.done $0x0  }
0x5e: {  	[sflag:s20] =	ssyncadd.s32 $0xFFFFFF80  }
0x5f: {  	[spmem:s2] =	stream.indirect.scatter.add.f32 [tilespmem:s16], [sflag:$0x4], $0x80, s17, s21, $0xb8;
	[tilespmem:$0x1C100] =	vst v63  }
0x60: {  	_ =	swait.ge [sflag:s22], $0x4000  }
0x61: {  	[sflag:s22] =	ssyncset.done $0x0  }
0x62: {  	s26 =	simm.s32 @!p0 $0x2;
	[sflag:s22] =	ssyncadd.s32 $0xFFFFC000  }
0x63: {  	_ =	swait.ge @!p0 [sflag:s26], $0x4000  }
0x64: {  	[sflag:s26] =	ssyncset.done @!p0 $0x0  }
0x65: {  	[sflag:s26] =	ssyncadd.s32 @!p0 $0xFFFFC000  }
0x66: {  	_ =	swait.ge @!p0 [sflag:s26], $0x80  }
0x67: {  	[sflag:s26] =	ssyncset.done @!p0 $0x0  }
0x68: {  	[sflag:s26] =	ssyncadd.s32 @!p0 $0xFFFFFF80;
	s26 =	simm.s32 @!p0 $0x80  }
0x69: {  	[spmem:s2] =	stream.indirect.scatter.add.f32 @!p0 [tilespmem:s28], [sflag:$0x3], $0x80, s29, s26, $0xb8;
	[tilespmem:$0x1C100] =	vst v63  }
0x6a: {  	s26 =	simm.s32 @!p0 $0x3  }
0x6b: {  	_ =	swait.ge @!p0 [sflag:s26], $0x4000  }
0x6c: {  	s25 =	sadd.s32 $0x1, s25;
	[sflag:s26] =	ssyncset.done @!p0 $0x0  }
0x6d: {  	p1 =	sne.s32 s25, s8;
	[sflag:s26] =	ssyncadd.s32 @!p0 $0xFFFFC000  }
.Ltmp1:
0x6e: {  	[bflag:$0x0] =	sbarrier.arrive $0xFFFF;
	(pc) =	sbr.rel @p1 .LBB2_1-.Ltmp1, $4  }
0x6f: {  	[hbm:s24], [sflag:s5] =	dma.local [spmem:s14], $0x2800  }
0x70: {  	_ =	swait.ge [sflag:s15], $0x2800  }
0x71: {  	[sflag:s15] =	ssyncset.done $0x0  }
0x72: {  	[sflag:s15] =	ssyncadd.s32 $0xFFFFD800  }
0x73: {  	_ =	sfence.sel $0x180000  }
0x74: {  	[bflag:$0x0] =	sbarrier.arrive $0xFFFF  }
0x75: {  	p0 =	sne.s32 s1, $0x0;
	_ =	strace $0x9000004A  }
0x76: {  	s0 =	sadd.s32 @!p0 $0x100000, s0;
	[bflag:$0x2] =	sbarrier.arrive $0xFFFF  }
0x77: {  	[sflag:s0] =	ssyncadd.tile.s32 @!p0 $0x1;
	_ =	shalt  }
.Lfunc_end2:
_tile_overlayer_lowered:
.L_overlay_start_2:
0x78: {  	(tag) =	ssettag $0x2  }
0x79: {  	s0 =	rddreg [dreg:$0x0];
	s2 =	stileid.u32  }
0x7a: {  	s1 =	rddreg [dreg:$0x1];
	p0 =	sne.s32 s2, $0x0  }
0x7b: {  	s3 =	rddreg [dreg:$0x2];
	[bflag:$0x3] =	sbarrier.arrive $0xFFFF;
	s2 =	simm.s32 @!p0 $0x1C03  }
0x7c: {  	[timem:s3], [sflag:s2] =	dma.local @!p0 [hbm:s0], s1  }
0x7d: {  	s0 =	simm.s32 @!p0 $0x3  }
0x7e: {  	_ =	swait.ge @!p0 [sflag:s0], s1  }
0x7f: {  	s1 =	ssub.s32 @!p0 $0x0, s1;
	[sflag:s0] =	ssyncset.done @!p0 $0x0  }
0x80: {  	[sflag:s0] =	ssyncadd.s32 @!p0 s1  }
0x81: {  	[bflag:$0x3] =	sbarrier.arrive $0xFFFF  }
0x82: {  	_ =	shalt  }

// kernel: kernel.20.cloned.1.call-start
scs
__scs_entry_jumppad:
0x0: {  	(pc) =	sbr.rel $0x88, $3  }
0x1: {  	(tag) =	ssettag $0x0;
	lr =	simm.s32 $0x1  }
0x2: {  	[smem:$0x3F95] =	sst lr;
	_ =	strace $0xD0000000  }
0x3: {  	_ = 	snop  }
0x4: {  	_ = 	snop  }
0x5: {  	_ = 	snop  }
0x6: {  	_ = 	snop  }
0x7: {  	_ = 	snop  }
__scs_overlays_trampoline_lowered:
0x8: {  	[smem:$0x3FA4] =	sst s0  }
0x9: {  	[smem:$0x3FA5] =	sst s1  }
0xa: {  	[smem:$0x3FA6] =	sst s2  }
0xb: {  	[smem:$0x3FA7] =	sst s3  }
0xc: {  	[smem:$0x3FA8] =	sst s4  }
0xd: {  	[smem:$0x3FA9] =	sst s5  }
0xe: {  	[smem:$0x3FAA] =	sst s6  }
0xf: {  	[smem:$0x3FAB] =	sst s7  }
0x10: {  	[smem:$0x3FAC] =	sst s8  }
0x11: {  	[smem:$0x3FAD] =	sst s9;
	s0 =	simm.s32 @!p0 $0x0  }
0x12: {  	s1 =	sld [smem:$0x3F93];
	s0 =	simm.s32 @p0 $0x1  }
0x13: {  	[smem:$0x3FAE] =	sst s0;
	s0 =	simm.s32 @!p1 $0x0  }
0x14: {  	s2 =	sld [smem:$0x3F92];
	s0 =	simm.s32 @p1 $0x1  }
0x15: {  	[smem:$0x3FAF] =	sst s0;
	s0 =	simm.s32 @!p2 $0x0  }
0x16: {  	s3 =	sld [smem:$0x3FDB];
	s0 =	simm.s32 @p2 $0x1  }
0x17: {  	s4 =	simm.s32 $0x1BF5;
	[smem:$0x3FB1] =	sst s0  }
0x18: {  	s0 =	sld [smem:$0x3F94];
	_ =	swait.ge [sflag:s4], $0x0  }
0x19: {  	s7 =	sld [smem:$0x3F95]  }
0x1a: {  	s8 =	sadd.s32 $0xFFFFE003, lr  }
0x1b: {  	s9 =	sadd.s32 $0xFFFFFEF7, lr;
	s5 =	simm.s32 $0xFFFFFFFF;
	p2 =	slt.u32 s8, $0xFFFFF086  }
0x1c: {  	p1 =	slt.u32 s9, $0xF7A;
	s5 =	simm.s32 @!p2 $0x0  }
0x1d: {  	s5 =	simm.s32 @p1 $0x1;
	p0 =	seq.s32 s7, s2  }
0x1e: {  	s7 =	smul.u32 @!p0 $0xF7A, s2;
	p2 =	seq.s32 @!p0 s5, $0x0  }
0x1f: {  	s9 =	smul.u32 $0xF7A, s1;
	s8 =	simm.s32 @!p0 $0x1BF5;
	p2 =	por !p2, p0  }
0x20: {  	[sflag:s8] =	ssyncset.s32 @!p0 $0xFFFFF086;
	s6 =	sadd.s32 @!p0 s3, s7;
	s7 =	simm.s32 @!p0 $0x108  }
0x21: {  	s3 =	sadd.s32 s3, s9;
	s6 =	sadd.s32 @!p0 $0x88, s6;
	s7 =	simm.s32 @p2 $0x1082  }
0x22: {  	[simem:s7], [sflag:s8] =	dma.local @!p0 [hbm:s6], $0xF7A  }
0x23: {  	s9 =	sor.u32 $0xD0000000, s2;
	s6 =	simm.s32 $0x108;
	_ =	swait.ge @!p0 [sflag:s8], $0x0  }
0x24: {  	s3 =	sadd.s32 $0x88, s3;
	s6 =	simm.s32 @!p1 $0x1082;
	[sflag:s4] =	ssyncset.s32 $0xFFFFF086  }
0x25: {  	[simem:s6], [sflag:s4] =	dma.local [hbm:s3], $0xF7A  }
0x26: {  	[smem:$0x3F95] =	sst s1;
	(tag) =	ssettag s2;
	_ =	strace s9  }
0x27: {  	s1 =	sld [smem:$0x3FA5]  }
0x28: {  	s2 =	sld [smem:$0x3FA6]  }
0x29: {  	s4 =	sld [smem:$0x3FA8]  }
0x2a: {  	p0 =	seq.s32 s5, $0x0;
	s5 =	sld [smem:$0x3FA9]  }
0x2b: {  	s6 =	sld [smem:$0x3FAA]  }
0x2c: {  	s7 =	sld [smem:$0x3FAB]  }
0x2d: {  	s3 =	simm.s32 $0x108;
	s8 =	sld [smem:$0x3FAC]  }
0x2e: {  	s3 =	simm.s32 @!p0 $0x1082;
	s9 =	sld [smem:$0x3FAD]  }
0x2f: {  	lr =	sadd.s32 s0, s3;
	s0 =	sld [smem:$0x3FA4]  }
0x30: {  	s3 =	sld [smem:$0x3FA7]  }
0x31: {  	[smem:$0x3FB0] =	sst s10  }
0x32: {  	s10 =	sld [smem:$0x3FAE];
	_ =	sdelay $0x3  }
0x33: {  	p0 =	seq.s32 s10, $0x1;
	s10 =	sld [smem:$0x3FB0];
	_ =	sdelay $0x3  }
0x34: {  	[smem:$0x3FB0] =	sst s10  }
0x35: {  	s10 =	sld [smem:$0x3FAF];
	_ =	sdelay $0x3  }
0x36: {  	p1 =	seq.s32 s10, $0x1;
	s10 =	sld [smem:$0x3FB0];
	_ =	sdelay $0x3  }
0x37: {  	[smem:$0x3FB0] =	sst s10  }
0x38: {  	s10 =	sld [smem:$0x3FB1]  }
0x39: {  	_ = 	snop;
	(pc) =	sbr.ind lr, $3  }
0x3a: {  	_ = 	snop  }
0x3b: {  	_ = 	snop  }
0x3c: {  	p2 =	seq.s32 s10, $0x1;
	s10 =	sld [smem:$0x3FB0]  }
0x3d: {  	_ =	shalt  }
0x3e: {  	_ =	shalt  }
0x3f: {  	_ =	shalt  }
0x40: {  	_ =	shalt  }
0x41: {  	_ =	shalt  }
0x42: {  	_ =	shalt  }
0x43: {  	_ =	shalt  }
0x44: {  	_ =	shalt  }
0x45: {  	_ =	shalt  }
0x46: {  	_ =	shalt  }
0x47: {  	_ =	shalt  }
0x48: {  	_ =	shalt  }
0x49: {  	_ =	shalt  }
0x4a: {  	_ =	shalt  }
0x4b: {  	_ =	shalt  }
0x4c: {  	_ =	shalt  }
0x4d: {  	_ =	shalt  }
0x4e: {  	_ =	shalt  }
0x4f: {  	_ =	shalt  }
0x50: {  	_ =	shalt  }
0x51: {  	_ =	shalt  }
0x52: {  	_ =	shalt  }
0x53: {  	_ =	shalt  }
0x54: {  	_ =	shalt  }
0x55: {  	_ =	shalt  }
0x56: {  	_ =	shalt  }
0x57: {  	_ =	shalt  }
0x58: {  	_ =	shalt  }
0x59: {  	_ =	shalt  }
0x5a: {  	_ =	shalt  }
0x5b: {  	_ =	shalt  }
0x5c: {  	_ =	shalt  }
0x5d: {  	_ =	shalt  }
0x5e: {  	_ =	shalt  }
0x5f: {  	_ =	shalt  }
0x60: {  	_ =	shalt  }
0x61: {  	_ =	shalt  }
0x62: {  	_ =	shalt  }
0x63: {  	_ =	shalt  }
0x64: {  	_ =	shalt  }
0x65: {  	_ =	shalt  }
0x66: {  	_ =	shalt  }
0x67: {  	_ =	shalt  }
0x68: {  	_ =	shalt  }
0x69: {  	_ =	shalt  }
0x6a: {  	_ =	shalt  }
0x6b: {  	_ =	shalt  }
0x6c: {  	_ =	shalt  }
0x6d: {  	_ =	shalt  }
0x6e: {  	_ =	shalt  }
0x6f: {  	_ =	shalt  }
0x70: {  	_ =	shalt  }
0x71: {  	_ =	shalt  }
0x72: {  	_ =	shalt  }
0x73: {  	_ =	shalt  }
0x74: {  	_ =	shalt  }
0x75: {  	_ =	shalt  }
0x76: {  	_ =	shalt  }
0x77: {  	_ =	shalt  }
0x78: {  	_ =	shalt  }
0x79: {  	_ =	shalt  }
0x7a: {  	_ =	shalt  }
0x7b: {  	_ =	shalt  }
0x7c: {  	_ =	shalt  }
0x7d: {  	_ =	shalt  }
0x7e: {  	_ =	shalt  }
0x7f: {  	_ =	shalt  }
0x80: {  	_ =	shalt  }
0x81: {  	_ =	shalt  }
0x82: {  	_ =	shalt  }
0x83: {  	_ =	shalt  }
0x84: {  	_ =	shalt  }
0x85: {  	_ =	shalt  }
0x86: {  	_ =	shalt  }
0x87: {  	_ =	shalt  }
.Lfunc_end0:
.L_simem_size_0:
called_computation.3_lowered:
.L_overlay_start_0:
0x88: {  	s2 =	sld [smem:$0x3FD9]  }
0x89: {  	s3 =	sld [smem:$0x3FFE];
	_ =	sdelay $0x1  }
0x8a: {  	s1 =	srdreg.scid  }
0x8b: {  	s0 =	sand.u32 $0x1, s1  }
0x8c: {  	s16 =	sshll.u32 s0, $0xA;
	s2 =	sadd.s32 s3, s2  }
0x8d: {  	s2 =	sadd.s32 s2, s16  }
0x8e: {  	[smem:$0x3FBC] =	sst s2  }
0x8f: {  	_ = 	snop  }
0x90: {  	(tm) =	ssettm $0x1  }
0x91: {  	s17 =	sld [smem:$0x3FFB];
	_ =	sdelay $0x3  }
0x92: {  	_ =	strace s17  }
0x93: {  	s2 =	sld [smem:$0x3FFC];
	_ =	sdelay $0x3  }
0x94: {  	_ =	strace s2  }
0x95: {  	s2 =	sld [smem:$0x3FFD];
	_ =	sdelay $0x3  }
0x96: {  	_ =	strace s2  }
0x97: {  	_ =	strace $0x8FFFFFFF  }
0x98: {  	s18 =	sld [smem:$0x3FDB];
	_ =	sdelay $0x1  }
0x99: {  	s19 =	simm.s32 $_scs_section_size  }
0x9a: {  	s4 =	simm.s32 $_size__tile_overlayer_lowered;
	s5 =	simm.s32 $_tile_overlayer_lowered  }
0x9b: {  	s22 =	simm.s32 $0x1BFF;
	s21 =	sshll.u32 s5, $0x1;
	s2 =	sadd.s32 s19, s18  }
0x9c: {  	s6 =	simm.s32 $0x0;
	s20 =	sshll.u32 s4, $0x1;
	s4 =	sadd.s32 s21, s2  }
0x9d: {  	[timem:s6], [sflag:s22] =	dma.local [hbm:s4], s20  }
0x9e: {  	_ =	swait.ge [sflag:s22], s20  }
0x9f: {  	s3 =	ssub.s32 $0x0, s20;
	[sflag:s22] =	ssyncset.done $0x0  }
0xa0: {  	[sflag:s22] =	ssyncadd.s32 s3;
	_ =	sdelay $0x1  }
0xa1: {  	s23 =	simm.s32 $0x1B8B  }
0xa2: {  	_ =	swait.ge [sflag:s23], $0x1  }
0xa3: {  	[sflag:s23] =	ssyncset.done $0x0  }
0xa4: {  	s25 =	simm.s32 $0x1B8E;
	s24 =	sld [smem:$0x3FFE];
	[sflag:s23] =	ssyncadd.s32 $0xFFFFFFFF  }
0xa5: {  	s26 =	simm.s32 $execute0_lowered;
	[smem:$0x3FD2] =	sst s25  }
0xa6: {  	s4 =	sshll.u32 s26, $0x1;
	_ =	strace $0x80000046;
	[dreg:$0x1] =	wrdreg $0xFFFFFFFF  }
0xa7: {  	s28 =	simm.s32 $_size_execute0_lowered;
	s2 =	sadd.s32 s2, s4;
	[dreg:$0x0] =	wrdreg $0x0  }
0xa8: {  	s4 =	sshll.u32 s28, $0x1;
	[dreg:$0x2] =	wrdreg s2  }
0xa9: {  	[dreg:$0x3] =	wrdreg s4  }
0xaa: {  	[dreg:$0x4] =	wrdreg $0xC0  }
0xab: {  	_ =	task [dreg:s6], $0x5FFFF  }
0xac: {  	[dreg:$0x1] =	wrdreg $0xFFFFFFFF  }
0xad: {  	[dreg:$0x0] =	wrdreg $0x60  }
0xae: {  	[dreg:$0x2] =	wrdreg s24  }
0xaf: {  	[dreg:$0x3] =	wrdreg $0x0  }
0xb0: {  	[dreg:$0x4] =	wrdreg $0xC  }
0xb1: {  	_ =	task.clear_ibuf [dreg:s6], $0x5FFFF;
	_ =	strace $0x90000046  }
0xb2: {  	s29 =	simm.s32 $0xC;
	_ =	strace $0x80000048  }
0xb3: {  	_ =	swait.ge [sflag:s29], $0x1  }
0xb4: {  	[sflag:s29] =	ssyncadd.s32 $0xFFFFFFFF  }
0xb5: {  	_ =	strace $0x90000048  }
0xb6: {  	_ =	sfence  }
0xb7: {  	s30 =	sld [smem:$0x0];
	_ =	sdelay $0x2  }
0xb8: {  	s31 =	sshll.u32 s1, $0xD;
	s1 =	sshrl.u32 s1, $0x2  }
0xb9: {  	s3 =	sand.u32 $0x4000, s31;
	s1 =	sadd.s32 s1, s30  }
0xba: {  	s0 =	sor.u32 s3, s0;
	s1 =	sshll.u32 s1, $0x11  }
0xbb: {  	s0 =	sor.u32 s1, s0  }
0xbc: {  	s0 =	sadd.s32 $0x8F2B, s0  }
0xbd: {  	[sflag:s0] =	ssyncadd.remote.s32 $0x1  }
0xbe: {  	_ =	sfence.sel $0xFFFF  }
0xbf: {  	[dreg:$0x0] =	wrdreg $0xFFFFFFFF;
	(pc) =	sbr.abs _section_cstart, $3  }
0xc0: {  	[dreg:$0x1] =	wrdreg $0xFFFFFFFF  }
0xc1: {  	_ =	task.clear_ibuf [dreg:s6], $0x2FFFF;
	_ =	strace $0x9FFFFFFF  }
0xc2: {  	(tm) =	ssettm $0x7FFFFFFF  }
0xc3: {  	_ =	shalt  }
tec
execute0_lowered:
.L_overlay_start_1:
0x0: {  	(tag) =	ssettag $0x1  }
0x1: {  	s4 =	rddreg [dreg:$0x0]  }
0x2: {  	s2 =	rddreg [dreg:$0x1]  }
0x3: {  	s0 =	rddreg [dreg:$0x2];
	s3 =	simm.s32 $0x0;
	s1 =	stileid.u32  }
0x4: {  	s5 =	srdreg.scid;
	s20 =	simm.s32 $0x1;
	[smem:$0x7FF] =	sst s3  }
0x5: {  	s24 =	smul.u32 $0x2800, s1;
	s11 =	sand.u32 $0x1, s5;
	s12 =	sadd.s32 $0xA200, s4  }
0x6: {  	s13 =	sadd.s32 $0x2A00, s4;
	s6 =	smul.u32 $0x50000, s1;
	s23 =	sshll.u32 s1, $0x6  }
0x7: {  	s25 =	sshll.u32 s1, $0x4;
	s31 =	sshll.u32 s1, $0xB;
	_ =	strace $0x80000047  }
0x8: {  	s5 =	smul.u32 $0x28000, s11;
	s21 =	ssub.s32 $0x2, s11;
	s9 =	sshll.u32 s11, $0x4  }
0x9: {  	s16 =	sand.u32 $0x70, s25;
	s11 =	sshll.u32 s11, $0xF;
	s7 =	sadd.s32 s24, s4  }
0xa: {  	s22 =	sshrl.u32 s21, $0x1;
	s6 =	sshrl.u32 s6, $0x2;
	s9 =	sor.u32 s1, s9  }
0xb: {  	s17 =	sadd.s32 s13, s16;
	s8 =	sadd.s32 s5, s4;
	s10 =	ssub.s32 s21, s22  }
0xc: {  	s14 =	sadd.s32 s6, s2;
	s4 =	sadd.s32 $0x142A00, s7;
	s5 =	sor.u32 $0x1C03, s23  }
0xd: {  	s15 =	sshll.u32 s9, $0x4;
	s26 =	sshll.u32 s9, $0xB;
	s23 =	sor.u32 $0x260, s9  }
0xe: {  	s21 =	simm.s32 $0x80;
	s22 =	simm.s32 $0x4;
	s28 =	sand.u32 $0x180, s15  }
0xf: {  	s6 =	sadd.s32 s12, s26;
	s25 =	sadd.s32 $0x16AA00, s8;
	s8 =	smax.u32 s10, $0x1  }
0x10: {  	s9 =	sshll.u32 s23, $0x4;
	s29 =	sshll.u32 s23, $0xB;
	s19 =	sor.u32 $0x200, s15  }
0x11: {  	s15 =	sor.u32 $0x400, s15;
	s14 =	sshrl.u32 s14, $0x3;
	p0 =	sgt.u32 s23, $0x270  }
0x12: {  	s23 =	simm.s32 $0x2;
	s7 =	sadd.s32 s28, s17;
	s18 =	sand.u32 $0x2780, s9  }
0x13: {  	s9 =	sadd.s32 s12, s29;
	s30 =	sand.u32 $0x380, s19;
	s12 =	sadd.s32 s11, s12  }
0x14: {  	s15 =	sand.u32 $0x580, s15;
	s19 =	simm.s32 $0x1C080;
	s24 =	sadd.s32 s24, s25  }
0x15: {  	s25 =	simm.s32 $0x0;
	s10 =	sadd.s32 s18, s17;
	s17 =	sadd.s32 s30, s13  }
0x16: {  	s12 =	sadd.s32 s31, s12;
	s13 =	sadd.s32 s15, s13;
	s15 =	simm.s32 $0x3  }
0x17: {  	s18 =	simm.s32 $0x18000;
	s11 =	sadd.s32 s16, s17;
	s12 =	sadd.s32 $0x10000, s12  }
0x18: {  	s13 =	sadd.s32 s16, s13;
	s16 =	simm.s32 $0x14000;
	s17 =	simm.s32 $0x1C000  }
.LBB2_1:
0x19: {  	[spmem:s14], [sflag:s5] =	dma.local [hbm:s4], $0x2800  }
0x1a: {  	_ =	swait.ge [sflag:s15], $0x2800  }
0x1b: {  	[sflag:s15] =	ssyncset.done $0x0  }
0x1c: {  	[sflag:s15] =	ssyncadd.s32 $0xFFFFD800  }
0x1d: {  	[bflag:$0x0] =	sbarrier.arrive $0xFFFF  }
0x1e: {  	[tilespmem:s16], [sflag:$0x1] =	stream.linear.gather [hbm4b:s6+s3], $0x4000, $0x38;
	[tilespmem:$0x1C100] =	vst v63  }
0x1f: {  	_ = 	snop  }
0x20: {  	[tilespmem:s17], [sflag:$0x1] =	stream.linear.gather [hbm4b:s7+s3], $0x80, $0x38;
	[tilespmem:$0x1C100] =	vst v63  }
0x21: {  	_ = 	snop  }
0x22: {  	[tilespmem:s18], [sflag:$0x2] =	stream.linear.gather [hbm4b:s12+s3], $0x4000, $0x38;
	[tilespmem:$0x1C100] =	vst v63  }
0x23: {  	s26 =	sadd.s32 $0x0, s11  }
0x24: {  	[tilespmem:s19], [sflag:$0x2] =	stream.linear.gather [hbm4b:s26+s3], $0x80, $0x38;
	[tilespmem:$0x1C100] =	vst v63  }
0x25: {  	_ =	swait.ge [sflag:s20], $0x4000  }
0x26: {  	[sflag:s20] =	ssyncset.done $0x0  }
0x27: {  	[sflag:s20] =	ssyncadd.s32 $0xFFFFC000  }
0x28: {  	_ =	swait.ge [sflag:s20], $0x80  }
0x29: {  	[sflag:s20] =	ssyncset.done $0x0  }
0x2a: {  	[sflag:s20] =	ssyncadd.s32 $0xFFFFFF80  }
0x2b: {  	[spmem:s2] =	stream.indirect.scatter.add.f32 [tilespmem:s16], [sflag:$0x4], $0x80, s17, s21, $0xb8;
	[tilespmem:$0x1C100] =	vst v63  }
0x2c: {  	_ =	swait.ge [sflag:s22], $0x4000  }
0x2d: {  	[sflag:s22] =	ssyncset.done $0x0  }
0x2e: {  	s30 =	sadd.s32 $0x10000, s12;
	[sflag:s22] =	ssyncadd.s32 $0xFFFFC000  }
0x2f: {  	[tilespmem:s16], [sflag:$0x1] =	stream.linear.gather [hbm4b:s30+s3], $0x4000, $0x38;
	[tilespmem:$0x1C100] =	vst v63  }
0x30: {  	s31 =	sadd.s32 $0x0, s13  }
0x31: {  	[tilespmem:s17], [sflag:$0x1] =	stream.linear.gather [hbm4b:s31+s3], $0x80, $0x38;
	[tilespmem:$0x1C100] =	vst v63  }
0x32: {  	_ =	swait.ge [sflag:s23], $0x4000  }
0x33: {  	[sflag:s23] =	ssyncset.done $0x0  }
0x34: {  	[sflag:s23] =	ssyncadd.s32 $0xFFFFC000  }
0x35: {  	_ =	swait.ge [sflag:s23], $0x80  }
0x36: {  	[sflag:s23] =	ssyncset.done $0x0  }
0x37: {  	[sflag:s23] =	ssyncadd.s32 $0xFFFFFF80  }
0x38: {  	[spmem:s2] =	stream.indirect.scatter.add.f32 [tilespmem:s18], [sflag:$0x3], $0x80, s19, s21, $0xb8;
	[tilespmem:$0x1C100] =	vst v63  }
0x39: {  	_ =	swait.ge [sflag:s15], $0x4000  }
0x3a: {  	s28 =	smov.u32 s12;
	s26 =	simm.s32 $0x400;
	[sflag:s15] =	ssyncset.done $0x0  }
.LBB2_2:
0x3b: {  	p1 =	sne.s32 s26, $0x2000;
	[sflag:s15] =	ssyncadd.s32 $0xFFFFC000;
	s28 =	sadd.s32 $0x20000, s28  }
0x3c: {  	[tilespmem:s18], [sflag:$0x2] =	stream.linear.gather [hbm4b:s28+s3], $0x4000, $0x38;
	[tilespmem:$0x1C100] =	vst v63  }
0x3d: {  	s29 =	sadd.s32 s26, s11;
	s30 =	smov.u32 s26;
	s26 =	sadd.s32 $0x400, s26  }
0x3e: {  	[tilespmem:s19], [sflag:$0x2] =	stream.linear.gather [hbm4b:s29+s3], $0x80, $0x38;
	[tilespmem:$0x1C100] =	vst v63  }
0x3f: {  	_ =	swait.ge [sflag:s20], $0x4000  }
0x40: {  	[sflag:s20] =	ssyncset.done $0x0  }
0x41: {  	[sflag:s20] =	ssyncadd.s32 $0xFFFFC000  }
0x42: {  	_ =	swait.ge [sflag:s20], $0x80  }
0x43: {  	[sflag:s20] =	ssyncset.done $0x0  }
0x44: {  	[sflag:s20] =	ssyncadd.s32 $0xFFFFFF80  }
0x45: {  	[spmem:s2] =	stream.indirect.scatter.add.f32 [tilespmem:s16], [sflag:$0x4], $0x80, s17, s21, $0xb8;
	[tilespmem:$0x1C100] =	vst v63  }
0x46: {  	_ =	swait.ge [sflag:s22], $0x4000  }
0x47: {  	[sflag:s22] =	ssyncset.done $0x0  }
0x48: {  	s29 =	sadd.s32 $0x10000, s28;
	[sflag:s22] =	ssyncadd.s32 $0xFFFFC000  }
0x49: {  	[tilespmem:s16], [sflag:$0x1] =	stream.linear.gather [hbm4b:s29+s3], $0x4000, $0x38;
	[tilespmem:$0x1C100] =	vst v63  }
0x4a: {  	s29 =	sadd.s32 s30, s13  }
0x4b: {  	[tilespmem:s17], [sflag:$0x1] =	stream.linear.gather [hbm4b:s29+s3], $0x80, $0x38;
	[tilespmem:$0x1C100] =	vst v63  }
0x4c: {  	_ =	swait.ge [sflag:s23], $0x4000  }
0x4d: {  	[sflag:s23] =	ssyncset.done $0x0  }
0x4e: {  	[sflag:s23] =	ssyncadd.s32 $0xFFFFC000  }
0x4f: {  	_ =	swait.ge [sflag:s23], $0x80  }
.Ltmp0:
0x50: {  	[sflag:s23] =	ssyncset.done $0x0;
	(pc) =	sbr.rel @p1 .LBB2_2-.Ltmp0, $4  }
0x51: {  	[sflag:s23] =	ssyncadd.s32 $0xFFFFFF80  }
0x52: {  	[spmem:s2] =	stream.indirect.scatter.add.f32 [tilespmem:s18], [sflag:$0x3], $0x80, s19, s21, $0xb8;
	[tilespmem:$0x1C100] =	vst v63  }
0x53: {  	_ =	swait.ge [sflag:s15], $0x4000  }
0x54: {  	[sflag:s15] =	ssyncset.done $0x0  }
0x55: {  	[sflag:s15] =	ssyncadd.s32 $0xFFFFC000;
	s26 =	simm.s32 @!p0 $0x0;
	s28 =	simm.s32 @!p0 $0x18000  }
0x56: {  	[tilespmem:s28], [sflag:$0x2] =	stream.linear.gather @!p0 [hbm4b:s9+s26], $0x4000, $0x38;
	[tilespmem:$0x1C100] =	vst v63  }
0x57: {  	s29 =	simm.s32 @!p0 $0x1C080  }
0x58: {  	[tilespmem:s29], [sflag:$0x2] =	stream.linear.gather @!p0 [hbm4b:s10+s26], $0x80, $0x38;
	[tilespmem:$0x1C100] =	vst v63  }
0x59: {  	_ =	swait.ge [sflag:s20], $0x4000  }
0x5a: {  	[sflag:s20] =	ssyncset.done $0x0  }
0x5b: {  	[sflag:s20] =	ssyncadd.s32 $0xFFFFC000  }
0x5c: {  	_ =	swait.ge [sflag:s20], $0x80  }
0x5d: {  	[sflag:s20] =	ssyncset.done $0x0  }
0x5e: {  	[sflag:s20] =	ssyncadd.s32 $0xFFFFFF80  }
0x5f: {  	[spmem:s2] =	stream.indirect.scatter.add.f32 [tilespmem:s16], [sflag:$0x4], $0x80, s17, s21, $0xb8;
	[tilespmem:$0x1C100] =	vst v63  }
0x60: {  	_ =	swait.ge [sflag:s22], $0x4000  }
0x61: {  	[sflag:s22] =	ssyncset.done $0x0  }
0x62: {  	s26 =	simm.s32 @!p0 $0x2;
	[sflag:s22] =	ssyncadd.s32 $0xFFFFC000  }
0x63: {  	_ =	swait.ge @!p0 [sflag:s26], $0x4000  }
0x64: {  	[sflag:s26] =	ssyncset.done @!p0 $0x0  }
0x65: {  	[sflag:s26] =	ssyncadd.s32 @!p0 $0xFFFFC000  }
0x66: {  	_ =	swait.ge @!p0 [sflag:s26], $0x80  }
0x67: {  	[sflag:s26] =	ssyncset.done @!p0 $0x0  }
0x68: {  	[sflag:s26] =	ssyncadd.s32 @!p0 $0xFFFFFF80;
	s26 =	simm.s32 @!p0 $0x80  }
0x69: {  	[spmem:s2] =	stream.indirect.scatter.add.f32 @!p0 [tilespmem:s28], [sflag:$0x3], $0x80, s29, s26, $0xb8;
	[tilespmem:$0x1C100] =	vst v63  }
0x6a: {  	s26 =	simm.s32 @!p0 $0x3  }
0x6b: {  	_ =	swait.ge @!p0 [sflag:s26], $0x4000  }
0x6c: {  	s25 =	sadd.s32 $0x1, s25;
	[sflag:s26] =	ssyncset.done @!p0 $0x0  }
0x6d: {  	p1 =	sne.s32 s25, s8;
	[sflag:s26] =	ssyncadd.s32 @!p0 $0xFFFFC000  }
.Ltmp1:
0x6e: {  	[bflag:$0x0] =	sbarrier.arrive $0xFFFF;
	(pc) =	sbr.rel @p1 .LBB2_1-.Ltmp1, $4  }
0x6f: {  	[hbm:s24], [sflag:s5] =	dma.local [spmem:s14], $0x2800  }
0x70: {  	_ =	swait.ge [sflag:s15], $0x2800  }
0x71: {  	[sflag:s15] =	ssyncset.done $0x0  }
0x72: {  	[sflag:s15] =	ssyncadd.s32 $0xFFFFD800  }
0x73: {  	_ =	sfence.sel $0x180000  }
0x74: {  	[bflag:$0x0] =	sbarrier.arrive $0xFFFF  }
0x75: {  	p0 =	sne.s32 s1, $0x0;
	_ =	strace $0x90000047  }
0x76: {  	s0 =	sadd.s32 @!p0 $0x100000, s0;
	[bflag:$0x2] =	sbarrier.arrive $0xFFFF  }
0x77: {  	[sflag:s0] =	ssyncadd.tile.s32 @!p0 $0x1;
	_ =	shalt  }
.Lfunc_end2:
_tile_overlayer_lowered:
.L_overlay_start_2:
0x78: {  	(tag) =	ssettag $0x2  }
0x79: {  	s0 =	rddreg [dreg:$0x0];
	s2 =	stileid.u32  }
0x7a: {  	s1 =	rddreg [dreg:$0x1];
	p0 =	sne.s32 s2, $0x0  }
0x7b: {  	s3 =	rddreg [dreg:$0x2];
	[bflag:$0x3] =	sbarrier.arrive $0xFFFF;
	s2 =	simm.s32 @!p0 $0x1C03  }
0x7c: {  	[timem:s3], [sflag:s2] =	dma.local @!p0 [hbm:s0], s1  }
0x7d: {  	s0 =	simm.s32 @!p0 $0x3  }
0x7e: {  	_ =	swait.ge @!p0 [sflag:s0], s1  }
0x7f: {  	s1 =	ssub.s32 @!p0 $0x0, s1;
	[sflag:s0] =	ssyncset.done @!p0 $0x0  }
0x80: {  	[sflag:s0] =	ssyncadd.s32 @!p0 s1  }
0x81: {  	[bflag:$0x3] =	sbarrier.arrive $0xFFFF  }
0x82: {  	_ =	shalt  }

</sc_bundles>
